<compile_context>
chip_gen: v7x
topology: tpu7x:2x2x1
jax: 0.10.2.dev20260603
libtpu: 0.0.44.dev20260713+nightly
codegen_flags: <defaults>
</compile_context>

<pallas_src>
import functools

import jax
import jax.numpy as jnp
from jax import lax
from jax.experimental import pallas as pl
from jax.experimental.pallas import tpu as pltpu
from jax.experimental.pallas import tpu_sc as plsc

N, S, C, D1, D2 = 16384, 4096, 3, 64, 128


_BN = 1024


def _topk_body(x1_ref, x2_ref, w_ref, idx_ref):
    x1 = x1_ref[...]
    x2 = x2_ref[...]
    mm = lax.dot_general(-2.0 * x1, x2, (((0,), (0,)), ((), ())),
                         precision=lax.Precision.DEFAULT,
                         preferred_element_type=jnp.float32)
    rowsq = jnp.sum(x1 * x1, axis=0).reshape(_BN, 1)
    colsq = jnp.sum(x2 * x2, axis=0).reshape(1, S)
    dist = mm + rowsq
    dist = dist + colsq

    _W = 128
    _F = S // _W
    inf = jnp.float32(jnp.inf)
    a = jnp.full((_BN, _W), inf)
    b = a
    c = a
    zero = jnp.zeros((_BN, _W), jnp.int32)
    ia = zero
    ib = zero
    ic = zero
    for j in range(_F):
        v = lax.slice_in_dim(dist, j * _W, (j + 1) * _W, axis=1)
        iv = jnp.full((_BN, _W), j, jnp.int32)
        le = a <= v
        t = jnp.maximum(a, v)
        a = jnp.minimum(a, v)
        it = jnp.where(le, iv, ia)
        ia = jnp.where(le, ia, iv)
        le = b <= t
        u = jnp.maximum(b, t)
        b = jnp.minimum(b, t)
        iu = jnp.where(le, it, ib)
        ib = jnp.where(le, ib, it)
        le = c <= u
        c = jnp.minimum(c, u)
        ic = jnp.where(le, ic, iu)

    lane = lax.broadcasted_iota(jnp.int32, (_BN, _W), 1)
    ca = ia * _W + lane
    cb = ib * _W + lane
    cc = ic * _W + lane
    ds = []
    idxs = []
    for k in range(3):
        m = jnp.min(a, axis=1, keepdims=True)
        eqm = a == m
        col = jnp.min(jnp.where(eqm, ca, S), axis=1, keepdims=True)
        ds.append(m)
        idxs.append(col)
        if k < 2:
            pop = eqm & (ca == col)
            a = jnp.where(pop, b, a)
            ca = jnp.where(pop, cb, ca)
            b = jnp.where(pop, c, b)
            cb = jnp.where(pop, cc, cb)
            c = jnp.where(pop, inf, c)

    r0 = 1.0 / (ds[0] + 1e-8)
    r1 = 1.0 / (ds[1] + 1e-8)
    r2 = 1.0 / (ds[2] + 1e-8)
    norm = r0 + r1 + r2
    w_ref[...] = jnp.concatenate([r0 / norm, r1 / norm, r2 / norm], axis=1)
    idx_ref[...] = jnp.concatenate(
        [i.reshape(1, _BN) for i in idxs], axis=0)


_H = N // 2


def _topk(xyz1, xyz2, half):
    blk0 = half * (_H // _BN)
    return pl.pallas_call(
        _topk_body,
        grid=(_H // _BN,),
        in_specs=[
            pl.BlockSpec((C, _BN), lambda i: (0, i + blk0)),
            pl.BlockSpec((C, S), lambda i: (0, 0)),
        ],
        out_specs=[
            pl.BlockSpec((_BN, 3), lambda i: (i, 0)),
            pl.BlockSpec((3, _BN), lambda i: (0, i)),
        ],
        out_shape=[
            jax.ShapeDtypeStruct((_H, 3), jnp.float32),
            jax.ShapeDtypeStruct((3, _H), jnp.int32),
        ],
    )(xyz1, xyz2)



_NC, _NS = 2, 16
_NW = _NC * _NS
_GCHUNK = 128
_ROWS_PER_W = 3 * _H // _NW
_NCHUNK = _ROWS_PER_W // _GCHUNK


def _gather_body(idx_hbm, tab_hbm, out_hbm,
                 idx0_v, idx1_v, rows0_v, rows1_v, sem0, sem1, osem0, osem1):
    wid = lax.axis_index("s") * _NC + lax.axis_index("c")
    base = wid * _ROWS_PER_W
    idx_v = (idx0_v, idx1_v)
    rows_v = (rows0_v, rows1_v)
    sem = (sem0, sem1)
    osem = (osem0, osem1)
    pltpu.sync_copy(idx_hbm.at[pl.ds(base, _GCHUNK)], idx0_v)
    g = pltpu.async_copy(tab_hbm.at[idx0_v], rows0_v, sem0)
    out_h = [None, None]
    for j in range(_NCHUNK):
        cur = j % 2
        nxt = (j + 1) % 2
        if j + 1 < _NCHUNK:
            off = base + (j + 1) * _GCHUNK
            pltpu.sync_copy(idx_hbm.at[pl.ds(off, _GCHUNK)], idx_v[nxt])
            if out_h[nxt] is not None:
                out_h[nxt].wait()
                out_h[nxt] = None
            g_next = pltpu.async_copy(tab_hbm.at[idx_v[nxt]], rows_v[nxt],
                                      sem[nxt])
        g.wait()
        out_h[cur] = pltpu.async_copy(
            rows_v[cur], out_hbm.at[pl.ds(base + j * _GCHUNK, _GCHUNK)],
            osem[cur])
        if j + 1 < _NCHUNK:
            g = g_next
    for h in out_h:
        if h is not None:
            h.wait()


@functools.cache
def _gather():
    return pl.kernel(
        _gather_body,
        out_type=jax.ShapeDtypeStruct((3 * _H, D2), jnp.float32),
        mesh=plsc.VectorSubcoreMesh(core_axis_name="c", subcore_axis_name="s"),
        scratch_types=[
            pltpu.VMEM((_GCHUNK,), jnp.int32),
            pltpu.VMEM((_GCHUNK,), jnp.int32),
            pltpu.VMEM((_GCHUNK, D2), jnp.float32),
            pltpu.VMEM((_GCHUNK, D2), jnp.float32),
            pltpu.SemaphoreType.DMA,
            pltpu.SemaphoreType.DMA,
            pltpu.SemaphoreType.DMA,
            pltpu.SemaphoreType.DMA,
        ],
    )



_BM = 1024


def _mlp_body(g_ref, w_ref, p1_ref, w0a_ref, w0b_ref, w1_ref, p_ref, out_ref):
    g = g_ref[...]
    w = w_ref[...]
    interp = (w[:, 0:1] * g[0] + w[:, 1:2] * g[1] + w[:, 2:3] * g[2])
    h = lax.dot_general(p1_ref[...], w0a_ref[...], (((0,), (0,)), ((), ())),
                        preferred_element_type=jnp.float32)
    h = h + lax.dot_general(interp, w0b_ref[...], (((1,), (0,)), ((), ())),
                            preferred_element_type=jnp.float32)
    p = p_ref[...]
    h = jnp.maximum(h * p[0:1, :] + p[1:2, :], 0.0)
    o = lax.dot_general(w1_ref[...], h, (((0,), (1,)), ((), ())),
                        preferred_element_type=jnp.float32)
    a1 = p[2, :].reshape(128, 1)
    d1 = p[3, :].reshape(128, 1)
    out_ref[...] = jnp.maximum(o * a1 + d1, 0.0)


def _mlp(g, w, points1, w0a, w0b, w1m, params, half):
    blk0 = half * (_H // _BM)
    return pl.pallas_call(
        _mlp_body,
        grid=(_H // _BM,),
        in_specs=[
            pl.BlockSpec((3, _BM, D2), lambda i: (0, i, 0)),
            pl.BlockSpec((_BM, 3), lambda i: (i, 0)),
            pl.BlockSpec((D1, _BM), lambda i: (0, i + blk0)),
            pl.BlockSpec((D1, 128), lambda i: (0, 0)),
            pl.BlockSpec((D2, 128), lambda i: (0, 0)),
            pl.BlockSpec((128, 128), lambda i: (0, 0)),
            pl.BlockSpec((4, 128), lambda i: (0, 0)),
        ],
        out_specs=pl.BlockSpec((128, _BM), lambda i: (0, i)),
        out_shape=jax.ShapeDtypeStruct((128, _H), jnp.float32),
    )(g, w, points1, w0a, w0b, w1m, params)



def kernel(xyz1, xyz2, points1, points2, W0, b0, scale0, bias0, mean0, var0,
           W1, b1, scale1, bias1, mean1, var1):
    table = points2.T

    eps = 1e-5
    a0 = scale0 / jnp.sqrt(var0 + eps)
    d0 = (b0 - mean0) * a0 + bias0
    a1 = scale1 / jnp.sqrt(var1 + eps)
    d1 = (b1 - mean1) * a1 + bias1
    params = jnp.stack([a0, d0, a1, d1])
    w0a, w0b = W0[:D1], W0[D1:]

    outs = []
    gth = _gather()
    w0, idx0 = _topk(xyz1, xyz2, 0)
    g0 = gth(idx0.reshape(3 * _H), table)
    w1, idx1 = _topk(xyz1, xyz2, 1)
    g1 = gth(idx1.reshape(3 * _H), table)
    o0 = _mlp(g0.reshape(3, _H, D2), w0, points1, w0a, w0b, W1, params, 0)
    o1 = _mlp(g1.reshape(3, _H, D2), w1, points1, w0a, w0b, W1, params, 1)
    return jnp.concatenate([o0, o1], axis=1)

# --- scband reference (transcript-rebuilt; emitter-appended) ---
"""Pipeline reference for scband-point-net-feature-propagation-27504970563939 (READ-ONLY COPY).

The authoritative reference and input builder live on the scoring server;
editing this copy changes nothing except your own understanding.
"""

import jax, jax.numpy as jnp
import numpy as np

N, S, C, D1, D2 = 16384, 4096, 3, 64, 128
MLP = [128, 128]

def setup_inputs(seed: int = 0) -> dict:
    key = jax.random.key(seed)
    ks = jax.random.split(key, 8)
    inp = {
        'xyz1': jax.random.normal(ks[0], (C, N), jnp.float32),
        'xyz2': jax.random.normal(ks[1], (C, S), jnp.float32),
        'points1': jax.random.normal(ks[2], (D1, N), jnp.float32),
        'points2': jax.random.normal(ks[3], (D2, S), jnp.float32),
    }
    in_ch = D1 + D2
    for i, out_ch in enumerate(MLP):
        inp[f'W{i}'] = jax.random.normal(ks[4 + i], (in_ch, out_ch), jnp.float32) * 0.02
        inp[f'b{i}'] = jnp.zeros((out_ch,), jnp.float32)
        inp[f'scale{i}'] = jnp.ones((out_ch,), jnp.float32)
        inp[f'bias{i}'] = jnp.zeros((out_ch,), jnp.float32)
        inp[f'mean{i}'] = jnp.zeros((out_ch,), jnp.float32)
        inp[f'var{i}'] = jnp.ones((out_ch,), jnp.float32)
        in_ch = out_ch
    return inp

def _square_distance(src, dst):
    n, _ = src.shape
    m, _ = dst.shape
    dist = -2.0 * jnp.matmul(src, dst.T)
    dist = dist + jnp.sum(src ** 2, -1).reshape(n, 1)
    dist = dist + jnp.sum(dst ** 2, -1).reshape(1, m)
    return dist

def reference(xyz1, xyz2, points1, points2, W0, b0, scale0, bias0, mean0, var0, W1, b1, scale1, bias1, mean1, var1):
    x1 = xyz1.T  # [N, C]
    x2 = xyz2.T  # [S, C]
    p2 = points2.T  # [S, D2]
    n = x1.shape[0]
    dists = _square_distance(x1, x2)  # [N, S]
    new_dists = jnp.sort(dists, axis=-1)
    idx = jnp.argsort(dists, axis=-1)
    d3 = new_dists[:, :3]
    idx3 = idx[:, :3]
    dist_recip = 1.0 / (d3 + 1e-08)
    norm = jnp.sum(dist_recip, axis=1, keepdims=True)
    weight = dist_recip / norm
    gathered = p2[idx3, :]  # [N, 3, D2]
    interpolated = jnp.sum(gathered * weight.reshape(n, 3, 1), axis=1)  # [N, D2]
    new_points = jnp.concatenate([points1.T, interpolated], axis=-1)  # [N, D1+D2]
    eps = 1e-05
    for (W, b, sc, bi, mu, vr) in ((W0, b0, scale0, bias0, mean0, var0), (W1, b1, scale1, bias1, mean1, var1)):
        new_points = new_points @ W + b  # 1x1 conv == matmul
        new_points = (new_points - mu) / jnp.sqrt(vr + eps) * sc + bi  # BatchNorm inference
        new_points = jax.nn.relu(new_points)
    return new_points.T  # [D'', N]

if __name__ == "__main__":
    import jax
    _d = setup_inputs()
    print(jax.jit(kernel)(*tuple(_d.values())))

</pallas_src>

<mosaic_0001>
#map = affine_map<(d0, d1) -> (0)>
#map1 = affine_map<(d0, d1) -> (0, 0)>
module attributes {stable_mosaic.version = 14 : i64} {
  func.func @_gather_body(%arg0: i32, %arg1: i32, %arg2: memref<24576xi32, #tpu.memory_space<hbm>>, %arg3: memref<4096x128xf32, #tpu.memory_space<hbm>>, %arg4: memref<24576x128xf32, #tpu.memory_space<hbm>>, %arg5: memref<128xi32, #tpu.memory_space<vmem>>, %arg6: memref<128xi32, #tpu.memory_space<vmem>>, %arg7: memref<128x128xf32, #tpu.memory_space<vmem>>, %arg8: memref<128x128xf32, #tpu.memory_space<vmem>>, %arg9: memref<!tpu.dma_semaphore, #tpu.memory_space<semaphore_mem>>, %arg10: memref<!tpu.dma_semaphore, #tpu.memory_space<semaphore_mem>>, %arg11: memref<!tpu.dma_semaphore, #tpu.memory_space<semaphore_mem>>, %arg12: memref<!tpu.dma_semaphore, #tpu.memory_space<semaphore_mem>>) attributes {dimension_semantics = [#tpu.dimension_semantics<core_parallel>, #tpu.dimension_semantics<subcore_parallel>], iteration_bounds = array<i64: 2, 16>, scalar_prefetch = 0 : i64, scratch_operands = 8 : i64, tpu.core_type = #tpu.core_type<sc_vector_subcore>, window_params = [{transform_indices = #map}, {transform_indices = #map1}, {transform_indices = #map1}]} {
    %mul3A = arith.constant 2 : i32
    %mul3A_0 = arith.muli %arg1, %mul3A : i32
    %add3A = arith.addi %mul3A_0, %arg0 : i32
    %mul3A_1 = arith.constant 768 : i32
    %mul3A_2 = arith.muli %add3A, %mul3A_1 : i32
    "tpu.region"() ({
      %run_scoped3A = tpu.sem_alloc : memref<!tpu.dma_semaphore, #tpu.memory_space<semaphore_mem>>
      %dma_start3A_107 = tpu.memref_slice %arg2[%mul3A_2] : memref<24576xi32, #tpu.memory_space<hbm>> -> memref<128xi32, #tpu.memory_space<hbm>>
      %dma_start3A_108 = tpu.memref_slice %arg2[%mul3A_2] : memref<24576xi32, #tpu.memory_space<hbm>> -> memref<128xi32, #tpu.memory_space<hbm>>
      tpu.enqueue_dma source(%dma_start3A_108 : memref<128xi32, #tpu.memory_space<hbm>>) target(%arg5 : memref<128xi32, #tpu.memory_space<vmem>>) target_semaphore(%run_scoped3A : memref<!tpu.dma_semaphore, #tpu.memory_space<semaphore_mem>>)
      %dma_wait3A_109 = tpu.memref_slice %arg2[%mul3A_2] : memref<24576xi32, #tpu.memory_space<hbm>> -> memref<128xi32, #tpu.memory_space<hbm>>
      %dma_wait3A_110 = tpu.memref_slice %arg2[%mul3A_2] : memref<24576xi32, #tpu.memory_space<hbm>> -> memref<128xi32, #tpu.memory_space<hbm>>
      tpu.wait_dma2 semaphore(%run_scoped3A : memref<!tpu.dma_semaphore, #tpu.memory_space<semaphore_mem>>) src(%dma_wait3A_110 : memref<128xi32, #tpu.memory_space<hbm>>) dst(%arg5 : memref<128xi32, #tpu.memory_space<vmem>>)
      tpu.yield
    }) : () -> ()
    %dma_start3A = arith.constant 0 : i32
    %dma_start3A_3 = arith.constant 0 : i32
    %dma_start3A_4 = tpu.memref_slice %arg3[%dma_start3A, %dma_start3A_3] : memref<4096x128xf32, #tpu.memory_space<hbm>> -> memref<4096x128xf32, #tpu.memory_space<hbm>>
    tpu.enqueue_indirect_dma source(%dma_start3A_4 : memref<4096x128xf32, #tpu.memory_space<hbm>>) target(%arg7 : memref<128x128xf32, #tpu.memory_space<vmem>>) offsets(%arg5 : memref<128xi32, #tpu.memory_space<vmem>>) semaphore(%arg9 : memref<!tpu.dma_semaphore, #tpu.memory_space<semaphore_mem>>)
    %add3A_5 = arith.constant 128 : i32
    %add3A_6 = arith.addi %mul3A_2, %add3A_5 : i32
    "tpu.region"() ({
      %run_scoped3A = tpu.sem_alloc : memref<!tpu.dma_semaphore, #tpu.memory_space<semaphore_mem>>
      %dma_start3A_107 = tpu.memref_slice %arg2[%add3A_6] : memref<24576xi32, #tpu.memory_space<hbm>> -> memref<128xi32, #tpu.memory_space<hbm>>
      %dma_start3A_108 = tpu.memref_slice %arg2[%add3A_6] : memref<24576xi32, #tpu.memory_space<hbm>> -> memref<128xi32, #tpu.memory_space<hbm>>
      tpu.enqueue_dma source(%dma_start3A_108 : memref<128xi32, #tpu.memory_space<hbm>>) target(%arg6 : memref<128xi32, #tpu.memory_space<vmem>>) target_semaphore(%run_scoped3A : memref<!tpu.dma_semaphore, #tpu.memory_space<semaphore_mem>>)
      %dma_wait3A_109 = tpu.memref_slice %arg2[%add3A_6] : memref<24576xi32, #tpu.memory_space<hbm>> -> memref<128xi32, #tpu.memory_space<hbm>>
      %dma_wait3A_110 = tpu.memref_slice %arg2[%add3A_6] : memref<24576xi32, #tpu.memory_space<hbm>> -> memref<128xi32, #tpu.memory_space<hbm>>
      tpu.wait_dma2 semaphore(%run_scoped3A : memref<!tpu.dma_semaphore, #tpu.memory_space<semaphore_mem>>) src(%dma_wait3A_110 : memref<128xi32, #tpu.memory_space<hbm>>) dst(%arg6 : memref<128xi32, #tpu.memory_space<vmem>>)
      tpu.yield
    }) : () -> ()
    %dma_start3A_7 = arith.constant 0 : i32
    %dma_start3A_8 = arith.constant 0 : i32
    %dma_start3A_9 = tpu.memref_slice %arg3[%dma_start3A_7, %dma_start3A_8] : memref<4096x128xf32, #tpu.memory_space<hbm>> -> memref<4096x128xf32, #tpu.memory_space<hbm>>
    tpu.enqueue_indirect_dma source(%dma_start3A_9 : memref<4096x128xf32, #tpu.memory_space<hbm>>) target(%arg8 : memref<128x128xf32, #tpu.memory_space<vmem>>) offsets(%arg6 : memref<128xi32, #tpu.memory_space<vmem>>) semaphore(%arg10 : memref<!tpu.dma_semaphore, #tpu.memory_space<semaphore_mem>>)
    %dma_wait3A = arith.constant 0 : i32
    %dma_wait3A_10 = arith.constant 0 : i32
    %dma_wait3A_11 = tpu.memref_slice %arg3[%dma_wait3A, %dma_wait3A_10] : memref<4096x128xf32, #tpu.memory_space<hbm>> -> memref<4096x128xf32, #tpu.memory_space<hbm>>
    tpu.wait_indirect_dma semaphore(%arg9 : memref<!tpu.dma_semaphore, #tpu.memory_space<semaphore_mem>>) src(%dma_wait3A_11 : memref<4096x128xf32, #tpu.memory_space<hbm>>) dst(%arg7 : memref<128x128xf32, #tpu.memory_space<vmem>>)
    %add3A_12 = arith.constant 0 : i32
    %add3A_13 = arith.addi %mul3A_2, %add3A_12 : i32
    %dma_start3A_14 = arith.constant 0 : i32
    %dma_start3A_15 = tpu.memref_slice %arg4[%add3A_13, %dma_start3A_14] : memref<24576x128xf32, #tpu.memory_space<hbm>> -> memref<128x128xf32, #tpu.memory_space<hbm>>
    %dma_start3A_16 = arith.constant 0 : i32
    %dma_start3A_17 = tpu.memref_slice %arg4[%add3A_13, %dma_start3A_16] : memref<24576x128xf32, #tpu.memory_space<hbm>> -> memref<128x128xf32, #tpu.memory_space<hbm>>
    tpu.enqueue_dma source(%arg7 : memref<128x128xf32, #tpu.memory_space<vmem>>) target(%dma_start3A_17 : memref<128x128xf32, #tpu.memory_space<hbm>>) target_semaphore(%arg11 : memref<!tpu.dma_semaphore, #tpu.memory_space<semaphore_mem>>)
    %add3A_18 = arith.constant 256 : i32
    %add3A_19 = arith.addi %mul3A_2, %add3A_18 : i32
    "tpu.region"() ({
      %run_scoped3A = tpu.sem_alloc : memref<!tpu.dma_semaphore, #tpu.memory_space<semaphore_mem>>
      %dma_start3A_107 = tpu.memref_slice %arg2[%add3A_19] : memref<24576xi32, #tpu.memory_space<hbm>> -> memref<128xi32, #tpu.memory_space<hbm>>
      %dma_start3A_108 = tpu.memref_slice %arg2[%add3A_19] : memref<24576xi32, #tpu.memory_space<hbm>> -> memref<128xi32, #tpu.memory_space<hbm>>
      tpu.enqueue_dma source(%dma_start3A_108 : memref<128xi32, #tpu.memory_space<hbm>>) target(%arg5 : memref<128xi32, #tpu.memory_space<vmem>>) target_semaphore(%run_scoped3A : memref<!tpu.dma_semaphore, #tpu.memory_space<semaphore_mem>>)
      %dma_wait3A_109 = tpu.memref_slice %arg2[%add3A_19] : memref<24576xi32, #tpu.memory_space<hbm>> -> memref<128xi32, #tpu.memory_space<hbm>>
      %dma_wait3A_110 = tpu.memref_slice %arg2[%add3A_19] : memref<24576xi32, #tpu.memory_space<hbm>> -> memref<128xi32, #tpu.memory_space<hbm>>
      tpu.wait_dma2 semaphore(%run_scoped3A : memref<!tpu.dma_semaphore, #tpu.memory_space<semaphore_mem>>) src(%dma_wait3A_110 : memref<128xi32, #tpu.memory_space<hbm>>) dst(%arg5 : memref<128xi32, #tpu.memory_space<vmem>>)
      tpu.yield
    }) : () -> ()
    %dma_wait3A_20 = arith.constant 0 : i32
    %dma_wait3A_21 = tpu.memref_slice %arg4[%add3A_13, %dma_wait3A_20] : memref<24576x128xf32, #tpu.memory_space<hbm>> -> memref<128x128xf32, #tpu.memory_space<hbm>>
    %dma_wait3A_22 = arith.constant 0 : i32
    %dma_wait3A_23 = tpu.memref_slice %arg4[%add3A_13, %dma_wait3A_22] : memref<24576x128xf32, #tpu.memory_space<hbm>> -> memref<128x128xf32, #tpu.memory_space<hbm>>
    tpu.wait_dma2 semaphore(%arg11 : memref<!tpu.dma_semaphore, #tpu.memory_space<semaphore_mem>>) src(%arg7 : memref<128x128xf32, #tpu.memory_space<vmem>>) dst(%dma_wait3A_23 : memref<128x128xf32, #tpu.memory_space<hbm>>)
    %dma_start3A_24 = arith.constant 0 : i32
    %dma_start3A_25 = arith.constant 0 : i32
    %dma_start3A_26 = tpu.memref_slice %arg3[%dma_start3A_24, %dma_start3A_25] : memref<4096x128xf32, #tpu.memory_space<hbm>> -> memref<4096x128xf32, #tpu.memory_space<hbm>>
    tpu.enqueue_indirect_dma source(%dma_start3A_26 : memref<4096x128xf32, #tpu.memory_space<hbm>>) target(%arg7 : memref<128x128xf32, #tpu.memory_space<vmem>>) offsets(%arg5 : memref<128xi32, #tpu.memory_space<vmem>>) semaphore(%arg9 : memref<!tpu.dma_semaphore, #tpu.memory_space<semaphore_mem>>)
    %dma_wait3A_27 = arith.constant 0 : i32
    %dma_wait3A_28 = arith.constant 0 : i32
    %dma_wait3A_29 = tpu.memref_slice %arg3[%dma_wait3A_27, %dma_wait3A_28] : memref<4096x128xf32, #tpu.memory_space<hbm>> -> memref<4096x128xf32, #tpu.memory_space<hbm>>
    tpu.wait_indirect_dma semaphore(%arg10 : memref<!tpu.dma_semaphore, #tpu.memory_space<semaphore_mem>>) src(%dma_wait3A_29 : memref<4096x128xf32, #tpu.memory_space<hbm>>) dst(%arg8 : memref<128x128xf32, #tpu.memory_space<vmem>>)
    %add3A_30 = arith.constant 128 : i32
    %add3A_31 = arith.addi %mul3A_2, %add3A_30 : i32
    %dma_start3A_32 = arith.constant 0 : i32
    %dma_start3A_33 = tpu.memref_slice %arg4[%add3A_31, %dma_start3A_32] : memref<24576x128xf32, #tpu.memory_space<hbm>> -> memref<128x128xf32, #tpu.memory_space<hbm>>
    %dma_start3A_34 = arith.constant 0 : i32
    %dma_start3A_35 = tpu.memref_slice %arg4[%add3A_31, %dma_start3A_34] : memref<24576x128xf32, #tpu.memory_space<hbm>> -> memref<128x128xf32, #tpu.memory_space<hbm>>
    tpu.enqueue_dma source(%arg8 : memref<128x128xf32, #tpu.memory_space<vmem>>) target(%dma_start3A_35 : memref<128x128xf32, #tpu.memory_space<hbm>>) target_semaphore(%arg12 : memref<!tpu.dma_semaphore, #tpu.memory_space<semaphore_mem>>)
    %add3A_36 = arith.constant 384 : i32
    %add3A_37 = arith.addi %mul3A_2, %add3A_36 : i32
    "tpu.region"() ({
      %run_scoped3A = tpu.sem_alloc : memref<!tpu.dma_semaphore, #tpu.memory_space<semaphore_mem>>
      %dma_start3A_107 = tpu.memref_slice %arg2[%add3A_37] : memref<24576xi32, #tpu.memory_space<hbm>> -> memref<128xi32, #tpu.memory_space<hbm>>
      %dma_start3A_108 = tpu.memref_slice %arg2[%add3A_37] : memref<24576xi32, #tpu.memory_space<hbm>> -> memref<128xi32, #tpu.memory_space<hbm>>
      tpu.enqueue_dma source(%dma_start3A_108 : memref<128xi32, #tpu.memory_space<hbm>>) target(%arg6 : memref<128xi32, #tpu.memory_space<vmem>>) target_semaphore(%run_scoped3A : memref<!tpu.dma_semaphore, #tpu.memory_space<semaphore_mem>>)
      %dma_wait3A_109 = tpu.memref_slice %arg2[%add3A_37] : memref<24576xi32, #tpu.memory_space<hbm>> -> memref<128xi32, #tpu.memory_space<hbm>>
      %dma_wait3A_110 = tpu.memref_slice %arg2[%add3A_37] : memref<24576xi32, #tpu.memory_space<hbm>> -> memref<128xi32, #tpu.memory_space<hbm>>
      tpu.wait_dma2 semaphore(%run_scoped3A : memref<!tpu.dma_semaphore, #tpu.memory_space<semaphore_mem>>) src(%dma_wait3A_110 : memref<128xi32, #tpu.memory_space<hbm>>) dst(%arg6 : memref<128xi32, #tpu.memory_space<vmem>>)
      tpu.yield
    }) : () -> ()
    %dma_wait3A_38 = arith.constant 0 : i32
    %dma_wait3A_39 = tpu.memref_slice %arg4[%add3A_31, %dma_wait3A_38] : memref<24576x128xf32, #tpu.memory_space<hbm>> -> memref<128x128xf32, #tpu.memory_space<hbm>>
    %dma_wait3A_40 = arith.constant 0 : i32
    %dma_wait3A_41 = tpu.memref_slice %arg4[%add3A_31, %dma_wait3A_40] : memref<24576x128xf32, #tpu.memory_space<hbm>> -> memref<128x128xf32, #tpu.memory_space<hbm>>
    tpu.wait_dma2 semaphore(%arg12 : memref<!tpu.dma_semaphore, #tpu.memory_space<semaphore_mem>>) src(%arg8 : memref<128x128xf32, #tpu.memory_space<vmem>>) dst(%dma_wait3A_41 : memref<128x128xf32, #tpu.memory_space<hbm>>)
    %dma_start3A_42 = arith.constant 0 : i32
    %dma_start3A_43 = arith.constant 0 : i32
    %dma_start3A_44 = tpu.memref_slice %arg3[%dma_start3A_42, %dma_start3A_43] : memref<4096x128xf32, #tpu.memory_space<hbm>> -> memref<4096x128xf32, #tpu.memory_space<hbm>>
    tpu.enqueue_indirect_dma source(%dma_start3A_44 : memref<4096x128xf32, #tpu.memory_space<hbm>>) target(%arg8 : memref<128x128xf32, #tpu.memory_space<vmem>>) offsets(%arg6 : memref<128xi32, #tpu.memory_space<vmem>>) semaphore(%arg10 : memref<!tpu.dma_semaphore, #tpu.memory_space<semaphore_mem>>)
    %dma_wait3A_45 = arith.constant 0 : i32
    %dma_wait3A_46 = arith.constant 0 : i32
    %dma_wait3A_47 = tpu.memref_slice %arg3[%dma_wait3A_45, %dma_wait3A_46] : memref<4096x128xf32, #tpu.memory_space<hbm>> -> memref<4096x128xf32, #tpu.memory_space<hbm>>
    tpu.wait_indirect_dma semaphore(%arg9 : memref<!tpu.dma_semaphore, #tpu.memory_space<semaphore_mem>>) src(%dma_wait3A_47 : memref<4096x128xf32, #tpu.memory_space<hbm>>) dst(%arg7 : memref<128x128xf32, #tpu.memory_space<vmem>>)
    %add3A_48 = arith.constant 256 : i32
    %add3A_49 = arith.addi %mul3A_2, %add3A_48 : i32
    %dma_start3A_50 = arith.constant 0 : i32
    %dma_start3A_51 = tpu.memref_slice %arg4[%add3A_49, %dma_start3A_50] : memref<24576x128xf32, #tpu.memory_space<hbm>> -> memref<128x128xf32, #tpu.memory_space<hbm>>
    %dma_start3A_52 = arith.constant 0 : i32
    %dma_start3A_53 = tpu.memref_slice %arg4[%add3A_49, %dma_start3A_52] : memref<24576x128xf32, #tpu.memory_space<hbm>> -> memref<128x128xf32, #tpu.memory_space<hbm>>
    tpu.enqueue_dma source(%arg7 : memref<128x128xf32, #tpu.memory_space<vmem>>) target(%dma_start3A_53 : memref<128x128xf32, #tpu.memory_space<hbm>>) target_semaphore(%arg11 : memref<!tpu.dma_semaphore, #tpu.memory_space<semaphore_mem>>)
    %add3A_54 = arith.constant 512 : i32
    %add3A_55 = arith.addi %mul3A_2, %add3A_54 : i32
    "tpu.region"() ({
      %run_scoped3A = tpu.sem_alloc : memref<!tpu.dma_semaphore, #tpu.memory_space<semaphore_mem>>
      %dma_start3A_107 = tpu.memref_slice %arg2[%add3A_55] : memref<24576xi32, #tpu.memory_space<hbm>> -> memref<128xi32, #tpu.memory_space<hbm>>
      %dma_start3A_108 = tpu.memref_slice %arg2[%add3A_55] : memref<24576xi32, #tpu.memory_space<hbm>> -> memref<128xi32, #tpu.memory_space<hbm>>
      tpu.enqueue_dma source(%dma_start3A_108 : memref<128xi32, #tpu.memory_space<hbm>>) target(%arg5 : memref<128xi32, #tpu.memory_space<vmem>>) target_semaphore(%run_scoped3A : memref<!tpu.dma_semaphore, #tpu.memory_space<semaphore_mem>>)
      %dma_wait3A_109 = tpu.memref_slice %arg2[%add3A_55] : memref<24576xi32, #tpu.memory_space<hbm>> -> memref<128xi32, #tpu.memory_space<hbm>>
      %dma_wait3A_110 = tpu.memref_slice %arg2[%add3A_55] : memref<24576xi32, #tpu.memory_space<hbm>> -> memref<128xi32, #tpu.memory_space<hbm>>
      tpu.wait_dma2 semaphore(%run_scoped3A : memref<!tpu.dma_semaphore, #tpu.memory_space<semaphore_mem>>) src(%dma_wait3A_110 : memref<128xi32, #tpu.memory_space<hbm>>) dst(%arg5 : memref<128xi32, #tpu.memory_space<vmem>>)
      tpu.yield
    }) : () -> ()
    %dma_wait3A_56 = arith.constant 0 : i32
    %dma_wait3A_57 = tpu.memref_slice %arg4[%add3A_49, %dma_wait3A_56] : memref<24576x128xf32, #tpu.memory_space<hbm>> -> memref<128x128xf32, #tpu.memory_space<hbm>>
    %dma_wait3A_58 = arith.constant 0 : i32
    %dma_wait3A_59 = tpu.memref_slice %arg4[%add3A_49, %dma_wait3A_58] : memref<24576x128xf32, #tpu.memory_space<hbm>> -> memref<128x128xf32, #tpu.memory_space<hbm>>
    tpu.wait_dma2 semaphore(%arg11 : memref<!tpu.dma_semaphore, #tpu.memory_space<semaphore_mem>>) src(%arg7 : memref<128x128xf32, #tpu.memory_space<vmem>>) dst(%dma_wait3A_59 : memref<128x128xf32, #tpu.memory_space<hbm>>)
    %dma_start3A_60 = arith.constant 0 : i32
    %dma_start3A_61 = arith.constant 0 : i32
    %dma_start3A_62 = tpu.memref_slice %arg3[%dma_start3A_60, %dma_start3A_61] : memref<4096x128xf32, #tpu.memory_space<hbm>> -> memref<4096x128xf32, #tpu.memory_space<hbm>>
    tpu.enqueue_indirect_dma source(%dma_start3A_62 : memref<4096x128xf32, #tpu.memory_space<hbm>>) target(%arg7 : memref<128x128xf32, #tpu.memory_space<vmem>>) offsets(%arg5 : memref<128xi32, #tpu.memory_space<vmem>>) semaphore(%arg9 : memref<!tpu.dma_semaphore, #tpu.memory_space<semaphore_mem>>)
    %dma_wait3A_63 = arith.constant 0 : i32
    %dma_wait3A_64 = arith.constant 0 : i32
    %dma_wait3A_65 = tpu.memref_slice %arg3[%dma_wait3A_63, %dma_wait3A_64] : memref<4096x128xf32, #tpu.memory_space<hbm>> -> memref<4096x128xf32, #tpu.memory_space<hbm>>
    tpu.wait_indirect_dma semaphore(%arg10 : memref<!tpu.dma_semaphore, #tpu.memory_space<semaphore_mem>>) src(%dma_wait3A_65 : memref<4096x128xf32, #tpu.memory_space<hbm>>) dst(%arg8 : memref<128x128xf32, #tpu.memory_space<vmem>>)
    %add3A_66 = arith.constant 384 : i32
    %add3A_67 = arith.addi %mul3A_2, %add3A_66 : i32
    %dma_start3A_68 = arith.constant 0 : i32
    %dma_start3A_69 = tpu.memref_slice %arg4[%add3A_67, %dma_start3A_68] : memref<24576x128xf32, #tpu.memory_space<hbm>> -> memref<128x128xf32, #tpu.memory_space<hbm>>
    %dma_start3A_70 = arith.constant 0 : i32
    %dma_start3A_71 = tpu.memref_slice %arg4[%add3A_67, %dma_start3A_70] : memref<24576x128xf32, #tpu.memory_space<hbm>> -> memref<128x128xf32, #tpu.memory_space<hbm>>
    tpu.enqueue_dma source(%arg8 : memref<128x128xf32, #tpu.memory_space<vmem>>) target(%dma_start3A_71 : memref<128x128xf32, #tpu.memory_space<hbm>>) target_semaphore(%arg12 : memref<!tpu.dma_semaphore, #tpu.memory_space<semaphore_mem>>)
    %add3A_72 = arith.constant 640 : i32
    %add3A_73 = arith.addi %mul3A_2, %add3A_72 : i32
    "tpu.region"() ({
      %run_scoped3A = tpu.sem_alloc : memref<!tpu.dma_semaphore, #tpu.memory_space<semaphore_mem>>
      %dma_start3A_107 = tpu.memref_slice %arg2[%add3A_73] : memref<24576xi32, #tpu.memory_space<hbm>> -> memref<128xi32, #tpu.memory_space<hbm>>
      %dma_start3A_108 = tpu.memref_slice %arg2[%add3A_73] : memref<24576xi32, #tpu.memory_space<hbm>> -> memref<128xi32, #tpu.memory_space<hbm>>
      tpu.enqueue_dma source(%dma_start3A_108 : memref<128xi32, #tpu.memory_space<hbm>>) target(%arg6 : memref<128xi32, #tpu.memory_space<vmem>>) target_semaphore(%run_scoped3A : memref<!tpu.dma_semaphore, #tpu.memory_space<semaphore_mem>>)
      %dma_wait3A_109 = tpu.memref_slice %arg2[%add3A_73] : memref<24576xi32, #tpu.memory_space<hbm>> -> memref<128xi32, #tpu.memory_space<hbm>>
      %dma_wait3A_110 = tpu.memref_slice %arg2[%add3A_73] : memref<24576xi32, #tpu.memory_space<hbm>> -> memref<128xi32, #tpu.memory_space<hbm>>
      tpu.wait_dma2 semaphore(%run_scoped3A : memref<!tpu.dma_semaphore, #tpu.memory_space<semaphore_mem>>) src(%dma_wait3A_110 : memref<128xi32, #tpu.memory_space<hbm>>) dst(%arg6 : memref<128xi32, #tpu.memory_space<vmem>>)
      tpu.yield
    }) : () -> ()
    %dma_wait3A_74 = arith.constant 0 : i32
    %dma_wait3A_75 = tpu.memref_slice %arg4[%add3A_67, %dma_wait3A_74] : memref<24576x128xf32, #tpu.memory_space<hbm>> -> memref<128x128xf32, #tpu.memory_space<hbm>>
    %dma_wait3A_76 = arith.constant 0 : i32
    %dma_wait3A_77 = tpu.memref_slice %arg4[%add3A_67, %dma_wait3A_76] : memref<24576x128xf32, #tpu.memory_space<hbm>> -> memref<128x128xf32, #tpu.memory_space<hbm>>
    tpu.wait_dma2 semaphore(%arg12 : memref<!tpu.dma_semaphore, #tpu.memory_space<semaphore_mem>>) src(%arg8 : memref<128x128xf32, #tpu.memory_space<vmem>>) dst(%dma_wait3A_77 : memref<128x128xf32, #tpu.memory_space<hbm>>)
    %dma_start3A_78 = arith.constant 0 : i32
    %dma_start3A_79 = arith.constant 0 : i32
    %dma_start3A_80 = tpu.memref_slice %arg3[%dma_start3A_78, %dma_start3A_79] : memref<4096x128xf32, #tpu.memory_space<hbm>> -> memref<4096x128xf32, #tpu.memory_space<hbm>>
    tpu.enqueue_indirect_dma source(%dma_start3A_80 : memref<4096x128xf32, #tpu.memory_space<hbm>>) target(%arg8 : memref<128x128xf32, #tpu.memory_space<vmem>>) offsets(%arg6 : memref<128xi32, #tpu.memory_space<vmem>>) semaphore(%arg10 : memref<!tpu.dma_semaphore, #tpu.memory_space<semaphore_mem>>)
    %dma_wait3A_81 = arith.constant 0 : i32
    %dma_wait3A_82 = arith.constant 0 : i32
    %dma_wait3A_83 = tpu.memref_slice %arg3[%dma_wait3A_81, %dma_wait3A_82] : memref<4096x128xf32, #tpu.memory_space<hbm>> -> memref<4096x128xf32, #tpu.memory_space<hbm>>
    tpu.wait_indirect_dma semaphore(%arg9 : memref<!tpu.dma_semaphore, #tpu.memory_space<semaphore_mem>>) src(%dma_wait3A_83 : memref<4096x128xf32, #tpu.memory_space<hbm>>) dst(%arg7 : memref<128x128xf32, #tpu.memory_space<vmem>>)
    %add3A_84 = arith.constant 512 : i32
    %add3A_85 = arith.addi %mul3A_2, %add3A_84 : i32
    %dma_start3A_86 = arith.constant 0 : i32
    %dma_start3A_87 = tpu.memref_slice %arg4[%add3A_85, %dma_start3A_86] : memref<24576x128xf32, #tpu.memory_space<hbm>> -> memref<128x128xf32, #tpu.memory_space<hbm>>
    %dma_start3A_88 = arith.constant 0 : i32
    %dma_start3A_89 = tpu.memref_slice %arg4[%add3A_85, %dma_start3A_88] : memref<24576x128xf32, #tpu.memory_space<hbm>> -> memref<128x128xf32, #tpu.memory_space<hbm>>
    tpu.enqueue_dma source(%arg7 : memref<128x128xf32, #tpu.memory_space<vmem>>) target(%dma_start3A_89 : memref<128x128xf32, #tpu.memory_space<hbm>>) target_semaphore(%arg11 : memref<!tpu.dma_semaphore, #tpu.memory_space<semaphore_mem>>)
    %dma_wait3A_90 = arith.constant 0 : i32
    %dma_wait3A_91 = arith.constant 0 : i32
    %dma_wait3A_92 = tpu.memref_slice %arg3[%dma_wait3A_90, %dma_wait3A_91] : memref<4096x128xf32, #tpu.memory_space<hbm>> -> memref<4096x128xf32, #tpu.memory_space<hbm>>
    tpu.wait_indirect_dma semaphore(%arg10 : memref<!tpu.dma_semaphore, #tpu.memory_space<semaphore_mem>>) src(%dma_wait3A_92 : memref<4096x128xf32, #tpu.memory_space<hbm>>) dst(%arg8 : memref<128x128xf32, #tpu.memory_space<vmem>>)
    %add3A_93 = arith.constant 640 : i32
    %add3A_94 = arith.addi %mul3A_2, %add3A_93 : i32
    %dma_start3A_95 = arith.constant 0 : i32
    %dma_start3A_96 = tpu.memref_slice %arg4[%add3A_94, %dma_start3A_95] : memref<24576x128xf32, #tpu.memory_space<hbm>> -> memref<128x128xf32, #tpu.memory_space<hbm>>
    %dma_start3A_97 = arith.constant 0 : i32
    %dma_start3A_98 = tpu.memref_slice %arg4[%add3A_94, %dma_start3A_97] : memref<24576x128xf32, #tpu.memory_space<hbm>> -> memref<128x128xf32, #tpu.memory_space<hbm>>
    tpu.enqueue_dma source(%arg8 : memref<128x128xf32, #tpu.memory_space<vmem>>) target(%dma_start3A_98 : memref<128x128xf32, #tpu.memory_space<hbm>>) target_semaphore(%arg12 : memref<!tpu.dma_semaphore, #tpu.memory_space<semaphore_mem>>)
    %dma_wait3A_99 = arith.constant 0 : i32
    %dma_wait3A_100 = tpu.memref_slice %arg4[%add3A_85, %dma_wait3A_99] : memref<24576x128xf32, #tpu.memory_space<hbm>> -> memref<128x128xf32, #tpu.memory_space<hbm>>
    %dma_wait3A_101 = arith.constant 0 : i32
    %dma_wait3A_102 = tpu.memref_slice %arg4[%add3A_85, %dma_wait3A_101] : memref<24576x128xf32, #tpu.memory_space<hbm>> -> memref<128x128xf32, #tpu.memory_space<hbm>>
    tpu.wait_dma2 semaphore(%arg11 : memref<!tpu.dma_semaphore, #tpu.memory_space<semaphore_mem>>) src(%arg7 : memref<128x128xf32, #tpu.memory_space<vmem>>) dst(%dma_wait3A_102 : memref<128x128xf32, #tpu.memory_space<hbm>>)
    %dma_wait3A_103 = arith.constant 0 : i32
    %dma_wait3A_104 = tpu.memref_slice %arg4[%add3A_94, %dma_wait3A_103] : memref<24576x128xf32, #tpu.memory_space<hbm>> -> memref<128x128xf32, #tpu.memory_space<hbm>>
    %dma_wait3A_105 = arith.constant 0 : i32
    %dma_wait3A_106 = tpu.memref_slice %arg4[%add3A_94, %dma_wait3A_105] : memref<24576x128xf32, #tpu.memory_space<hbm>> -> memref<128x128xf32, #tpu.memory_space<hbm>>
    tpu.wait_dma2 semaphore(%arg12 : memref<!tpu.dma_semaphore, #tpu.memory_space<semaphore_mem>>) src(%arg8 : memref<128x128xf32, #tpu.memory_space<vmem>>) dst(%dma_wait3A_106 : memref<128x128xf32, #tpu.memory_space<hbm>>)
    return
  }
}

#map = affine_map<(d0, d1) -> (0)>
#map1 = affine_map<(d0, d1) -> (0, 0)>
module attributes {stable_mosaic.version = 14 : i64} {
  func.func @_gather_body(%arg0: i32, %arg1: i32, %arg2: memref<24576xi32, #tpu.memory_space<hbm>>, %arg3: memref<4096x128xf32, #tpu.memory_space<hbm>>, %arg4: memref<24576x128xf32, #tpu.memory_space<hbm>>, %arg5: memref<128xi32, #tpu.memory_space<vmem>>, %arg6: memref<128xi32, #tpu.memory_space<vmem>>, %arg7: memref<128x128xf32, #tpu.memory_space<vmem>>, %arg8: memref<128x128xf32, #tpu.memory_space<vmem>>, %arg9: memref<!tpu.dma_semaphore, #tpu.memory_space<semaphore_mem>>, %arg10: memref<!tpu.dma_semaphore, #tpu.memory_space<semaphore_mem>>, %arg11: memref<!tpu.dma_semaphore, #tpu.memory_space<semaphore_mem>>, %arg12: memref<!tpu.dma_semaphore, #tpu.memory_space<semaphore_mem>>) attributes {dimension_semantics = [#tpu.dimension_semantics<core_parallel>, #tpu.dimension_semantics<subcore_parallel>], iteration_bounds = array<i64: 2, 16>, scalar_prefetch = 0 : i64, scratch_operands = 8 : i64, tpu.core_type = #tpu.core_type<sc_vector_subcore>, window_params = [{transform_indices = #map}, {transform_indices = #map1}, {transform_indices = #map1}]} {
    %mul3A = arith.constant 2 : i32
    %mul3A_0 = arith.muli %arg1, %mul3A : i32
    %add3A = arith.addi %mul3A_0, %arg0 : i32
    %mul3A_1 = arith.constant 768 : i32
    %mul3A_2 = arith.muli %add3A, %mul3A_1 : i32
    "tpu.region"() ({
      %run_scoped3A = tpu.sem_alloc : memref<!tpu.dma_semaphore, #tpu.memory_space<semaphore_mem>>
      %dma_start3A_107 = tpu.memref_slice %arg2[%mul3A_2] : memref<24576xi32, #tpu.memory_space<hbm>> -> memref<128xi32, #tpu.memory_space<hbm>>
      %dma_start3A_108 = tpu.memref_slice %arg2[%mul3A_2] : memref<24576xi32, #tpu.memory_space<hbm>> -> memref<128xi32, #tpu.memory_space<hbm>>
      tpu.enqueue_dma source(%dma_start3A_108 : memref<128xi32, #tpu.memory_space<hbm>>) target(%arg5 : memref<128xi32, #tpu.memory_space<vmem>>) target_semaphore(%run_scoped3A : memref<!tpu.dma_semaphore, #tpu.memory_space<semaphore_mem>>)
      %dma_wait3A_109 = tpu.memref_slice %arg2[%mul3A_2] : memref<24576xi32, #tpu.memory_space<hbm>> -> memref<128xi32, #tpu.memory_space<hbm>>
      %dma_wait3A_110 = tpu.memref_slice %arg2[%mul3A_2] : memref<24576xi32, #tpu.memory_space<hbm>> -> memref<128xi32, #tpu.memory_space<hbm>>
      tpu.wait_dma2 semaphore(%run_scoped3A : memref<!tpu.dma_semaphore, #tpu.memory_space<semaphore_mem>>) src(%dma_wait3A_110 : memref<128xi32, #tpu.memory_space<hbm>>) dst(%arg5 : memref<128xi32, #tpu.memory_space<vmem>>)
      tpu.yield
    }) : () -> ()
    %dma_start3A = arith.constant 0 : i32
    %dma_start3A_3 = arith.constant 0 : i32
    %dma_start3A_4 = tpu.memref_slice %arg3[%dma_start3A, %dma_start3A_3] : memref<4096x128xf32, #tpu.memory_space<hbm>> -> memref<4096x128xf32, #tpu.memory_space<hbm>>
    tpu.enqueue_indirect_dma source(%dma_start3A_4 : memref<4096x128xf32, #tpu.memory_space<hbm>>) target(%arg7 : memref<128x128xf32, #tpu.memory_space<vmem>>) offsets(%arg5 : memref<128xi32, #tpu.memory_space<vmem>>) semaphore(%arg9 : memref<!tpu.dma_semaphore, #tpu.memory_space<semaphore_mem>>)
    %add3A_5 = arith.constant 128 : i32
    %add3A_6 = arith.addi %mul3A_2, %add3A_5 : i32
    "tpu.region"() ({
      %run_scoped3A = tpu.sem_alloc : memref<!tpu.dma_semaphore, #tpu.memory_space<semaphore_mem>>
      %dma_start3A_107 = tpu.memref_slice %arg2[%add3A_6] : memref<24576xi32, #tpu.memory_space<hbm>> -> memref<128xi32, #tpu.memory_space<hbm>>
      %dma_start3A_108 = tpu.memref_slice %arg2[%add3A_6] : memref<24576xi32, #tpu.memory_space<hbm>> -> memref<128xi32, #tpu.memory_space<hbm>>
      tpu.enqueue_dma source(%dma_start3A_108 : memref<128xi32, #tpu.memory_space<hbm>>) target(%arg6 : memref<128xi32, #tpu.memory_space<vmem>>) target_semaphore(%run_scoped3A : memref<!tpu.dma_semaphore, #tpu.memory_space<semaphore_mem>>)
      %dma_wait3A_109 = tpu.memref_slice %arg2[%add3A_6] : memref<24576xi32, #tpu.memory_space<hbm>> -> memref<128xi32, #tpu.memory_space<hbm>>
      %dma_wait3A_110 = tpu.memref_slice %arg2[%add3A_6] : memref<24576xi32, #tpu.memory_space<hbm>> -> memref<128xi32, #tpu.memory_space<hbm>>
      tpu.wait_dma2 semaphore(%run_scoped3A : memref<!tpu.dma_semaphore, #tpu.memory_space<semaphore_mem>>) src(%dma_wait3A_110 : memref<128xi32, #tpu.memory_space<hbm>>) dst(%arg6 : memref<128xi32, #tpu.memory_space<vmem>>)
      tpu.yield
    }) : () -> ()
    %dma_start3A_7 = arith.constant 0 : i32
    %dma_start3A_8 = arith.constant 0 : i32
    %dma_start3A_9 = tpu.memref_slice %arg3[%dma_start3A_7, %dma_start3A_8] : memref<4096x128xf32, #tpu.memory_space<hbm>> -> memref<4096x128xf32, #tpu.memory_space<hbm>>
    tpu.enqueue_indirect_dma source(%dma_start3A_9 : memref<4096x128xf32, #tpu.memory_space<hbm>>) target(%arg8 : memref<128x128xf32, #tpu.memory_space<vmem>>) offsets(%arg6 : memref<128xi32, #tpu.memory_space<vmem>>) semaphore(%arg10 : memref<!tpu.dma_semaphore, #tpu.memory_space<semaphore_mem>>)
    %dma_wait3A = arith.constant 0 : i32
    %dma_wait3A_10 = arith.constant 0 : i32
    %dma_wait3A_11 = tpu.memref_slice %arg3[%dma_wait3A, %dma_wait3A_10] : memref<4096x128xf32, #tpu.memory_space<hbm>> -> memref<4096x128xf32, #tpu.memory_space<hbm>>
    tpu.wait_indirect_dma semaphore(%arg9 : memref<!tpu.dma_semaphore, #tpu.memory_space<semaphore_mem>>) src(%dma_wait3A_11 : memref<4096x128xf32, #tpu.memory_space<hbm>>) dst(%arg7 : memref<128x128xf32, #tpu.memory_space<vmem>>)
    %add3A_12 = arith.constant 0 : i32
    %add3A_13 = arith.addi %mul3A_2, %add3A_12 : i32
    %dma_start3A_14 = arith.constant 0 : i32
    %dma_start3A_15 = tpu.memref_slice %arg4[%add3A_13, %dma_start3A_14] : memref<24576x128xf32, #tpu.memory_space<hbm>> -> memref<128x128xf32, #tpu.memory_space<hbm>>
    %dma_start3A_16 = arith.constant 0 : i32
    %dma_start3A_17 = tpu.memref_slice %arg4[%add3A_13, %dma_start3A_16] : memref<24576x128xf32, #tpu.memory_space<hbm>> -> memref<128x128xf32, #tpu.memory_space<hbm>>
    tpu.enqueue_dma source(%arg7 : memref<128x128xf32, #tpu.memory_space<vmem>>) target(%dma_start3A_17 : memref<128x128xf32, #tpu.memory_space<hbm>>) target_semaphore(%arg11 : memref<!tpu.dma_semaphore, #tpu.memory_space<semaphore_mem>>)
    %add3A_18 = arith.constant 256 : i32
    %add3A_19 = arith.addi %mul3A_2, %add3A_18 : i32
    "tpu.region"() ({
      %run_scoped3A = tpu.sem_alloc : memref<!tpu.dma_semaphore, #tpu.memory_space<semaphore_mem>>
      %dma_start3A_107 = tpu.memref_slice %arg2[%add3A_19] : memref<24576xi32, #tpu.memory_space<hbm>> -> memref<128xi32, #tpu.memory_space<hbm>>
      %dma_start3A_108 = tpu.memref_slice %arg2[%add3A_19] : memref<24576xi32, #tpu.memory_space<hbm>> -> memref<128xi32, #tpu.memory_space<hbm>>
      tpu.enqueue_dma source(%dma_start3A_108 : memref<128xi32, #tpu.memory_space<hbm>>) target(%arg5 : memref<128xi32, #tpu.memory_space<vmem>>) target_semaphore(%run_scoped3A : memref<!tpu.dma_semaphore, #tpu.memory_space<semaphore_mem>>)
      %dma_wait3A_109 = tpu.memref_slice %arg2[%add3A_19] : memref<24576xi32, #tpu.memory_space<hbm>> -> memref<128xi32, #tpu.memory_space<hbm>>
      %dma_wait3A_110 = tpu.memref_slice %arg2[%add3A_19] : memref<24576xi32, #tpu.memory_space<hbm>> -> memref<128xi32, #tpu.memory_space<hbm>>
      tpu.wait_dma2 semaphore(%run_scoped3A : memref<!tpu.dma_semaphore, #tpu.memory_space<semaphore_mem>>) src(%dma_wait3A_110 : memref<128xi32, #tpu.memory_space<hbm>>) dst(%arg5 : memref<128xi32, #tpu.memory_space<vmem>>)
      tpu.yield
    }) : () -> ()
    %dma_wait3A_20 = arith.constant 0 : i32
    %dma_wait3A_21 = tpu.memref_slice %arg4[%add3A_13, %dma_wait3A_20] : memref<24576x128xf32, #tpu.memory_space<hbm>> -> memref<128x128xf32, #tpu.memory_space<hbm>>
    %dma_wait3A_22 = arith.constant 0 : i32
    %dma_wait3A_23 = tpu.memref_slice %arg4[%add3A_13, %dma_wait3A_22] : memref<24576x128xf32, #tpu.memory_space<hbm>> -> memref<128x128xf32, #tpu.memory_space<hbm>>
    tpu.wait_dma2 semaphore(%arg11 : memref<!tpu.dma_semaphore, #tpu.memory_space<semaphore_mem>>) src(%arg7 : memref<128x128xf32, #tpu.memory_space<vmem>>) dst(%dma_wait3A_23 : memref<128x128xf32, #tpu.memory_space<hbm>>)
    %dma_start3A_24 = arith.constant 0 : i32
    %dma_start3A_25 = arith.constant 0 : i32
    %dma_start3A_26 = tpu.memref_slice %arg3[%dma_start3A_24, %dma_start3A_25] : memref<4096x128xf32, #tpu.memory_space<hbm>> -> memref<4096x128xf32, #tpu.memory_space<hbm>>
    tpu.enqueue_indirect_dma source(%dma_start3A_26 : memref<4096x128xf32, #tpu.memory_space<hbm>>) target(%arg7 : memref<128x128xf32, #tpu.memory_space<vmem>>) offsets(%arg5 : memref<128xi32, #tpu.memory_space<vmem>>) semaphore(%arg9 : memref<!tpu.dma_semaphore, #tpu.memory_space<semaphore_mem>>)
    %dma_wait3A_27 = arith.constant 0 : i32
    %dma_wait3A_28 = arith.constant 0 : i32
    %dma_wait3A_29 = tpu.memref_slice %arg3[%dma_wait3A_27, %dma_wait3A_28] : memref<4096x128xf32, #tpu.memory_space<hbm>> -> memref<4096x128xf32, #tpu.memory_space<hbm>>
    tpu.wait_indirect_dma semaphore(%arg10 : memref<!tpu.dma_semaphore, #tpu.memory_space<semaphore_mem>>) src(%dma_wait3A_29 : memref<4096x128xf32, #tpu.memory_space<hbm>>) dst(%arg8 : memref<128x128xf32, #tpu.memory_space<vmem>>)
    %add3A_30 = arith.constant 128 : i32
    %add3A_31 = arith.addi %mul3A_2, %add3A_30 : i32
    %dma_start3A_32 = arith.constant 0 : i32
    %dma_start3A_33 = tpu.memref_slice %arg4[%add3A_31, %dma_start3A_32] : memref<24576x128xf32, #tpu.memory_space<hbm>> -> memref<128x128xf32, #tpu.memory_space<hbm>>
    %dma_start3A_34 = arith.constant 0 : i32
    %dma_start3A_35 = tpu.memref_slice %arg4[%add3A_31, %dma_start3A_34] : memref<24576x128xf32, #tpu.memory_space<hbm>> -> memref<128x128xf32, #tpu.memory_space<hbm>>
    tpu.enqueue_dma source(%arg8 : memref<128x128xf32, #tpu.memory_space<vmem>>) target(%dma_start3A_35 : memref<128x128xf32, #tpu.memory_space<hbm>>) target_semaphore(%arg12 : memref<!tpu.dma_semaphore, #tpu.memory_space<semaphore_mem>>)
    %add3A_36 = arith.constant 384 : i32
    %add3A_37 = arith.addi %mul3A_2, %add3A_36 : i32
    "tpu.region"() ({
      %run_scoped3A = tpu.sem_alloc : memref<!tpu.dma_semaphore, #tpu.memory_space<semaphore_mem>>
      %dma_start3A_107 = tpu.memref_slice %arg2[%add3A_37] : memref<24576xi32, #tpu.memory_space<hbm>> -> memref<128xi32, #tpu.memory_space<hbm>>
      %dma_start3A_108 = tpu.memref_slice %arg2[%add3A_37] : memref<24576xi32, #tpu.memory_space<hbm>> -> memref<128xi32, #tpu.memory_space<hbm>>
      tpu.enqueue_dma source(%dma_start3A_108 : memref<128xi32, #tpu.memory_space<hbm>>) target(%arg6 : memref<128xi32, #tpu.memory_space<vmem>>) target_semaphore(%run_scoped3A : memref<!tpu.dma_semaphore, #tpu.memory_space<semaphore_mem>>)
      %dma_wait3A_109 = tpu.memref_slice %arg2[%add3A_37] : memref<24576xi32, #tpu.memory_space<hbm>> -> memref<128xi32, #tpu.memory_space<hbm>>
      %dma_wait3A_110 = tpu.memref_slice %arg2[%add3A_37] : memref<24576xi32, #tpu.memory_space<hbm>> -> memref<128xi32, #tpu.memory_space<hbm>>
      tpu.wait_dma2 semaphore(%run_scoped3A : memref<!tpu.dma_semaphore, #tpu.memory_space<semaphore_mem>>) src(%dma_wait3A_110 : memref<128xi32, #tpu.memory_space<hbm>>) dst(%arg6 : memref<128xi32, #tpu.memory_space<vmem>>)
      tpu.yield
    }) : () -> ()
    %dma_wait3A_38 = arith.constant 0 : i32
    %dma_wait3A_39 = tpu.memref_slice %arg4[%add3A_31, %dma_wait3A_38] : memref<24576x128xf32, #tpu.memory_space<hbm>> -> memref<128x128xf32, #tpu.memory_space<hbm>>
    %dma_wait3A_40 = arith.constant 0 : i32
    %dma_wait3A_41 = tpu.memref_slice %arg4[%add3A_31, %dma_wait3A_40] : memref<24576x128xf32, #tpu.memory_space<hbm>> -> memref<128x128xf32, #tpu.memory_space<hbm>>
    tpu.wait_dma2 semaphore(%arg12 : memref<!tpu.dma_semaphore, #tpu.memory_space<semaphore_mem>>) src(%arg8 : memref<128x128xf32, #tpu.memory_space<vmem>>) dst(%dma_wait3A_41 : memref<128x128xf32, #tpu.memory_space<hbm>>)
    %dma_start3A_42 = arith.constant 0 : i32
    %dma_start3A_43 = arith.constant 0 : i32
    %dma_start3A_44 = tpu.memref_slice %arg3[%dma_start3A_42, %dma_start3A_43] : memref<4096x128xf32, #tpu.memory_space<hbm>> -> memref<4096x128xf32, #tpu.memory_space<hbm>>
    tpu.enqueue_indirect_dma source(%dma_start3A_44 : memref<4096x128xf32, #tpu.memory_space<hbm>>) target(%arg8 : memref<128x128xf32, #tpu.memory_space<vmem>>) offsets(%arg6 : memref<128xi32, #tpu.memory_space<vmem>>) semaphore(%arg10 : memref<!tpu.dma_semaphore, #tpu.memory_space<semaphore_mem>>)
    %dma_wait3A_45 = arith.constant 0 : i32
    %dma_wait3A_46 = arith.constant 0 : i32
    %dma_wait3A_47 = tpu.memref_slice %arg3[%dma_wait3A_45, %dma_wait3A_46] : memref<4096x128xf32, #tpu.memory_space<hbm>> -> memref<4096x128xf32, #tpu.memory_space<hbm>>
    tpu.wait_indirect_dma semaphore(%arg9 : memref<!tpu.dma_semaphore, #tpu.memory_space<semaphore_mem>>) src(%dma_wait3A_47 : memref<4096x128xf32, #tpu.memory_space<hbm>>) dst(%arg7 : memref<128x128xf32, #tpu.memory_space<vmem>>)
    %add3A_48 = arith.constant 256 : i32
    %add3A_49 = arith.addi %mul3A_2, %add3A_48 : i32
    %dma_start3A_50 = arith.constant 0 : i32
    %dma_start3A_51 = tpu.memref_slice %arg4[%add3A_49, %dma_start3A_50] : memref<24576x128xf32, #tpu.memory_space<hbm>> -> memref<128x128xf32, #tpu.memory_space<hbm>>
    %dma_start3A_52 = arith.constant 0 : i32
    %dma_start3A_53 = tpu.memref_slice %arg4[%add3A_49, %dma_start3A_52] : memref<24576x128xf32, #tpu.memory_space<hbm>> -> memref<128x128xf32, #tpu.memory_space<hbm>>
    tpu.enqueue_dma source(%arg7 : memref<128x128xf32, #tpu.memory_space<vmem>>) target(%dma_start3A_53 : memref<128x128xf32, #tpu.memory_space<hbm>>) target_semaphore(%arg11 : memref<!tpu.dma_semaphore, #tpu.memory_space<semaphore_mem>>)
    %add3A_54 = arith.constant 512 : i32
    %add3A_55 = arith.addi %mul3A_2, %add3A_54 : i32
    "tpu.region"() ({
      %run_scoped3A = tpu.sem_alloc : memref<!tpu.dma_semaphore, #tpu.memory_space<semaphore_mem>>
      %dma_start3A_107 = tpu.memref_slice %arg2[%add3A_55] : memref<24576xi32, #tpu.memory_space<hbm>> -> memref<128xi32, #tpu.memory_space<hbm>>
      %dma_start3A_108 = tpu.memref_slice %arg2[%add3A_55] : memref<24576xi32, #tpu.memory_space<hbm>> -> memref<128xi32, #tpu.memory_space<hbm>>
      tpu.enqueue_dma source(%dma_start3A_108 : memref<128xi32, #tpu.memory_space<hbm>>) target(%arg5 : memref<128xi32, #tpu.memory_space<vmem>>) target_semaphore(%run_scoped3A : memref<!tpu.dma_semaphore, #tpu.memory_space<semaphore_mem>>)
      %dma_wait3A_109 = tpu.memref_slice %arg2[%add3A_55] : memref<24576xi32, #tpu.memory_space<hbm>> -> memref<128xi32, #tpu.memory_space<hbm>>
      %dma_wait3A_110 = tpu.memref_slice %arg2[%add3A_55] : memref<24576xi32, #tpu.memory_space<hbm>> -> memref<128xi32, #tpu.memory_space<hbm>>
      tpu.wait_dma2 semaphore(%run_scoped3A : memref<!tpu.dma_semaphore, #tpu.memory_space<semaphore_mem>>) src(%dma_wait3A_110 : memref<128xi32, #tpu.memory_space<hbm>>) dst(%arg5 : memref<128xi32, #tpu.memory_space<vmem>>)
      tpu.yield
    }) : () -> ()
    %dma_wait3A_56 = arith.constant 0 : i32
    %dma_wait3A_57 = tpu.memref_slice %arg4[%add3A_49, %dma_wait3A_56] : memref<24576x128xf32, #tpu.memory_space<hbm>> -> memref<128x128xf32, #tpu.memory_space<hbm>>
    %dma_wait3A_58 = arith.constant 0 : i32
    %dma_wait3A_59 = tpu.memref_slice %arg4[%add3A_49, %dma_wait3A_58] : memref<24576x128xf32, #tpu.memory_space<hbm>> -> memref<128x128xf32, #tpu.memory_space<hbm>>
    tpu.wait_dma2 semaphore(%arg11 : memref<!tpu.dma_semaphore, #tpu.memory_space<semaphore_mem>>) src(%arg7 : memref<128x128xf32, #tpu.memory_space<vmem>>) dst(%dma_wait3A_59 : memref<128x128xf32, #tpu.memory_space<hbm>>)
    %dma_start3A_60 = arith.constant 0 : i32
    %dma_start3A_61 = arith.constant 0 : i32
    %dma_start3A_62 = tpu.memref_slice %arg3[%dma_start3A_60, %dma_start3A_61] : memref<4096x128xf32, #tpu.memory_space<hbm>> -> memref<4096x128xf32, #tpu.memory_space<hbm>>
    tpu.enqueue_indirect_dma source(%dma_start3A_62 : memref<4096x128xf32, #tpu.memory_space<hbm>>) target(%arg7 : memref<128x128xf32, #tpu.memory_space<vmem>>) offsets(%arg5 : memref<128xi32, #tpu.memory_space<vmem>>) semaphore(%arg9 : memref<!tpu.dma_semaphore, #tpu.memory_space<semaphore_mem>>)
    %dma_wait3A_63 = arith.constant 0 : i32
    %dma_wait3A_64 = arith.constant 0 : i32
    %dma_wait3A_65 = tpu.memref_slice %arg3[%dma_wait3A_63, %dma_wait3A_64] : memref<4096x128xf32, #tpu.memory_space<hbm>> -> memref<4096x128xf32, #tpu.memory_space<hbm>>
    tpu.wait_indirect_dma semaphore(%arg10 : memref<!tpu.dma_semaphore, #tpu.memory_space<semaphore_mem>>) src(%dma_wait3A_65 : memref<4096x128xf32, #tpu.memory_space<hbm>>) dst(%arg8 : memref<128x128xf32, #tpu.memory_space<vmem>>)
    %add3A_66 = arith.constant 384 : i32
    %add3A_67 = arith.addi %mul3A_2, %add3A_66 : i32
    %dma_start3A_68 = arith.constant 0 : i32
    %dma_start3A_69 = tpu.memref_slice %arg4[%add3A_67, %dma_start3A_68] : memref<24576x128xf32, #tpu.memory_space<hbm>> -> memref<128x128xf32, #tpu.memory_space<hbm>>
    %dma_start3A_70 = arith.constant 0 : i32
    %dma_start3A_71 = tpu.memref_slice %arg4[%add3A_67, %dma_start3A_70] : memref<24576x128xf32, #tpu.memory_space<hbm>> -> memref<128x128xf32, #tpu.memory_space<hbm>>
    tpu.enqueue_dma source(%arg8 : memref<128x128xf32, #tpu.memory_space<vmem>>) target(%dma_start3A_71 : memref<128x128xf32, #tpu.memory_space<hbm>>) target_semaphore(%arg12 : memref<!tpu.dma_semaphore, #tpu.memory_space<semaphore_mem>>)
    %add3A_72 = arith.constant 640 : i32
    %add3A_73 = arith.addi %mul3A_2, %add3A_72 : i32
    "tpu.region"() ({
      %run_scoped3A = tpu.sem_alloc : memref<!tpu.dma_semaphore, #tpu.memory_space<semaphore_mem>>
      %dma_start3A_107 = tpu.memref_slice %arg2[%add3A_73] : memref<24576xi32, #tpu.memory_space<hbm>> -> memref<128xi32, #tpu.memory_space<hbm>>
      %dma_start3A_108 = tpu.memref_slice %arg2[%add3A_73] : memref<24576xi32, #tpu.memory_space<hbm>> -> memref<128xi32, #tpu.memory_space<hbm>>
      tpu.enqueue_dma source(%dma_start3A_108 : memref<128xi32, #tpu.memory_space<hbm>>) target(%arg6 : memref<128xi32, #tpu.memory_space<vmem>>) target_semaphore(%run_scoped3A : memref<!tpu.dma_semaphore, #tpu.memory_space<semaphore_mem>>)
      %dma_wait3A_109 = tpu.memref_slice %arg2[%add3A_73] : memref<24576xi32, #tpu.memory_space<hbm>> -> memref<128xi32, #tpu.memory_space<hbm>>
      %dma_wait3A_110 = tpu.memref_slice %arg2[%add3A_73] : memref<24576xi32, #tpu.memory_space<hbm>> -> memref<128xi32, #tpu.memory_space<hbm>>
      tpu.wait_dma2 semaphore(%run_scoped3A : memref<!tpu.dma_semaphore, #tpu.memory_space<semaphore_mem>>) src(%dma_wait3A_110 : memref<128xi32, #tpu.memory_space<hbm>>) dst(%arg6 : memref<128xi32, #tpu.memory_space<vmem>>)
      tpu.yield
    }) : () -> ()
    %dma_wait3A_74 = arith.constant 0 : i32
    %dma_wait3A_75 = tpu.memref_slice %arg4[%add3A_67, %dma_wait3A_74] : memref<24576x128xf32, #tpu.memory_space<hbm>> -> memref<128x128xf32, #tpu.memory_space<hbm>>
    %dma_wait3A_76 = arith.constant 0 : i32
    %dma_wait3A_77 = tpu.memref_slice %arg4[%add3A_67, %dma_wait3A_76] : memref<24576x128xf32, #tpu.memory_space<hbm>> -> memref<128x128xf32, #tpu.memory_space<hbm>>
    tpu.wait_dma2 semaphore(%arg12 : memref<!tpu.dma_semaphore, #tpu.memory_space<semaphore_mem>>) src(%arg8 : memref<128x128xf32, #tpu.memory_space<vmem>>) dst(%dma_wait3A_77 : memref<128x128xf32, #tpu.memory_space<hbm>>)
    %dma_start3A_78 = arith.constant 0 : i32
    %dma_start3A_79 = arith.constant 0 : i32
    %dma_start3A_80 = tpu.memref_slice %arg3[%dma_start3A_78, %dma_start3A_79] : memref<4096x128xf32, #tpu.memory_space<hbm>> -> memref<4096x128xf32, #tpu.memory_space<hbm>>
    tpu.enqueue_indirect_dma source(%dma_start3A_80 : memref<4096x128xf32, #tpu.memory_space<hbm>>) target(%arg8 : memref<128x128xf32, #tpu.memory_space<vmem>>) offsets(%arg6 : memref<128xi32, #tpu.memory_space<vmem>>) semaphore(%arg10 : memref<!tpu.dma_semaphore, #tpu.memory_space<semaphore_mem>>)
    %dma_wait3A_81 = arith.constant 0 : i32
    %dma_wait3A_82 = arith.constant 0 : i32
    %dma_wait3A_83 = tpu.memref_slice %arg3[%dma_wait3A_81, %dma_wait3A_82] : memref<4096x128xf32, #tpu.memory_space<hbm>> -> memref<4096x128xf32, #tpu.memory_space<hbm>>
    tpu.wait_indirect_dma semaphore(%arg9 : memref<!tpu.dma_semaphore, #tpu.memory_space<semaphore_mem>>) src(%dma_wait3A_83 : memref<4096x128xf32, #tpu.memory_space<hbm>>) dst(%arg7 : memref<128x128xf32, #tpu.memory_space<vmem>>)
    %add3A_84 = arith.constant 512 : i32
    %add3A_85 = arith.addi %mul3A_2, %add3A_84 : i32
    %dma_start3A_86 = arith.constant 0 : i32
    %dma_start3A_87 = tpu.memref_slice %arg4[%add3A_85, %dma_start3A_86] : memref<24576x128xf32, #tpu.memory_space<hbm>> -> memref<128x128xf32, #tpu.memory_space<hbm>>
    %dma_start3A_88 = arith.constant 0 : i32
    %dma_start3A_89 = tpu.memref_slice %arg4[%add3A_85, %dma_start3A_88] : memref<24576x128xf32, #tpu.memory_space<hbm>> -> memref<128x128xf32, #tpu.memory_space<hbm>>
    tpu.enqueue_dma source(%arg7 : memref<128x128xf32, #tpu.memory_space<vmem>>) target(%dma_start3A_89 : memref<128x128xf32, #tpu.memory_space<hbm>>) target_semaphore(%arg11 : memref<!tpu.dma_semaphore, #tpu.memory_space<semaphore_mem>>)
    %dma_wait3A_90 = arith.constant 0 : i32
    %dma_wait3A_91 = arith.constant 0 : i32
    %dma_wait3A_92 = tpu.memref_slice %arg3[%dma_wait3A_90, %dma_wait3A_91] : memref<4096x128xf32, #tpu.memory_space<hbm>> -> memref<4096x128xf32, #tpu.memory_space<hbm>>
    tpu.wait_indirect_dma semaphore(%arg10 : memref<!tpu.dma_semaphore, #tpu.memory_space<semaphore_mem>>) src(%dma_wait3A_92 : memref<4096x128xf32, #tpu.memory_space<hbm>>) dst(%arg8 : memref<128x128xf32, #tpu.memory_space<vmem>>)
    %add3A_93 = arith.constant 640 : i32
    %add3A_94 = arith.addi %mul3A_2, %add3A_93 : i32
    %dma_start3A_95 = arith.constant 0 : i32
    %dma_start3A_96 = tpu.memref_slice %arg4[%add3A_94, %dma_start3A_95] : memref<24576x128xf32, #tpu.memory_space<hbm>> -> memref<128x128xf32, #tpu.memory_space<hbm>>
    %dma_start3A_97 = arith.constant 0 : i32
    %dma_start3A_98 = tpu.memref_slice %arg4[%add3A_94, %dma_start3A_97] : memref<24576x128xf32, #tpu.memory_space<hbm>> -> memref<128x128xf32, #tpu.memory_space<hbm>>
    tpu.enqueue_dma source(%arg8 : memref<128x128xf32, #tpu.memory_space<vmem>>) target(%dma_start3A_98 : memref<128x128xf32, #tpu.memory_space<hbm>>) target_semaphore(%arg12 : memref<!tpu.dma_semaphore, #tpu.memory_space<semaphore_mem>>)
    %dma_wait3A_99 = arith.constant 0 : i32
    %dma_wait3A_100 = tpu.memref_slice %arg4[%add3A_85, %dma_wait3A_99] : memref<24576x128xf32, #tpu.memory_space<hbm>> -> memref<128x128xf32, #tpu.memory_space<hbm>>
    %dma_wait3A_101 = arith.constant 0 : i32
    %dma_wait3A_102 = tpu.memref_slice %arg4[%add3A_85, %dma_wait3A_101] : memref<24576x128xf32, #tpu.memory_space<hbm>> -> memref<128x128xf32, #tpu.memory_space<hbm>>
    tpu.wait_dma2 semaphore(%arg11 : memref<!tpu.dma_semaphore, #tpu.memory_space<semaphore_mem>>) src(%arg7 : memref<128x128xf32, #tpu.memory_space<vmem>>) dst(%dma_wait3A_102 : memref<128x128xf32, #tpu.memory_space<hbm>>)
    %dma_wait3A_103 = arith.constant 0 : i32
    %dma_wait3A_104 = tpu.memref_slice %arg4[%add3A_94, %dma_wait3A_103] : memref<24576x128xf32, #tpu.memory_space<hbm>> -> memref<128x128xf32, #tpu.memory_space<hbm>>
    %dma_wait3A_105 = arith.constant 0 : i32
    %dma_wait3A_106 = tpu.memref_slice %arg4[%add3A_94, %dma_wait3A_105] : memref<24576x128xf32, #tpu.memory_space<hbm>> -> memref<128x128xf32, #tpu.memory_space<hbm>>
    tpu.wait_dma2 semaphore(%arg12 : memref<!tpu.dma_semaphore, #tpu.memory_space<semaphore_mem>>) src(%arg8 : memref<128x128xf32, #tpu.memory_space<vmem>>) dst(%dma_wait3A_106 : memref<128x128xf32, #tpu.memory_space<hbm>>)
    return
  }
}

module attributes {stable_mosaic.version = 14 : i64} {
  func.func @_topk_body(%arg0: i32, %arg1: memref<3x1024xf32, #tpu.memory_space<vmem>>, %arg2: memref<3x4096xf32, #tpu.memory_space<vmem>>, %arg3: memref<1024x3xf32, #tpu.memory_space<vmem>>, %arg4: memref<3x1024xi32, #tpu.memory_space<vmem>>) attributes {dimension_semantics = [#tpu.dimension_semantics<arbitrary>], iteration_bounds = array<i64: 8>, scalar_prefetch = 0 : i64, scratch_operands = 0 : i64, tpu.core_type = #tpu.core_type<tc>, window_params = [{transform_indices = @transform_0, window_bounds = array<i64: 3, 1024>}, {pipeline_mode = #tpu.pipeline_mode<synchronous>, transform_indices = @transform_1, window_bounds = array<i64: 3, 4096>}, {transform_indices = @transform_2, window_bounds = array<i64: 1024, 3>}, {transform_indices = @transform_3, window_bounds = array<i64: 3, 1024>}]} {
    %get3A = arith.constant 0 : index
    %get3A_0 = arith.constant 0 : index
    %get3A_1 = vector.load %arg1[%get3A, %get3A_0] : memref<3x1024xf32, #tpu.memory_space<vmem>>, vector<3x1024xf32>
    %get3A_2 = arith.constant 0 : index
    %get3A_3 = arith.constant 0 : index
    %get3A_4 = vector.load %arg2[%get3A_2, %get3A_3] : memref<3x4096xf32, #tpu.memory_space<vmem>>, vector<3x4096xf32>
    %mul3A = arith.constant -2.000000e+00 : f32
    %mul3A_5 = vector.broadcast %mul3A : f32 to vector<3x1024xf32>
    %mul3A_6 = arith.mulf %mul3A_5, %get3A_1 : vector<3x1024xf32>
    %dot_general3A = arith.constant dense<0.000000e+00> : vector<1024x4096xf32>
    %dot_general3A_7 = tpu.matmul %mul3A_6, %get3A_4, %dot_general3A {dimension_numbers = #tpu.dot_dimension_numbers<[0], [0], [1], [1], [0, 1, 1, 1], [], []>, transpose_lhs_hint = false} : vector<3x1024xf32>, vector<3x4096xf32>, vector<1024x4096xf32> -> vector<1024x4096xf32>
    %mul3A_8 = arith.mulf %get3A_1, %get3A_1 : vector<3x1024xf32>
    %reduce_sum3A = arith.constant dense<0.000000e+00> : vector<1024xf32>
    %reduce_sum3A_9 = vector.multi_reduction <add>, %mul3A_8, %reduce_sum3A [0] : vector<3x1024xf32> to vector<1024xf32>
    %reshape3A = vector.shape_cast %reduce_sum3A_9 : vector<1024xf32> to vector<1024x1xf32>
    %mul3A_10 = arith.mulf %get3A_4, %get3A_4 : vector<3x4096xf32>
    %reduce_sum3A_11 = arith.constant dense<0.000000e+00> : vector<4096xf32>
    %reduce_sum3A_12 = vector.multi_reduction <add>, %mul3A_10, %reduce_sum3A_11 [0] : vector<3x4096xf32> to vector<4096xf32>
    %reshape3A_13 = vector.shape_cast %reduce_sum3A_12 : vector<4096xf32> to vector<1x4096xf32>
    %add3A = vector.broadcast %reshape3A : vector<1024x1xf32> to vector<1024x4096xf32>
    %add3A_14 = arith.addf %dot_general3A_7, %add3A : vector<1024x4096xf32>
    %add3A_15 = vector.broadcast %reshape3A_13 : vector<1x4096xf32> to vector<1024x4096xf32>
    %add3A_16 = arith.addf %add3A_14, %add3A_15 : vector<1024x4096xf32>
    %broadcast_in_dim3A = arith.constant 0x7F800000 : f32
    %broadcast_in_dim3A_17 = vector.broadcast %broadcast_in_dim3A : f32 to vector<1024x128xf32>
    %broadcast_in_dim3A_18 = arith.constant 0 : i32
    %broadcast_in_dim3A_19 = vector.broadcast %broadcast_in_dim3A_18 : i32 to vector<1024x128xi32>
    %slice3A = vector.extract_strided_slice %add3A_16 {offsets = [0, 0], sizes = [1024, 128], strides = [1, 1]} : vector<1024x4096xf32> to vector<1024x128xf32>
    %broadcast_in_dim3A_20 = arith.constant 0 : i32
    %broadcast_in_dim3A_21 = vector.broadcast %broadcast_in_dim3A_20 : i32 to vector<1024x128xi32>
    %le3A = arith.cmpf ole, %broadcast_in_dim3A_17, %slice3A : vector<1024x128xf32>
    %max3A = arith.maximumf %broadcast_in_dim3A_17, %slice3A : vector<1024x128xf32>
    %min3A = arith.minimumf %broadcast_in_dim3A_17, %slice3A : vector<1024x128xf32>
    %select_n3A = arith.select %le3A, %broadcast_in_dim3A_21, %broadcast_in_dim3A_19 : vector<1024x128xi1>, vector<1024x128xi32>
    %select_n3A_22 = arith.select %le3A, %broadcast_in_dim3A_19, %broadcast_in_dim3A_21 : vector<1024x128xi1>, vector<1024x128xi32>
    %le3A_23 = arith.cmpf ole, %broadcast_in_dim3A_17, %max3A : vector<1024x128xf32>
    %max3A_24 = arith.maximumf %broadcast_in_dim3A_17, %max3A : vector<1024x128xf32>
    %min3A_25 = arith.minimumf %broadcast_in_dim3A_17, %max3A : vector<1024x128xf32>
    %select_n3A_26 = arith.select %le3A_23, %select_n3A, %broadcast_in_dim3A_19 : vector<1024x128xi1>, vector<1024x128xi32>
    %select_n3A_27 = arith.select %le3A_23, %broadcast_in_dim3A_19, %select_n3A : vector<1024x128xi1>, vector<1024x128xi32>
    %le3A_28 = arith.cmpf ole, %broadcast_in_dim3A_17, %max3A_24 : vector<1024x128xf32>
    %min3A_29 = arith.minimumf %broadcast_in_dim3A_17, %max3A_24 : vector<1024x128xf32>
    %select_n3A_30 = arith.select %le3A_28, %broadcast_in_dim3A_19, %select_n3A_26 : vector<1024x128xi1>, vector<1024x128xi32>
    %slice3A_31 = vector.extract_strided_slice %add3A_16 {offsets = [0, 128], sizes = [1024, 128], strides = [1, 1]} : vector<1024x4096xf32> to vector<1024x128xf32>
    %broadcast_in_dim3A_32 = arith.constant 1 : i32
    %broadcast_in_dim3A_33 = vector.broadcast %broadcast_in_dim3A_32 : i32 to vector<1024x128xi32>
    %le3A_34 = arith.cmpf ole, %min3A, %slice3A_31 : vector<1024x128xf32>
    %max3A_35 = arith.maximumf %min3A, %slice3A_31 : vector<1024x128xf32>
    %min3A_36 = arith.minimumf %min3A, %slice3A_31 : vector<1024x128xf32>
    %select_n3A_37 = arith.select %le3A_34, %broadcast_in_dim3A_33, %select_n3A_22 : vector<1024x128xi1>, vector<1024x128xi32>
    %select_n3A_38 = arith.select %le3A_34, %select_n3A_22, %broadcast_in_dim3A_33 : vector<1024x128xi1>, vector<1024x128xi32>
    %le3A_39 = arith.cmpf ole, %min3A_25, %max3A_35 : vector<1024x128xf32>
    %max3A_40 = arith.maximumf %min3A_25, %max3A_35 : vector<1024x128xf32>
    %min3A_41 = arith.minimumf %min3A_25, %max3A_35 : vector<1024x128xf32>
    %select_n3A_42 = arith.select %le3A_39, %select_n3A_37, %select_n3A_27 : vector<1024x128xi1>, vector<1024x128xi32>
    %select_n3A_43 = arith.select %le3A_39, %select_n3A_27, %select_n3A_37 : vector<1024x128xi1>, vector<1024x128xi32>
    %le3A_44 = arith.cmpf ole, %min3A_29, %max3A_40 : vector<1024x128xf32>
    %min3A_45 = arith.minimumf %min3A_29, %max3A_40 : vector<1024x128xf32>
    %select_n3A_46 = arith.select %le3A_44, %select_n3A_30, %select_n3A_42 : vector<1024x128xi1>, vector<1024x128xi32>
    %slice3A_47 = vector.extract_strided_slice %add3A_16 {offsets = [0, 256], sizes = [1024, 128], strides = [1, 1]} : vector<1024x4096xf32> to vector<1024x128xf32>
    %broadcast_in_dim3A_48 = arith.constant 2 : i32
    %broadcast_in_dim3A_49 = vector.broadcast %broadcast_in_dim3A_48 : i32 to vector<1024x128xi32>
    %le3A_50 = arith.cmpf ole, %min3A_36, %slice3A_47 : vector<1024x128xf32>
    %max3A_51 = arith.maximumf %min3A_36, %slice3A_47 : vector<1024x128xf32>
    %min3A_52 = arith.minimumf %min3A_36, %slice3A_47 : vector<1024x128xf32>
    %select_n3A_53 = arith.select %le3A_50, %broadcast_in_dim3A_49, %select_n3A_38 : vector<1024x128xi1>, vector<1024x128xi32>
    %select_n3A_54 = arith.select %le3A_50, %select_n3A_38, %broadcast_in_dim3A_49 : vector<1024x128xi1>, vector<1024x128xi32>
    %le3A_55 = arith.cmpf ole, %min3A_41, %max3A_51 : vector<1024x128xf32>
    %max3A_56 = arith.maximumf %min3A_41, %max3A_51 : vector<1024x128xf32>
    %min3A_57 = arith.minimumf %min3A_41, %max3A_51 : vector<1024x128xf32>
    %select_n3A_58 = arith.select %le3A_55, %select_n3A_53, %select_n3A_43 : vector<1024x128xi1>, vector<1024x128xi32>
    %select_n3A_59 = arith.select %le3A_55, %select_n3A_43, %select_n3A_53 : vector<1024x128xi1>, vector<1024x128xi32>
    %le3A_60 = arith.cmpf ole, %min3A_45, %max3A_56 : vector<1024x128xf32>
    %min3A_61 = arith.minimumf %min3A_45, %max3A_56 : vector<1024x128xf32>
    %select_n3A_62 = arith.select %le3A_60, %select_n3A_46, %select_n3A_58 : vector<1024x128xi1>, vector<1024x128xi32>
    %slice3A_63 = vector.extract_strided_slice %add3A_16 {offsets = [0, 384], sizes = [1024, 128], strides = [1, 1]} : vector<1024x4096xf32> to vector<1024x128xf32>
    %broadcast_in_dim3A_64 = arith.constant 3 : i32
    %broadcast_in_dim3A_65 = vector.broadcast %broadcast_in_dim3A_64 : i32 to vector<1024x128xi32>
    %le3A_66 = arith.cmpf ole, %min3A_52, %slice3A_63 : vector<1024x128xf32>
    %max3A_67 = arith.maximumf %min3A_52, %slice3A_63 : vector<1024x128xf32>
    %min3A_68 = arith.minimumf %min3A_52, %slice3A_63 : vector<1024x128xf32>
    %select_n3A_69 = arith.select %le3A_66, %broadcast_in_dim3A_65, %select_n3A_54 : vector<1024x128xi1>, vector<1024x128xi32>
    %select_n3A_70 = arith.select %le3A_66, %select_n3A_54, %broadcast_in_dim3A_65 : vector<1024x128xi1>, vector<1024x128xi32>
    %le3A_71 = arith.cmpf ole, %min3A_57, %max3A_67 : vector<1024x128xf32>
    %max3A_72 = arith.maximumf %min3A_57, %max3A_67 : vector<1024x128xf32>
    %min3A_73 = arith.minimumf %min3A_57, %max3A_67 : vector<1024x128xf32>
    %select_n3A_74 = arith.select %le3A_71, %select_n3A_69, %select_n3A_59 : vector<1024x128xi1>, vector<1024x128xi32>
    %select_n3A_75 = arith.select %le3A_71, %select_n3A_59, %select_n3A_69 : vector<1024x128xi1>, vector<1024x128xi32>
    %le3A_76 = arith.cmpf ole, %min3A_61, %max3A_72 : vector<1024x128xf32>
    %min3A_77 = arith.minimumf %min3A_61, %max3A_72 : vector<1024x128xf32>
    %select_n3A_78 = arith.select %le3A_76, %select_n3A_62, %select_n3A_74 : vector<1024x128xi1>, vector<1024x128xi32>
    %slice3A_79 = vector.extract_strided_slice %add3A_16 {offsets = [0, 512], sizes = [1024, 128], strides = [1, 1]} : vector<1024x4096xf32> to vector<1024x128xf32>
    %broadcast_in_dim3A_80 = arith.constant 4 : i32
    %broadcast_in_dim3A_81 = vector.broadcast %broadcast_in_dim3A_80 : i32 to vector<1024x128xi32>
    %le3A_82 = arith.cmpf ole, %min3A_68, %slice3A_79 : vector<1024x128xf32>
    %max3A_83 = arith.maximumf %min3A_68, %slice3A_79 : vector<1024x128xf32>
    %min3A_84 = arith.minimumf %min3A_68, %slice3A_79 : vector<1024x128xf32>
    %select_n3A_85 = arith.select %le3A_82, %broadcast_in_dim3A_81, %select_n3A_70 : vector<1024x128xi1>, vector<1024x128xi32>
    %select_n3A_86 = arith.select %le3A_82, %select_n3A_70, %broadcast_in_dim3A_81 : vector<1024x128xi1>, vector<1024x128xi32>
    %le3A_87 = arith.cmpf ole, %min3A_73, %max3A_83 : vector<1024x128xf32>
    %max3A_88 = arith.maximumf %min3A_73, %max3A_83 : vector<1024x128xf32>
    %min3A_89 = arith.minimumf %min3A_73, %max3A_83 : vector<1024x128xf32>
    %select_n3A_90 = arith.select %le3A_87, %select_n3A_85, %select_n3A_75 : vector<1024x128xi1>, vector<1024x128xi32>
    %select_n3A_91 = arith.select %le3A_87, %select_n3A_75, %select_n3A_85 : vector<1024x128xi1>, vector<1024x128xi32>
    %le3A_92 = arith.cmpf ole, %min3A_77, %max3A_88 : vector<1024x128xf32>
    %min3A_93 = arith.minimumf %min3A_77, %max3A_88 : vector<1024x128xf32>
    %select_n3A_94 = arith.select %le3A_92, %select_n3A_78, %select_n3A_90 : vector<1024x128xi1>, vector<1024x128xi32>
    %slice3A_95 = vector.extract_strided_slice %add3A_16 {offsets = [0, 640], sizes = [1024, 128], strides = [1, 1]} : vector<1024x4096xf32> to vector<1024x128xf32>
    %broadcast_in_dim3A_96 = arith.constant 5 : i32
    %broadcast_in_dim3A_97 = vector.broadcast %broadcast_in_dim3A_96 : i32 to vector<1024x128xi32>
    %le3A_98 = arith.cmpf ole, %min3A_84, %slice3A_95 : vector<1024x128xf32>
    %max3A_99 = arith.maximumf %min3A_84, %slice3A_95 : vector<1024x128xf32>
    %min3A_100 = arith.minimumf %min3A_84, %slice3A_95 : vector<1024x128xf32>
    %select_n3A_101 = arith.select %le3A_98, %broadcast_in_dim3A_97, %select_n3A_86 : vector<1024x128xi1>, vector<1024x128xi32>
    %select_n3A_102 = arith.select %le3A_98, %select_n3A_86, %broadcast_in_dim3A_97 : vector<1024x128xi1>, vector<1024x128xi32>
    %le3A_103 = arith.cmpf ole, %min3A_89, %max3A_99 : vector<1024x128xf32>
    %max3A_104 = arith.maximumf %min3A_89, %max3A_99 : vector<1024x128xf32>
    %min3A_105 = arith.minimumf %min3A_89, %max3A_99 : vector<1024x128xf32>
    %select_n3A_106 = arith.select %le3A_103, %select_n3A_101, %select_n3A_91 : vector<1024x128xi1>, vector<1024x128xi32>
    %select_n3A_107 = arith.select %le3A_103, %select_n3A_91, %select_n3A_101 : vector<1024x128xi1>, vector<1024x128xi32>
    %le3A_108 = arith.cmpf ole, %min3A_93, %max3A_104 : vector<1024x128xf32>
    %min3A_109 = arith.minimumf %min3A_93, %max3A_104 : vector<1024x128xf32>
    %select_n3A_110 = arith.select %le3A_108, %select_n3A_94, %select_n3A_106 : vector<1024x128xi1>, vector<1024x128xi32>
    %slice3A_111 = vector.extract_strided_slice %add3A_16 {offsets = [0, 768], sizes = [1024, 128], strides = [1, 1]} : vector<1024x4096xf32> to vector<1024x128xf32>
    %broadcast_in_dim3A_112 = arith.constant 6 : i32
    %broadcast_in_dim3A_113 = vector.broadcast %broadcast_in_dim3A_112 : i32 to vector<1024x128xi32>
    %le3A_114 = arith.cmpf ole, %min3A_100, %slice3A_111 : vector<1024x128xf32>
    %max3A_115 = arith.maximumf %min3A_100, %slice3A_111 : vector<1024x128xf32>
    %min3A_116 = arith.minimumf %min3A_100, %slice3A_111 : vector<1024x128xf32>
    %select_n3A_117 = arith.select %le3A_114, %broadcast_in_dim3A_113, %select_n3A_102 : vector<1024x128xi1>, vector<1024x128xi32>
    %select_n3A_118 = arith.select %le3A_114, %select_n3A_102, %broadcast_in_dim3A_113 : vector<1024x128xi1>, vector<1024x128xi32>
    %le3A_119 = arith.cmpf ole, %min3A_105, %max3A_115 : vector<1024x128xf32>
    %max3A_120 = arith.maximumf %min3A_105, %max3A_115 : vector<1024x128xf32>
    %min3A_121 = arith.minimumf %min3A_105, %max3A_115 : vector<1024x128xf32>
    %select_n3A_122 = arith.select %le3A_119, %select_n3A_117, %select_n3A_107 : vector<1024x128xi1>, vector<1024x128xi32>
    %select_n3A_123 = arith.select %le3A_119, %select_n3A_107, %select_n3A_117 : vector<1024x128xi1>, vector<1024x128xi32>
    %le3A_124 = arith.cmpf ole, %min3A_109, %max3A_120 : vector<1024x128xf32>
    %min3A_125 = arith.minimumf %min3A_109, %max3A_120 : vector<1024x128xf32>
    %select_n3A_126 = arith.select %le3A_124, %select_n3A_110, %select_n3A_122 : vector<1024x128xi1>, vector<1024x128xi32>
    %slice3A_127 = vector.extract_strided_slice %add3A_16 {offsets = [0, 896], sizes = [1024, 128], strides = [1, 1]} : vector<1024x4096xf32> to vector<1024x128xf32>
    %broadcast_in_dim3A_128 = arith.constant 7 : i32
    %broadcast_in_dim3A_129 = vector.broadcast %broadcast_in_dim3A_128 : i32 to vector<1024x128xi32>
    %le3A_130 = arith.cmpf ole, %min3A_116, %slice3A_127 : vector<1024x128xf32>
    %max3A_131 = arith.maximumf %min3A_116, %slice3A_127 : vector<1024x128xf32>
    %min3A_132 = arith.minimumf %min3A_116, %slice3A_127 : vector<1024x128xf32>
    %select_n3A_133 = arith.select %le3A_130, %broadcast_in_dim3A_129, %select_n3A_118 : vector<1024x128xi1>, vector<1024x128xi32>
    %select_n3A_134 = arith.select %le3A_130, %select_n3A_118, %broadcast_in_dim3A_129 : vector<1024x128xi1>, vector<1024x128xi32>
    %le3A_135 = arith.cmpf ole, %min3A_121, %max3A_131 : vector<1024x128xf32>
    %max3A_136 = arith.maximumf %min3A_121, %max3A_131 : vector<1024x128xf32>
    %min3A_137 = arith.minimumf %min3A_121, %max3A_131 : vector<1024x128xf32>
    %select_n3A_138 = arith.select %le3A_135, %select_n3A_133, %select_n3A_123 : vector<1024x128xi1>, vector<1024x128xi32>
    %select_n3A_139 = arith.select %le3A_135, %select_n3A_123, %select_n3A_133 : vector<1024x128xi1>, vector<1024x128xi32>
    %le3A_140 = arith.cmpf ole, %min3A_125, %max3A_136 : vector<1024x128xf32>
    %min3A_141 = arith.minimumf %min3A_125, %max3A_136 : vector<1024x128xf32>
    %select_n3A_142 = arith.select %le3A_140, %select_n3A_126, %select_n3A_138 : vector<1024x128xi1>, vector<1024x128xi32>
    %slice3A_143 = vector.extract_strided_slice %add3A_16 {offsets = [0, 1024], sizes = [1024, 128], strides = [1, 1]} : vector<1024x4096xf32> to vector<1024x128xf32>
    %broadcast_in_dim3A_144 = arith.constant 8 : i32
    %broadcast_in_dim3A_145 = vector.broadcast %broadcast_in_dim3A_144 : i32 to vector<1024x128xi32>
    %le3A_146 = arith.cmpf ole, %min3A_132, %slice3A_143 : vector<1024x128xf32>
    %max3A_147 = arith.maximumf %min3A_132, %slice3A_143 : vector<1024x128xf32>
    %min3A_148 = arith.minimumf %min3A_132, %slice3A_143 : vector<1024x128xf32>
    %select_n3A_149 = arith.select %le3A_146, %broadcast_in_dim3A_145, %select_n3A_134 : vector<1024x128xi1>, vector<1024x128xi32>
    %select_n3A_150 = arith.select %le3A_146, %select_n3A_134, %broadcast_in_dim3A_145 : vector<1024x128xi1>, vector<1024x128xi32>
    %le3A_151 = arith.cmpf ole, %min3A_137, %max3A_147 : vector<1024x128xf32>
    %max3A_152 = arith.maximumf %min3A_137, %max3A_147 : vector<1024x128xf32>
    %min3A_153 = arith.minimumf %min3A_137, %max3A_147 : vector<1024x128xf32>
    %select_n3A_154 = arith.select %le3A_151, %select_n3A_149, %select_n3A_139 : vector<1024x128xi1>, vector<1024x128xi32>
    %select_n3A_155 = arith.select %le3A_151, %select_n3A_139, %select_n3A_149 : vector<1024x128xi1>, vector<1024x128xi32>
    %le3A_156 = arith.cmpf ole, %min3A_141, %max3A_152 : vector<1024x128xf32>
    %min3A_157 = arith.minimumf %min3A_141, %max3A_152 : vector<1024x128xf32>
    %select_n3A_158 = arith.select %le3A_156, %select_n3A_142, %select_n3A_154 : vector<1024x128xi1>, vector<1024x128xi32>
    %slice3A_159 = vector.extract_strided_slice %add3A_16 {offsets = [0, 1152], sizes = [1024, 128], strides = [1, 1]} : vector<1024x4096xf32> to vector<1024x128xf32>
    %broadcast_in_dim3A_160 = arith.constant 9 : i32
    %broadcast_in_dim3A_161 = vector.broadcast %broadcast_in_dim3A_160 : i32 to vector<1024x128xi32>
    %le3A_162 = arith.cmpf ole, %min3A_148, %slice3A_159 : vector<1024x128xf32>
    %max3A_163 = arith.maximumf %min3A_148, %slice3A_159 : vector<1024x128xf32>
    %min3A_164 = arith.minimumf %min3A_148, %slice3A_159 : vector<1024x128xf32>
    %select_n3A_165 = arith.select %le3A_162, %broadcast_in_dim3A_161, %select_n3A_150 : vector<1024x128xi1>, vector<1024x128xi32>
    %select_n3A_166 = arith.select %le3A_162, %select_n3A_150, %broadcast_in_dim3A_161 : vector<1024x128xi1>, vector<1024x128xi32>
    %le3A_167 = arith.cmpf ole, %min3A_153, %max3A_163 : vector<1024x128xf32>
    %max3A_168 = arith.maximumf %min3A_153, %max3A_163 : vector<1024x128xf32>
    %min3A_169 = arith.minimumf %min3A_153, %max3A_163 : vector<1024x128xf32>
    %select_n3A_170 = arith.select %le3A_167, %select_n3A_165, %select_n3A_155 : vector<1024x128xi1>, vector<1024x128xi32>
    %select_n3A_171 = arith.select %le3A_167, %select_n3A_155, %select_n3A_165 : vector<1024x128xi1>, vector<1024x128xi32>
    %le3A_172 = arith.cmpf ole, %min3A_157, %max3A_168 : vector<1024x128xf32>
    %min3A_173 = arith.minimumf %min3A_157, %max3A_168 : vector<1024x128xf32>
    %select_n3A_174 = arith.select %le3A_172, %select_n3A_158, %select_n3A_170 : vector<1024x128xi1>, vector<1024x128xi32>
    %slice3A_175 = vector.extract_strided_slice %add3A_16 {offsets = [0, 1280], sizes = [1024, 128], strides = [1, 1]} : vector<1024x4096xf32> to vector<1024x128xf32>
    %broadcast_in_dim3A_176 = arith.constant 10 : i32
    %broadcast_in_dim3A_177 = vector.broadcast %broadcast_in_dim3A_176 : i32 to vector<1024x128xi32>
    %le3A_178 = arith.cmpf ole, %min3A_164, %slice3A_175 : vector<1024x128xf32>
    %max3A_179 = arith.maximumf %min3A_164, %slice3A_175 : vector<1024x128xf32>
    %min3A_180 = arith.minimumf %min3A_164, %slice3A_175 : vector<1024x128xf32>
    %select_n3A_181 = arith.select %le3A_178, %broadcast_in_dim3A_177, %select_n3A_166 : vector<1024x128xi1>, vector<1024x128xi32>
    %select_n3A_182 = arith.select %le3A_178, %select_n3A_166, %broadcast_in_dim3A_177 : vector<1024x128xi1>, vector<1024x128xi32>
    %le3A_183 = arith.cmpf ole, %min3A_169, %max3A_179 : vector<1024x128xf32>
    %max3A_184 = arith.maximumf %min3A_169, %max3A_179 : vector<1024x128xf32>
    %min3A_185 = arith.minimumf %min3A_169, %max3A_179 : vector<1024x128xf32>
    %select_n3A_186 = arith.select %le3A_183, %select_n3A_181, %select_n3A_171 : vector<1024x128xi1>, vector<1024x128xi32>
    %select_n3A_187 = arith.select %le3A_183, %select_n3A_171, %select_n3A_181 : vector<1024x128xi1>, vector<1024x128xi32>
    %le3A_188 = arith.cmpf ole, %min3A_173, %max3A_184 : vector<1024x128xf32>
    %min3A_189 = arith.minimumf %min3A_173, %max3A_184 : vector<1024x128xf32>
    %select_n3A_190 = arith.select %le3A_188, %select_n3A_174, %select_n3A_186 : vector<1024x128xi1>, vector<1024x128xi32>
    %slice3A_191 = vector.extract_strided_slice %add3A_16 {offsets = [0, 1408], sizes = [1024, 128], strides = [1, 1]} : vector<1024x4096xf32> to vector<1024x128xf32>
    %broadcast_in_dim3A_192 = arith.constant 11 : i32
    %broadcast_in_dim3A_193 = vector.broadcast %broadcast_in_dim3A_192 : i32 to vector<1024x128xi32>
    %le3A_194 = arith.cmpf ole, %min3A_180, %slice3A_191 : vector<1024x128xf32>
    %max3A_195 = arith.maximumf %min3A_180, %slice3A_191 : vector<1024x128xf32>
    %min3A_196 = arith.minimumf %min3A_180, %slice3A_191 : vector<1024x128xf32>
    %select_n3A_197 = arith.select %le3A_194, %broadcast_in_dim3A_193, %select_n3A_182 : vector<1024x128xi1>, vector<1024x128xi32>
    %select_n3A_198 = arith.select %le3A_194, %select_n3A_182, %broadcast_in_dim3A_193 : vector<1024x128xi1>, vector<1024x128xi32>
    %le3A_199 = arith.cmpf ole, %min3A_185, %max3A_195 : vector<1024x128xf32>
    %max3A_200 = arith.maximumf %min3A_185, %max3A_195 : vector<1024x128xf32>
    %min3A_201 = arith.minimumf %min3A_185, %max3A_195 : vector<1024x128xf32>
    %select_n3A_202 = arith.select %le3A_199, %select_n3A_197, %select_n3A_187 : vector<1024x128xi1>, vector<1024x128xi32>
    %select_n3A_203 = arith.select %le3A_199, %select_n3A_187, %select_n3A_197 : vector<1024x128xi1>, vector<1024x128xi32>
    %le3A_204 = arith.cmpf ole, %min3A_189, %max3A_200 : vector<1024x128xf32>
    %min3A_205 = arith.minimumf %min3A_189, %max3A_200 : vector<1024x128xf32>
    %select_n3A_206 = arith.select %le3A_204, %select_n3A_190, %select_n3A_202 : vector<1024x128xi1>, vector<1024x128xi32>
    %slice3A_207 = vector.extract_strided_slice %add3A_16 {offsets = [0, 1536], sizes = [1024, 128], strides = [1, 1]} : vector<1024x4096xf32> to vector<1024x128xf32>
    %broadcast_in_dim3A_208 = arith.constant 12 : i32
    %broadcast_in_dim3A_209 = vector.broadcast %broadcast_in_dim3A_208 : i32 to vector<1024x128xi32>
    %le3A_210 = arith.cmpf ole, %min3A_196, %slice3A_207 : vector<1024x128xf32>
    %max3A_211 = arith.maximumf %min3A_196, %slice3A_207 : vector<1024x128xf32>
    %min3A_212 = arith.minimumf %min3A_196, %slice3A_207 : vector<1024x128xf32>
    %select_n3A_213 = arith.select %le3A_210, %broadcast_in_dim3A_209, %select_n3A_198 : vector<1024x128xi1>, vector<1024x128xi32>
    %select_n3A_214 = arith.select %le3A_210, %select_n3A_198, %broadcast_in_dim3A_209 : vector<1024x128xi1>, vector<1024x128xi32>
    %le3A_215 = arith.cmpf ole, %min3A_201, %max3A_211 : vector<1024x128xf32>
    %max3A_216 = arith.maximumf %min3A_201, %max3A_211 : vector<1024x128xf32>
    %min3A_217 = arith.minimumf %min3A_201, %max3A_211 : vector<1024x128xf32>
    %select_n3A_218 = arith.select %le3A_215, %select_n3A_213, %select_n3A_203 : vector<1024x128xi1>, vector<1024x128xi32>
    %select_n3A_219 = arith.select %le3A_215, %select_n3A_203, %select_n3A_213 : vector<1024x128xi1>, vector<1024x128xi32>
    %le3A_220 = arith.cmpf ole, %min3A_205, %max3A_216 : vector<1024x128xf32>
    %min3A_221 = arith.minimumf %min3A_205, %max3A_216 : vector<1024x128xf32>
    %select_n3A_222 = arith.select %le3A_220, %select_n3A_206, %select_n3A_218 : vector<1024x128xi1>, vector<1024x128xi32>
    %slice3A_223 = vector.extract_strided_slice %add3A_16 {offsets = [0, 1664], sizes = [1024, 128], strides = [1, 1]} : vector<1024x4096xf32> to vector<1024x128xf32>
    %broadcast_in_dim3A_224 = arith.constant 13 : i32
    %broadcast_in_dim3A_225 = vector.broadcast %broadcast_in_dim3A_224 : i32 to vector<1024x128xi32>
    %le3A_226 = arith.cmpf ole, %min3A_212, %slice3A_223 : vector<1024x128xf32>
    %max3A_227 = arith.maximumf %min3A_212, %slice3A_223 : vector<1024x128xf32>
    %min3A_228 = arith.minimumf %min3A_212, %slice3A_223 : vector<1024x128xf32>
    %select_n3A_229 = arith.select %le3A_226, %broadcast_in_dim3A_225, %select_n3A_214 : vector<1024x128xi1>, vector<1024x128xi32>
    %select_n3A_230 = arith.select %le3A_226, %select_n3A_214, %broadcast_in_dim3A_225 : vector<1024x128xi1>, vector<1024x128xi32>
    %le3A_231 = arith.cmpf ole, %min3A_217, %max3A_227 : vector<1024x128xf32>
    %max3A_232 = arith.maximumf %min3A_217, %max3A_227 : vector<1024x128xf32>
    %min3A_233 = arith.minimumf %min3A_217, %max3A_227 : vector<1024x128xf32>
    %select_n3A_234 = arith.select %le3A_231, %select_n3A_229, %select_n3A_219 : vector<1024x128xi1>, vector<1024x128xi32>
    %select_n3A_235 = arith.select %le3A_231, %select_n3A_219, %select_n3A_229 : vector<1024x128xi1>, vector<1024x128xi32>
    %le3A_236 = arith.cmpf ole, %min3A_221, %max3A_232 : vector<1024x128xf32>
    %min3A_237 = arith.minimumf %min3A_221, %max3A_232 : vector<1024x128xf32>
    %select_n3A_238 = arith.select %le3A_236, %select_n3A_222, %select_n3A_234 : vector<1024x128xi1>, vector<1024x128xi32>
    %slice3A_239 = vector.extract_strided_slice %add3A_16 {offsets = [0, 1792], sizes = [1024, 128], strides = [1, 1]} : vector<1024x4096xf32> to vector<1024x128xf32>
    %broadcast_in_dim3A_240 = arith.constant 14 : i32
    %broadcast_in_dim3A_241 = vector.broadcast %broadcast_in_dim3A_240 : i32 to vector<1024x128xi32>
    %le3A_242 = arith.cmpf ole, %min3A_228, %slice3A_239 : vector<1024x128xf32>
    %max3A_243 = arith.maximumf %min3A_228, %slice3A_239 : vector<1024x128xf32>
    %min3A_244 = arith.minimumf %min3A_228, %slice3A_239 : vector<1024x128xf32>
    %select_n3A_245 = arith.select %le3A_242, %broadcast_in_dim3A_241, %select_n3A_230 : vector<1024x128xi1>, vector<1024x128xi32>
    %select_n3A_246 = arith.select %le3A_242, %select_n3A_230, %broadcast_in_dim3A_241 : vector<1024x128xi1>, vector<1024x128xi32>
    %le3A_247 = arith.cmpf ole, %min3A_233, %max3A_243 : vector<1024x128xf32>
    %max3A_248 = arith.maximumf %min3A_233, %max3A_243 : vector<1024x128xf32>
    %min3A_249 = arith.minimumf %min3A_233, %max3A_243 : vector<1024x128xf32>
    %select_n3A_250 = arith.select %le3A_247, %select_n3A_245, %select_n3A_235 : vector<1024x128xi1>, vector<1024x128xi32>
    %select_n3A_251 = arith.select %le3A_247, %select_n3A_235, %select_n3A_245 : vector<1024x128xi1>, vector<1024x128xi32>
    %le3A_252 = arith.cmpf ole, %min3A_237, %max3A_248 : vector<1024x128xf32>
    %min3A_253 = arith.minimumf %min3A_237, %max3A_248 : vector<1024x128xf32>
    %select_n3A_254 = arith.select %le3A_252, %select_n3A_238, %select_n3A_250 : vector<1024x128xi1>, vector<1024x128xi32>
    %slice3A_255 = vector.extract_strided_slice %add3A_16 {offsets = [0, 1920], sizes = [1024, 128], strides = [1, 1]} : vector<1024x4096xf32> to vector<1024x128xf32>
    %broadcast_in_dim3A_256 = arith.constant 15 : i32
    %broadcast_in_dim3A_257 = vector.broadcast %broadcast_in_dim3A_256 : i32 to vector<1024x128xi32>
    %le3A_258 = arith.cmpf ole, %min3A_244, %slice3A_255 : vector<1024x128xf32>
    %max3A_259 = arith.maximumf %min3A_244, %slice3A_255 : vector<1024x128xf32>
    %min3A_260 = arith.minimumf %min3A_244, %slice3A_255 : vector<1024x128xf32>
    %select_n3A_261 = arith.select %le3A_258, %broadcast_in_dim3A_257, %select_n3A_246 : vector<1024x128xi1>, vector<1024x128xi32>
    %select_n3A_262 = arith.select %le3A_258, %select_n3A_246, %broadcast_in_dim3A_257 : vector<1024x128xi1>, vector<1024x128xi32>
    %le3A_263 = arith.cmpf ole, %min3A_249, %max3A_259 : vector<1024x128xf32>
    %max3A_264 = arith.maximumf %min3A_249, %max3A_259 : vector<1024x128xf32>
    %min3A_265 = arith.minimumf %min3A_249, %max3A_259 : vector<1024x128xf32>
    %select_n3A_266 = arith.select %le3A_263, %select_n3A_261, %select_n3A_251 : vector<1024x128xi1>, vector<1024x128xi32>
    %select_n3A_267 = arith.select %le3A_263, %select_n3A_251, %select_n3A_261 : vector<1024x128xi1>, vector<1024x128xi32>
    %le3A_268 = arith.cmpf ole, %min3A_253, %max3A_264 : vector<1024x128xf32>
    %min3A_269 = arith.minimumf %min3A_253, %max3A_264 : vector<1024x128xf32>
    %select_n3A_270 = arith.select %le3A_268, %select_n3A_254, %select_n3A_266 : vector<1024x128xi1>, vector<1024x128xi32>
    %slice3A_271 = vector.extract_strided_slice %add3A_16 {offsets = [0, 2048], sizes = [1024, 128], strides = [1, 1]} : vector<1024x4096xf32> to vector<1024x128xf32>
    %broadcast_in_dim3A_272 = arith.constant 16 : i32
    %broadcast_in_dim3A_273 = vector.broadcast %broadcast_in_dim3A_272 : i32 to vector<1024x128xi32>
    %le3A_274 = arith.cmpf ole, %min3A_260, %slice3A_271 : vector<1024x128xf32>
    %max3A_275 = arith.maximumf %min3A_260, %slice3A_271 : vector<1024x128xf32>
    %min3A_276 = arith.minimumf %min3A_260, %slice3A_271 : vector<1024x128xf32>
    %select_n3A_277 = arith.select %le3A_274, %broadcast_in_dim3A_273, %select_n3A_262 : vector<1024x128xi1>, vector<1024x128xi32>
    %select_n3A_278 = arith.select %le3A_274, %select_n3A_262, %broadcast_in_dim3A_273 : vector<1024x128xi1>, vector<1024x128xi32>
    %le3A_279 = arith.cmpf ole, %min3A_265, %max3A_275 : vector<1024x128xf32>
    %max3A_280 = arith.maximumf %min3A_265, %max3A_275 : vector<1024x128xf32>
    %min3A_281 = arith.minimumf %min3A_265, %max3A_275 : vector<1024x128xf32>
    %select_n3A_282 = arith.select %le3A_279, %select_n3A_277, %select_n3A_267 : vector<1024x128xi1>, vector<1024x128xi32>
    %select_n3A_283 = arith.select %le3A_279, %select_n3A_267, %select_n3A_277 : vector<1024x128xi1>, vector<1024x128xi32>
    %le3A_284 = arith.cmpf ole, %min3A_269, %max3A_280 : vector<1024x128xf32>
    %min3A_285 = arith.minimumf %min3A_269, %max3A_280 : vector<1024x128xf32>
    %select_n3A_286 = arith.select %le3A_284, %select_n3A_270, %select_n3A_282 : vector<1024x128xi1>, vector<1024x128xi32>
    %slice3A_287 = vector.extract_strided_slice %add3A_16 {offsets = [0, 2176], sizes = [1024, 128], strides = [1, 1]} : vector<1024x4096xf32> to vector<1024x128xf32>
    %broadcast_in_dim3A_288 = arith.constant 17 : i32
    %broadcast_in_dim3A_289 = vector.broadcast %broadcast_in_dim3A_288 : i32 to vector<1024x128xi32>
    %le3A_290 = arith.cmpf ole, %min3A_276, %slice3A_287 : vector<1024x128xf32>
    %max3A_291 = arith.maximumf %min3A_276, %slice3A_287 : vector<1024x128xf32>
    %min3A_292 = arith.minimumf %min3A_276, %slice3A_287 : vector<1024x128xf32>
    %select_n3A_293 = arith.select %le3A_290, %broadcast_in_dim3A_289, %select_n3A_278 : vector<1024x128xi1>, vector<1024x128xi32>
    %select_n3A_294 = arith.select %le3A_290, %select_n3A_278, %broadcast_in_dim3A_289 : vector<1024x128xi1>, vector<1024x128xi32>
    %le3A_295 = arith.cmpf ole, %min3A_281, %max3A_291 : vector<1024x128xf32>
    %max3A_296 = arith.maximumf %min3A_281, %max3A_291 : vector<1024x128xf32>
    %min3A_297 = arith.minimumf %min3A_281, %max3A_291 : vector<1024x128xf32>
    %select_n3A_298 = arith.select %le3A_295, %select_n3A_293, %select_n3A_283 : vector<1024x128xi1>, vector<1024x128xi32>
    %select_n3A_299 = arith.select %le3A_295, %select_n3A_283, %select_n3A_293 : vector<1024x128xi1>, vector<1024x128xi32>
    %le3A_300 = arith.cmpf ole, %min3A_285, %max3A_296 : vector<1024x128xf32>
    %min3A_301 = arith.minimumf %min3A_285, %max3A_296 : vector<1024x128xf32>
    %select_n3A_302 = arith.select %le3A_300, %select_n3A_286, %select_n3A_298 : vector<1024x128xi1>, vector<1024x128xi32>
    %slice3A_303 = vector.extract_strided_slice %add3A_16 {offsets = [0, 2304], sizes = [1024, 128], strides = [1, 1]} : vector<1024x4096xf32> to vector<1024x128xf32>
    %broadcast_in_dim3A_304 = arith.constant 18 : i32
    %broadcast_in_dim3A_305 = vector.broadcast %broadcast_in_dim3A_304 : i32 to vector<1024x128xi32>
    %le3A_306 = arith.cmpf ole, %min3A_292, %slice3A_303 : vector<1024x128xf32>
    %max3A_307 = arith.maximumf %min3A_292, %slice3A_303 : vector<1024x128xf32>
    %min3A_308 = arith.minimumf %min3A_292, %slice3A_303 : vector<1024x128xf32>
    %select_n3A_309 = arith.select %le3A_306, %broadcast_in_dim3A_305, %select_n3A_294 : vector<1024x128xi1>, vector<1024x128xi32>
    %select_n3A_310 = arith.select %le3A_306, %select_n3A_294, %broadcast_in_dim3A_305 : vector<1024x128xi1>, vector<1024x128xi32>
    %le3A_311 = arith.cmpf ole, %min3A_297, %max3A_307 : vector<1024x128xf32>
    %max3A_312 = arith.maximumf %min3A_297, %max3A_307 : vector<1024x128xf32>
    %min3A_313 = arith.minimumf %min3A_297, %max3A_307 : vector<1024x128xf32>
    %select_n3A_314 = arith.select %le3A_311, %select_n3A_309, %select_n3A_299 : vector<1024x128xi1>, vector<1024x128xi32>
    %select_n3A_315 = arith.select %le3A_311, %select_n3A_299, %select_n3A_309 : vector<1024x128xi1>, vector<1024x128xi32>
    %le3A_316 = arith.cmpf ole, %min3A_301, %max3A_312 : vector<1024x128xf32>
    %min3A_317 = arith.minimumf %min3A_301, %max3A_312 : vector<1024x128xf32>
    %select_n3A_318 = arith.select %le3A_316, %select_n3A_302, %select_n3A_314 : vector<1024x128xi1>, vector<1024x128xi32>
    %slice3A_319 = vector.extract_strided_slice %add3A_16 {offsets = [0, 2432], sizes = [1024, 128], strides = [1, 1]} : vector<1024x4096xf32> to vector<1024x128xf32>
    %broadcast_in_dim3A_320 = arith.constant 19 : i32
    %broadcast_in_dim3A_321 = vector.broadcast %broadcast_in_dim3A_320 : i32 to vector<1024x128xi32>
    %le3A_322 = arith.cmpf ole, %min3A_308, %slice3A_319 : vector<1024x128xf32>
    %max3A_323 = arith.maximumf %min3A_308, %slice3A_319 : vector<1024x128xf32>
    %min3A_324 = arith.minimumf %min3A_308, %slice3A_319 : vector<1024x128xf32>
    %select_n3A_325 = arith.select %le3A_322, %broadcast_in_dim3A_321, %select_n3A_310 : vector<1024x128xi1>, vector<1024x128xi32>
    %select_n3A_326 = arith.select %le3A_322, %select_n3A_310, %broadcast_in_dim3A_321 : vector<1024x128xi1>, vector<1024x128xi32>
    %le3A_327 = arith.cmpf ole, %min3A_313, %max3A_323 : vector<1024x128xf32>
    %max3A_328 = arith.maximumf %min3A_313, %max3A_323 : vector<1024x128xf32>
    %min3A_329 = arith.minimumf %min3A_313, %max3A_323 : vector<1024x128xf32>
    %select_n3A_330 = arith.select %le3A_327, %select_n3A_325, %select_n3A_315 : vector<1024x128xi1>, vector<1024x128xi32>
    %select_n3A_331 = arith.select %le3A_327, %select_n3A_315, %select_n3A_325 : vector<1024x128xi1>, vector<1024x128xi32>
    %le3A_332 = arith.cmpf ole, %min3A_317, %max3A_328 : vector<1024x128xf32>
    %min3A_333 = arith.minimumf %min3A_317, %max3A_328 : vector<1024x128xf32>
    %select_n3A_334 = arith.select %le3A_332, %select_n3A_318, %select_n3A_330 : vector<1024x128xi1>, vector<1024x128xi32>
    %slice3A_335 = vector.extract_strided_slice %add3A_16 {offsets = [0, 2560], sizes = [1024, 128], strides = [1, 1]} : vector<1024x4096xf32> to vector<1024x128xf32>
    %broadcast_in_dim3A_336 = arith.constant 20 : i32
    %broadcast_in_dim3A_337 = vector.broadcast %broadcast_in_dim3A_336 : i32 to vector<1024x128xi32>
    %le3A_338 = arith.cmpf ole, %min3A_324, %slice3A_335 : vector<1024x128xf32>
    %max3A_339 = arith.maximumf %min3A_324, %slice3A_335 : vector<1024x128xf32>
    %min3A_340 = arith.minimumf %min3A_324, %slice3A_335 : vector<1024x128xf32>
    %select_n3A_341 = arith.select %le3A_338, %broadcast_in_dim3A_337, %select_n3A_326 : vector<1024x128xi1>, vector<1024x128xi32>
    %select_n3A_342 = arith.select %le3A_338, %select_n3A_326, %broadcast_in_dim3A_337 : vector<1024x128xi1>, vector<1024x128xi32>
    %le3A_343 = arith.cmpf ole, %min3A_329, %max3A_339 : vector<1024x128xf32>
    %max3A_344 = arith.maximumf %min3A_329, %max3A_339 : vector<1024x128xf32>
    %min3A_345 = arith.minimumf %min3A_329, %max3A_339 : vector<1024x128xf32>
    %select_n3A_346 = arith.select %le3A_343, %select_n3A_341, %select_n3A_331 : vector<1024x128xi1>, vector<1024x128xi32>
    %select_n3A_347 = arith.select %le3A_343, %select_n3A_331, %select_n3A_341 : vector<1024x128xi1>, vector<1024x128xi32>
    %le3A_348 = arith.cmpf ole, %min3A_333, %max3A_344 : vector<1024x128xf32>
    %min3A_349 = arith.minimumf %min3A_333, %max3A_344 : vector<1024x128xf32>
    %select_n3A_350 = arith.select %le3A_348, %select_n3A_334, %select_n3A_346 : vector<1024x128xi1>, vector<1024x128xi32>
    %slice3A_351 = vector.extract_strided_slice %add3A_16 {offsets = [0, 2688], sizes = [1024, 128], strides = [1, 1]} : vector<1024x4096xf32> to vector<1024x128xf32>
    %broadcast_in_dim3A_352 = arith.constant 21 : i32
    %broadcast_in_dim3A_353 = vector.broadcast %broadcast_in_dim3A_352 : i32 to vector<1024x128xi32>
    %le3A_354 = arith.cmpf ole, %min3A_340, %slice3A_351 : vector<1024x128xf32>
    %max3A_355 = arith.maximumf %min3A_340, %slice3A_351 : vector<1024x128xf32>
    %min3A_356 = arith.minimumf %min3A_340, %slice3A_351 : vector<1024x128xf32>
    %select_n3A_357 = arith.select %le3A_354, %broadcast_in_dim3A_353, %select_n3A_342 : vector<1024x128xi1>, vector<1024x128xi32>
    %select_n3A_358 = arith.select %le3A_354, %select_n3A_342, %broadcast_in_dim3A_353 : vector<1024x128xi1>, vector<1024x128xi32>
    %le3A_359 = arith.cmpf ole, %min3A_345, %max3A_355 : vector<1024x128xf32>
    %max3A_360 = arith.maximumf %min3A_345, %max3A_355 : vector<1024x128xf32>
    %min3A_361 = arith.minimumf %min3A_345, %max3A_355 : vector<1024x128xf32>
    %select_n3A_362 = arith.select %le3A_359, %select_n3A_357, %select_n3A_347 : vector<1024x128xi1>, vector<1024x128xi32>
    %select_n3A_363 = arith.select %le3A_359, %select_n3A_347, %select_n3A_357 : vector<1024x128xi1>, vector<1024x128xi32>
    %le3A_364 = arith.cmpf ole, %min3A_349, %max3A_360 : vector<1024x128xf32>
    %min3A_365 = arith.minimumf %min3A_349, %max3A_360 : vector<1024x128xf32>
    %select_n3A_366 = arith.select %le3A_364, %select_n3A_350, %select_n3A_362 : vector<1024x128xi1>, vector<1024x128xi32>
    %slice3A_367 = vector.extract_strided_slice %add3A_16 {offsets = [0, 2816], sizes = [1024, 128], strides = [1, 1]} : vector<1024x4096xf32> to vector<1024x128xf32>
    %broadcast_in_dim3A_368 = arith.constant 22 : i32
    %broadcast_in_dim3A_369 = vector.broadcast %broadcast_in_dim3A_368 : i32 to vector<1024x128xi32>
    %le3A_370 = arith.cmpf ole, %min3A_356, %slice3A_367 : vector<1024x128xf32>
    %max3A_371 = arith.maximumf %min3A_356, %slice3A_367 : vector<1024x128xf32>
    %min3A_372 = arith.minimumf %min3A_356, %slice3A_367 : vector<1024x128xf32>
    %select_n3A_373 = arith.select %le3A_370, %broadcast_in_dim3A_369, %select_n3A_358 : vector<1024x128xi1>, vector<1024x128xi32>
    %select_n3A_374 = arith.select %le3A_370, %select_n3A_358, %broadcast_in_dim3A_369 : vector<1024x128xi1>, vector<1024x128xi32>
    %le3A_375 = arith.cmpf ole, %min3A_361, %max3A_371 : vector<1024x128xf32>
    %max3A_376 = arith.maximumf %min3A_361, %max3A_371 : vector<1024x128xf32>
    %min3A_377 = arith.minimumf %min3A_361, %max3A_371 : vector<1024x128xf32>
    %select_n3A_378 = arith.select %le3A_375, %select_n3A_373, %select_n3A_363 : vector<1024x128xi1>, vector<1024x128xi32>
    %select_n3A_379 = arith.select %le3A_375, %select_n3A_363, %select_n3A_373 : vector<1024x128xi1>, vector<1024x128xi32>
    %le3A_380 = arith.cmpf ole, %min3A_365, %max3A_376 : vector<1024x128xf32>
    %min3A_381 = arith.minimumf %min3A_365, %max3A_376 : vector<1024x128xf32>
    %select_n3A_382 = arith.select %le3A_380, %select_n3A_366, %select_n3A_378 : vector<1024x128xi1>, vector<1024x128xi32>
    %slice3A_383 = vector.extract_strided_slice %add3A_16 {offsets = [0, 2944], sizes = [1024, 128], strides = [1, 1]} : vector<1024x4096xf32> to vector<1024x128xf32>
    %broadcast_in_dim3A_384 = arith.constant 23 : i32
    %broadcast_in_dim3A_385 = vector.broadcast %broadcast_in_dim3A_384 : i32 to vector<1024x128xi32>
    %le3A_386 = arith.cmpf ole, %min3A_372, %slice3A_383 : vector<1024x128xf32>
    %max3A_387 = arith.maximumf %min3A_372, %slice3A_383 : vector<1024x128xf32>
    %min3A_388 = arith.minimumf %min3A_372, %slice3A_383 : vector<1024x128xf32>
    %select_n3A_389 = arith.select %le3A_386, %broadcast_in_dim3A_385, %select_n3A_374 : vector<1024x128xi1>, vector<1024x128xi32>
    %select_n3A_390 = arith.select %le3A_386, %select_n3A_374, %broadcast_in_dim3A_385 : vector<1024x128xi1>, vector<1024x128xi32>
    %le3A_391 = arith.cmpf ole, %min3A_377, %max3A_387 : vector<1024x128xf32>
    %max3A_392 = arith.maximumf %min3A_377, %max3A_387 : vector<1024x128xf32>
    %min3A_393 = arith.minimumf %min3A_377, %max3A_387 : vector<1024x128xf32>
    %select_n3A_394 = arith.select %le3A_391, %select_n3A_389, %select_n3A_379 : vector<1024x128xi1>, vector<1024x128xi32>
    %select_n3A_395 = arith.select %le3A_391, %select_n3A_379, %select_n3A_389 : vector<1024x128xi1>, vector<1024x128xi32>
    %le3A_396 = arith.cmpf ole, %min3A_381, %max3A_392 : vector<1024x128xf32>
    %min3A_397 = arith.minimumf %min3A_381, %max3A_392 : vector<1024x128xf32>
    %select_n3A_398 = arith.select %le3A_396, %select_n3A_382, %select_n3A_394 : vector<1024x128xi1>, vector<1024x128xi32>
    %slice3A_399 = vector.extract_strided_slice %add3A_16 {offsets = [0, 3072], sizes = [1024, 128], strides = [1, 1]} : vector<1024x4096xf32> to vector<1024x128xf32>
    %broadcast_in_dim3A_400 = arith.constant 24 : i32
    %broadcast_in_dim3A_401 = vector.broadcast %broadcast_in_dim3A_400 : i32 to vector<1024x128xi32>
    %le3A_402 = arith.cmpf ole, %min3A_388, %slice3A_399 : vector<1024x128xf32>
    %max3A_403 = arith.maximumf %min3A_388, %slice3A_399 : vector<1024x128xf32>
    %min3A_404 = arith.minimumf %min3A_388, %slice3A_399 : vector<1024x128xf32>
    %select_n3A_405 = arith.select %le3A_402, %broadcast_in_dim3A_401, %select_n3A_390 : vector<1024x128xi1>, vector<1024x128xi32>
    %select_n3A_406 = arith.select %le3A_402, %select_n3A_390, %broadcast_in_dim3A_401 : vector<1024x128xi1>, vector<1024x128xi32>
    %le3A_407 = arith.cmpf ole, %min3A_393, %max3A_403 : vector<1024x128xf32>
    %max3A_408 = arith.maximumf %min3A_393, %max3A_403 : vector<1024x128xf32>
    %min3A_409 = arith.minimumf %min3A_393, %max3A_403 : vector<1024x128xf32>
    %select_n3A_410 = arith.select %le3A_407, %select_n3A_405, %select_n3A_395 : vector<1024x128xi1>, vector<1024x128xi32>
    %select_n3A_411 = arith.select %le3A_407, %select_n3A_395, %select_n3A_405 : vector<1024x128xi1>, vector<1024x128xi32>
    %le3A_412 = arith.cmpf ole, %min3A_397, %max3A_408 : vector<1024x128xf32>
    %min3A_413 = arith.minimumf %min3A_397, %max3A_408 : vector<1024x128xf32>
    %select_n3A_414 = arith.select %le3A_412, %select_n3A_398, %select_n3A_410 : vector<1024x128xi1>, vector<1024x128xi32>
    %slice3A_415 = vector.extract_strided_slice %add3A_16 {offsets = [0, 3200], sizes = [1024, 128], strides = [1, 1]} : vector<1024x4096xf32> to vector<1024x128xf32>
    %broadcast_in_dim3A_416 = arith.constant 25 : i32
    %broadcast_in_dim3A_417 = vector.broadcast %broadcast_in_dim3A_416 : i32 to vector<1024x128xi32>
    %le3A_418 = arith.cmpf ole, %min3A_404, %slice3A_415 : vector<1024x128xf32>
    %max3A_419 = arith.maximumf %min3A_404, %slice3A_415 : vector<1024x128xf32>
    %min3A_420 = arith.minimumf %min3A_404, %slice3A_415 : vector<1024x128xf32>
    %select_n3A_421 = arith.select %le3A_418, %broadcast_in_dim3A_417, %select_n3A_406 : vector<1024x128xi1>, vector<1024x128xi32>
    %select_n3A_422 = arith.select %le3A_418, %select_n3A_406, %broadcast_in_dim3A_417 : vector<1024x128xi1>, vector<1024x128xi32>
    %le3A_423 = arith.cmpf ole, %min3A_409, %max3A_419 : vector<1024x128xf32>
    %max3A_424 = arith.maximumf %min3A_409, %max3A_419 : vector<1024x128xf32>
    %min3A_425 = arith.minimumf %min3A_409, %max3A_419 : vector<1024x128xf32>
    %select_n3A_426 = arith.select %le3A_423, %select_n3A_421, %select_n3A_411 : vector<1024x128xi1>, vector<1024x128xi32>
    %select_n3A_427 = arith.select %le3A_423, %select_n3A_411, %select_n3A_421 : vector<1024x128xi1>, vector<1024x128xi32>
    %le3A_428 = arith.cmpf ole, %min3A_413, %max3A_424 : vector<1024x128xf32>
    %min3A_429 = arith.minimumf %min3A_413, %max3A_424 : vector<1024x128xf32>
    %select_n3A_430 = arith.select %le3A_428, %select_n3A_414, %select_n3A_426 : vector<1024x128xi1>, vector<1024x128xi32>
    %slice3A_431 = vector.extract_strided_slice %add3A_16 {offsets = [0, 3328], sizes = [1024, 128], strides = [1, 1]} : vector<1024x4096xf32> to vector<1024x128xf32>
    %broadcast_in_dim3A_432 = arith.constant 26 : i32
    %broadcast_in_dim3A_433 = vector.broadcast %broadcast_in_dim3A_432 : i32 to vector<1024x128xi32>
    %le3A_434 = arith.cmpf ole, %min3A_420, %slice3A_431 : vector<1024x128xf32>
    %max3A_435 = arith.maximumf %min3A_420, %slice3A_431 : vector<1024x128xf32>
    %min3A_436 = arith.minimumf %min3A_420, %slice3A_431 : vector<1024x128xf32>
    %select_n3A_437 = arith.select %le3A_434, %broadcast_in_dim3A_433, %select_n3A_422 : vector<1024x128xi1>, vector<1024x128xi32>
    %select_n3A_438 = arith.select %le3A_434, %select_n3A_422, %broadcast_in_dim3A_433 : vector<1024x128xi1>, vector<1024x128xi32>
    %le3A_439 = arith.cmpf ole, %min3A_425, %max3A_435 : vector<1024x128xf32>
    %max3A_440 = arith.maximumf %min3A_425, %max3A_435 : vector<1024x128xf32>
    %min3A_441 = arith.minimumf %min3A_425, %max3A_435 : vector<1024x128xf32>
    %select_n3A_442 = arith.select %le3A_439, %select_n3A_437, %select_n3A_427 : vector<1024x128xi1>, vector<1024x128xi32>
    %select_n3A_443 = arith.select %le3A_439, %select_n3A_427, %select_n3A_437 : vector<1024x128xi1>, vector<1024x128xi32>
    %le3A_444 = arith.cmpf ole, %min3A_429, %max3A_440 : vector<1024x128xf32>
    %min3A_445 = arith.minimumf %min3A_429, %max3A_440 : vector<1024x128xf32>
    %select_n3A_446 = arith.select %le3A_444, %select_n3A_430, %select_n3A_442 : vector<1024x128xi1>, vector<1024x128xi32>
    %slice3A_447 = vector.extract_strided_slice %add3A_16 {offsets = [0, 3456], sizes = [1024, 128], strides = [1, 1]} : vector<1024x4096xf32> to vector<1024x128xf32>
    %broadcast_in_dim3A_448 = arith.constant 27 : i32
    %broadcast_in_dim3A_449 = vector.broadcast %broadcast_in_dim3A_448 : i32 to vector<1024x128xi32>
    %le3A_450 = arith.cmpf ole, %min3A_436, %slice3A_447 : vector<1024x128xf32>
    %max3A_451 = arith.maximumf %min3A_436, %slice3A_447 : vector<1024x128xf32>
    %min3A_452 = arith.minimumf %min3A_436, %slice3A_447 : vector<1024x128xf32>
    %select_n3A_453 = arith.select %le3A_450, %broadcast_in_dim3A_449, %select_n3A_438 : vector<1024x128xi1>, vector<1024x128xi32>
    %select_n3A_454 = arith.select %le3A_450, %select_n3A_438, %broadcast_in_dim3A_449 : vector<1024x128xi1>, vector<1024x128xi32>
    %le3A_455 = arith.cmpf ole, %min3A_441, %max3A_451 : vector<1024x128xf32>
    %max3A_456 = arith.maximumf %min3A_441, %max3A_451 : vector<1024x128xf32>
    %min3A_457 = arith.minimumf %min3A_441, %max3A_451 : vector<1024x128xf32>
    %select_n3A_458 = arith.select %le3A_455, %select_n3A_453, %select_n3A_443 : vector<1024x128xi1>, vector<1024x128xi32>
    %select_n3A_459 = arith.select %le3A_455, %select_n3A_443, %select_n3A_453 : vector<1024x128xi1>, vector<1024x128xi32>
    %le3A_460 = arith.cmpf ole, %min3A_445, %max3A_456 : vector<1024x128xf32>
    %min3A_461 = arith.minimumf %min3A_445, %max3A_456 : vector<1024x128xf32>
    %select_n3A_462 = arith.select %le3A_460, %select_n3A_446, %select_n3A_458 : vector<1024x128xi1>, vector<1024x128xi32>
    %slice3A_463 = vector.extract_strided_slice %add3A_16 {offsets = [0, 3584], sizes = [1024, 128], strides = [1, 1]} : vector<1024x4096xf32> to vector<1024x128xf32>
    %broadcast_in_dim3A_464 = arith.constant 28 : i32
    %broadcast_in_dim3A_465 = vector.broadcast %broadcast_in_dim3A_464 : i32 to vector<1024x128xi32>
    %le3A_466 = arith.cmpf ole, %min3A_452, %slice3A_463 : vector<1024x128xf32>
    %max3A_467 = arith.maximumf %min3A_452, %slice3A_463 : vector<1024x128xf32>
    %min3A_468 = arith.minimumf %min3A_452, %slice3A_463 : vector<1024x128xf32>
    %select_n3A_469 = arith.select %le3A_466, %broadcast_in_dim3A_465, %select_n3A_454 : vector<1024x128xi1>, vector<1024x128xi32>
    %select_n3A_470 = arith.select %le3A_466, %select_n3A_454, %broadcast_in_dim3A_465 : vector<1024x128xi1>, vector<1024x128xi32>
    %le3A_471 = arith.cmpf ole, %min3A_457, %max3A_467 : vector<1024x128xf32>
    %max3A_472 = arith.maximumf %min3A_457, %max3A_467 : vector<1024x128xf32>
    %min3A_473 = arith.minimumf %min3A_457, %max3A_467 : vector<1024x128xf32>
    %select_n3A_474 = arith.select %le3A_471, %select_n3A_469, %select_n3A_459 : vector<1024x128xi1>, vector<1024x128xi32>
    %select_n3A_475 = arith.select %le3A_471, %select_n3A_459, %select_n3A_469 : vector<1024x128xi1>, vector<1024x128xi32>
    %le3A_476 = arith.cmpf ole, %min3A_461, %max3A_472 : vector<1024x128xf32>
    %min3A_477 = arith.minimumf %min3A_461, %max3A_472 : vector<1024x128xf32>
    %select_n3A_478 = arith.select %le3A_476, %select_n3A_462, %select_n3A_474 : vector<1024x128xi1>, vector<1024x128xi32>
    %slice3A_479 = vector.extract_strided_slice %add3A_16 {offsets = [0, 3712], sizes = [1024, 128], strides = [1, 1]} : vector<1024x4096xf32> to vector<1024x128xf32>
    %broadcast_in_dim3A_480 = arith.constant 29 : i32
    %broadcast_in_dim3A_481 = vector.broadcast %broadcast_in_dim3A_480 : i32 to vector<1024x128xi32>
    %le3A_482 = arith.cmpf ole, %min3A_468, %slice3A_479 : vector<1024x128xf32>
    %max3A_483 = arith.maximumf %min3A_468, %slice3A_479 : vector<1024x128xf32>
    %min3A_484 = arith.minimumf %min3A_468, %slice3A_479 : vector<1024x128xf32>
    %select_n3A_485 = arith.select %le3A_482, %broadcast_in_dim3A_481, %select_n3A_470 : vector<1024x128xi1>, vector<1024x128xi32>
    %select_n3A_486 = arith.select %le3A_482, %select_n3A_470, %broadcast_in_dim3A_481 : vector<1024x128xi1>, vector<1024x128xi32>
    %le3A_487 = arith.cmpf ole, %min3A_473, %max3A_483 : vector<1024x128xf32>
    %max3A_488 = arith.maximumf %min3A_473, %max3A_483 : vector<1024x128xf32>
    %min3A_489 = arith.minimumf %min3A_473, %max3A_483 : vector<1024x128xf32>
    %select_n3A_490 = arith.select %le3A_487, %select_n3A_485, %select_n3A_475 : vector<1024x128xi1>, vector<1024x128xi32>
    %select_n3A_491 = arith.select %le3A_487, %select_n3A_475, %select_n3A_485 : vector<1024x128xi1>, vector<1024x128xi32>
    %le3A_492 = arith.cmpf ole, %min3A_477, %max3A_488 : vector<1024x128xf32>
    %min3A_493 = arith.minimumf %min3A_477, %max3A_488 : vector<1024x128xf32>
    %select_n3A_494 = arith.select %le3A_492, %select_n3A_478, %select_n3A_490 : vector<1024x128xi1>, vector<1024x128xi32>
    %slice3A_495 = vector.extract_strided_slice %add3A_16 {offsets = [0, 3840], sizes = [1024, 128], strides = [1, 1]} : vector<1024x4096xf32> to vector<1024x128xf32>
    %broadcast_in_dim3A_496 = arith.constant 30 : i32
    %broadcast_in_dim3A_497 = vector.broadcast %broadcast_in_dim3A_496 : i32 to vector<1024x128xi32>
    %le3A_498 = arith.cmpf ole, %min3A_484, %slice3A_495 : vector<1024x128xf32>
    %max3A_499 = arith.maximumf %min3A_484, %slice3A_495 : vector<1024x128xf32>
    %min3A_500 = arith.minimumf %min3A_484, %slice3A_495 : vector<1024x128xf32>
    %select_n3A_501 = arith.select %le3A_498, %broadcast_in_dim3A_497, %select_n3A_486 : vector<1024x128xi1>, vector<1024x128xi32>
    %select_n3A_502 = arith.select %le3A_498, %select_n3A_486, %broadcast_in_dim3A_497 : vector<1024x128xi1>, vector<1024x128xi32>
    %le3A_503 = arith.cmpf ole, %min3A_489, %max3A_499 : vector<1024x128xf32>
    %max3A_504 = arith.maximumf %min3A_489, %max3A_499 : vector<1024x128xf32>
    %min3A_505 = arith.minimumf %min3A_489, %max3A_499 : vector<1024x128xf32>
    %select_n3A_506 = arith.select %le3A_503, %select_n3A_501, %select_n3A_491 : vector<1024x128xi1>, vector<1024x128xi32>
    %select_n3A_507 = arith.select %le3A_503, %select_n3A_491, %select_n3A_501 : vector<1024x128xi1>, vector<1024x128xi32>
    %le3A_508 = arith.cmpf ole, %min3A_493, %max3A_504 : vector<1024x128xf32>
    %min3A_509 = arith.minimumf %min3A_493, %max3A_504 : vector<1024x128xf32>
    %select_n3A_510 = arith.select %le3A_508, %select_n3A_494, %select_n3A_506 : vector<1024x128xi1>, vector<1024x128xi32>
    %slice3A_511 = vector.extract_strided_slice %add3A_16 {offsets = [0, 3968], sizes = [1024, 128], strides = [1, 1]} : vector<1024x4096xf32> to vector<1024x128xf32>
    %broadcast_in_dim3A_512 = arith.constant 31 : i32
    %broadcast_in_dim3A_513 = vector.broadcast %broadcast_in_dim3A_512 : i32 to vector<1024x128xi32>
    %le3A_514 = arith.cmpf ole, %min3A_500, %slice3A_511 : vector<1024x128xf32>
    %max3A_515 = arith.maximumf %min3A_500, %slice3A_511 : vector<1024x128xf32>
    %min3A_516 = arith.minimumf %min3A_500, %slice3A_511 : vector<1024x128xf32>
    %select_n3A_517 = arith.select %le3A_514, %broadcast_in_dim3A_513, %select_n3A_502 : vector<1024x128xi1>, vector<1024x128xi32>
    %select_n3A_518 = arith.select %le3A_514, %select_n3A_502, %broadcast_in_dim3A_513 : vector<1024x128xi1>, vector<1024x128xi32>
    %le3A_519 = arith.cmpf ole, %min3A_505, %max3A_515 : vector<1024x128xf32>
    %max3A_520 = arith.maximumf %min3A_505, %max3A_515 : vector<1024x128xf32>
    %min3A_521 = arith.minimumf %min3A_505, %max3A_515 : vector<1024x128xf32>
    %select_n3A_522 = arith.select %le3A_519, %select_n3A_517, %select_n3A_507 : vector<1024x128xi1>, vector<1024x128xi32>
    %select_n3A_523 = arith.select %le3A_519, %select_n3A_507, %select_n3A_517 : vector<1024x128xi1>, vector<1024x128xi32>
    %le3A_524 = arith.cmpf ole, %min3A_509, %max3A_520 : vector<1024x128xf32>
    %min3A_525 = arith.minimumf %min3A_509, %max3A_520 : vector<1024x128xf32>
    %select_n3A_526 = arith.select %le3A_524, %select_n3A_510, %select_n3A_522 : vector<1024x128xi1>, vector<1024x128xi32>
    %iota3A = tpu.iota {dimensions = array<i32: 1>} : vector<1024x128xi32>
    %mul3A_527 = arith.constant 128 : i32
    %mul3A_528 = vector.broadcast %mul3A_527 : i32 to vector<1024x128xi32>
    %mul3A_529 = arith.muli %select_n3A_518, %mul3A_528 : vector<1024x128xi32>
    %add3A_530 = arith.addi %mul3A_529, %iota3A : vector<1024x128xi32>
    %mul3A_531 = arith.constant 128 : i32
    %mul3A_532 = vector.broadcast %mul3A_531 : i32 to vector<1024x128xi32>
    %mul3A_533 = arith.muli %select_n3A_523, %mul3A_532 : vector<1024x128xi32>
    %add3A_534 = arith.addi %mul3A_533, %iota3A : vector<1024x128xi32>
    %mul3A_535 = arith.constant 128 : i32
    %mul3A_536 = vector.broadcast %mul3A_535 : i32 to vector<1024x128xi32>
    %mul3A_537 = arith.muli %select_n3A_526, %mul3A_536 : vector<1024x128xi32>
    %add3A_538 = arith.addi %mul3A_537, %iota3A : vector<1024x128xi32>
    %reduce_min3A = arith.constant dense<0x7F800000> : vector<1024xf32>
    %reduce_min3A_539 = vector.multi_reduction <minimumf>, %min3A_516, %reduce_min3A [1] : vector<1024x128xf32> to vector<1024xf32>
    %broadcast_in_dim3A_540 = vector.shape_cast %reduce_min3A_539 : vector<1024xf32> to vector<1024x1xf32>
    %eq3A = vector.broadcast %broadcast_in_dim3A_540 : vector<1024x1xf32> to vector<1024x128xf32>
    %eq3A_541 = arith.cmpf oeq, %min3A_516, %eq3A : vector<1024x128xf32>
    %jit3A = arith.constant 4096 : i32
    %broadcast_in_dim3A_542 = vector.broadcast %jit3A : i32 to vector<1024x128xi32>
    %select_n3A_543 = arith.select %eq3A_541, %add3A_530, %broadcast_in_dim3A_542 : vector<1024x128xi1>, vector<1024x128xi32>
    %reduce_min3A_544 = arith.constant dense<2147483647> : vector<1024xi32>
    %reduce_min3A_545 = vector.multi_reduction <minsi>, %select_n3A_543, %reduce_min3A_544 [1] : vector<1024x128xi32> to vector<1024xi32>
    %broadcast_in_dim3A_546 = vector.shape_cast %reduce_min3A_545 : vector<1024xi32> to vector<1024x1xi32>
    %eq3A_547 = vector.broadcast %broadcast_in_dim3A_546 : vector<1024x1xi32> to vector<1024x128xi32>
    %eq3A_548 = arith.cmpi eq, %add3A_530, %eq3A_547 : vector<1024x128xi32>
    %and3A = arith.andi %eq3A_541, %eq3A_548 : vector<1024x128xi1>
    %select_n3A_549 = arith.select %and3A, %min3A_521, %min3A_516 : vector<1024x128xi1>, vector<1024x128xf32>
    %select_n3A_550 = arith.select %and3A, %add3A_534, %add3A_530 : vector<1024x128xi1>, vector<1024x128xi32>
    %select_n3A_551 = arith.select %and3A, %min3A_525, %min3A_521 : vector<1024x128xi1>, vector<1024x128xf32>
    %select_n3A_552 = arith.select %and3A, %add3A_538, %add3A_534 : vector<1024x128xi1>, vector<1024x128xi32>
    %reduce_min3A_553 = arith.constant dense<0x7F800000> : vector<1024xf32>
    %reduce_min3A_554 = vector.multi_reduction <minimumf>, %select_n3A_549, %reduce_min3A_553 [1] : vector<1024x128xf32> to vector<1024xf32>
    %broadcast_in_dim3A_555 = vector.shape_cast %reduce_min3A_554 : vector<1024xf32> to vector<1024x1xf32>
    %eq3A_556 = vector.broadcast %broadcast_in_dim3A_555 : vector<1024x1xf32> to vector<1024x128xf32>
    %eq3A_557 = arith.cmpf oeq, %select_n3A_549, %eq3A_556 : vector<1024x128xf32>
    %jit3A_558 = arith.constant 4096 : i32
    %broadcast_in_dim3A_559 = vector.broadcast %jit3A_558 : i32 to vector<1024x128xi32>
    %select_n3A_560 = arith.select %eq3A_557, %select_n3A_550, %broadcast_in_dim3A_559 : vector<1024x128xi1>, vector<1024x128xi32>
    %reduce_min3A_561 = arith.constant dense<2147483647> : vector<1024xi32>
    %reduce_min3A_562 = vector.multi_reduction <minsi>, %select_n3A_560, %reduce_min3A_561 [1] : vector<1024x128xi32> to vector<1024xi32>
    %broadcast_in_dim3A_563 = vector.shape_cast %reduce_min3A_562 : vector<1024xi32> to vector<1024x1xi32>
    %eq3A_564 = vector.broadcast %broadcast_in_dim3A_563 : vector<1024x1xi32> to vector<1024x128xi32>
    %eq3A_565 = arith.cmpi eq, %select_n3A_550, %eq3A_564 : vector<1024x128xi32>
    %and3A_566 = arith.andi %eq3A_557, %eq3A_565 : vector<1024x128xi1>
    %select_n3A_567 = arith.select %and3A_566, %select_n3A_551, %select_n3A_549 : vector<1024x128xi1>, vector<1024x128xf32>
    %select_n3A_568 = arith.select %and3A_566, %select_n3A_552, %select_n3A_550 : vector<1024x128xi1>, vector<1024x128xi32>
    %reduce_min3A_569 = arith.constant dense<0x7F800000> : vector<1024xf32>
    %reduce_min3A_570 = vector.multi_reduction <minimumf>, %select_n3A_567, %reduce_min3A_569 [1] : vector<1024x128xf32> to vector<1024xf32>
    %broadcast_in_dim3A_571 = vector.shape_cast %reduce_min3A_570 : vector<1024xf32> to vector<1024x1xf32>
    %eq3A_572 = vector.broadcast %broadcast_in_dim3A_571 : vector<1024x1xf32> to vector<1024x128xf32>
    %eq3A_573 = arith.cmpf oeq, %select_n3A_567, %eq3A_572 : vector<1024x128xf32>
    %jit3A_574 = arith.constant 4096 : i32
    %broadcast_in_dim3A_575 = vector.broadcast %jit3A_574 : i32 to vector<1024x128xi32>
    %select_n3A_576 = arith.select %eq3A_573, %select_n3A_568, %broadcast_in_dim3A_575 : vector<1024x128xi1>, vector<1024x128xi32>
    %reduce_min3A_577 = arith.constant dense<2147483647> : vector<1024xi32>
    %reduce_min3A_578 = vector.multi_reduction <minsi>, %select_n3A_576, %reduce_min3A_577 [1] : vector<1024x128xi32> to vector<1024xi32>
    %broadcast_in_dim3A_579 = vector.shape_cast %reduce_min3A_578 : vector<1024xi32> to vector<1024x1xi32>
    %add3A_580 = arith.constant 9.99999993E-9 : f32
    %add3A_581 = vector.broadcast %add3A_580 : f32 to vector<1024x1xf32>
    %add3A_582 = arith.addf %broadcast_in_dim3A_540, %add3A_581 : vector<1024x1xf32>
    %div3A = arith.constant 1.000000e+00 : f32
    %div3A_583 = vector.broadcast %div3A : f32 to vector<1024x1xf32>
    %div3A_584 = arith.divf %div3A_583, %add3A_582 : vector<1024x1xf32>
    %add3A_585 = arith.constant 9.99999993E-9 : f32
    %add3A_586 = vector.broadcast %add3A_585 : f32 to vector<1024x1xf32>
    %add3A_587 = arith.addf %broadcast_in_dim3A_555, %add3A_586 : vector<1024x1xf32>
    %div3A_588 = arith.constant 1.000000e+00 : f32
    %div3A_589 = vector.broadcast %div3A_588 : f32 to vector<1024x1xf32>
    %div3A_590 = arith.divf %div3A_589, %add3A_587 : vector<1024x1xf32>
    %add3A_591 = arith.constant 9.99999993E-9 : f32
    %add3A_592 = vector.broadcast %add3A_591 : f32 to vector<1024x1xf32>
    %add3A_593 = arith.addf %broadcast_in_dim3A_571, %add3A_592 : vector<1024x1xf32>
    %div3A_594 = arith.constant 1.000000e+00 : f32
    %div3A_595 = vector.broadcast %div3A_594 : f32 to vector<1024x1xf32>
    %div3A_596 = arith.divf %div3A_595, %add3A_593 : vector<1024x1xf32>
    %add3A_597 = arith.addf %div3A_584, %div3A_590 : vector<1024x1xf32>
    %add3A_598 = arith.addf %add3A_597, %div3A_596 : vector<1024x1xf32>
    %div3A_599 = arith.divf %div3A_584, %add3A_598 : vector<1024x1xf32>
    %div3A_600 = arith.divf %div3A_590, %add3A_598 : vector<1024x1xf32>
    %div3A_601 = arith.divf %div3A_596, %add3A_598 : vector<1024x1xf32>
    %concatenate3A = tpu.concatenate %div3A_599, %div3A_600, %div3A_601 in 1 : vector<1024x1xf32>, vector<1024x1xf32>, vector<1024x1xf32> -> vector<1024x3xf32>
    %swap3A = arith.constant 0 : index
    %swap3A_602 = arith.constant 0 : index
    %swap3A_603 = vector.load %arg3[%swap3A, %swap3A_602] : memref<1024x3xf32, #tpu.memory_space<vmem>>, vector<1024x3xf32>
    tpu.vector_store %arg3[%swap3A, %swap3A_602], %concatenate3A {strides = array<i32>} : memref<1024x3xf32, #tpu.memory_space<vmem>>, vector<1024x3xf32>,
    %reshape3A_604 = vector.shape_cast %broadcast_in_dim3A_546 : vector<1024x1xi32> to vector<1x1024xi32>
    %reshape3A_605 = vector.shape_cast %broadcast_in_dim3A_563 : vector<1024x1xi32> to vector<1x1024xi32>
    %reshape3A_606 = vector.shape_cast %broadcast_in_dim3A_579 : vector<1024x1xi32> to vector<1x1024xi32>
    %concatenate3A_607 = tpu.concatenate %reshape3A_604, %reshape3A_605, %reshape3A_606 in 0 : vector<1x1024xi32>, vector<1x1024xi32>, vector<1x1024xi32> -> vector<3x1024xi32>
    %swap3A_608 = arith.constant 0 : index
    %swap3A_609 = arith.constant 0 : index
    %swap3A_610 = vector.load %arg4[%swap3A_608, %swap3A_609] : memref<3x1024xi32, #tpu.memory_space<vmem>>, vector<3x1024xi32>
    tpu.vector_store %arg4[%swap3A_608, %swap3A_609], %concatenate3A_607 {strides = array<i32>} : memref<3x1024xi32, #tpu.memory_space<vmem>>, vector<3x1024xi32>,
    return
  }
  func.func @transform_0(%arg0: i32) -> (i32, i32) {
    %add3A = arith.constant 0 : i32
    %add3A_0 = arith.addi %arg0, %add3A : i32
    %c0_i32 = arith.constant 0 : i32
    %c0_i32_1 = arith.constant 0 : i32
    return %c0_i32, %add3A_0 : i32, i32
  }
  func.func @transform_1(%arg0: i32) -> (i32, i32) {
    %c0_i32 = arith.constant 0 : i32
    %c0_i32_0 = arith.constant 0 : i32
    %c0_i32_1 = arith.constant 0 : i32
    return %c0_i32, %c0_i32_0 : i32, i32
  }
  func.func @transform_2(%arg0: i32) -> (i32, i32) {
    %c0_i32 = arith.constant 0 : i32
    %c0_i32_0 = arith.constant 0 : i32
    return %arg0, %c0_i32 : i32, i32
  }
  func.func @transform_3(%arg0: i32) -> (i32, i32) {
    %c0_i32 = arith.constant 0 : i32
    %c0_i32_0 = arith.constant 0 : i32
    return %c0_i32, %arg0 : i32, i32
  }
}

module attributes {stable_mosaic.version = 14 : i64} {
  func.func @_topk_body(%arg0: i32, %arg1: memref<3x1024xf32, #tpu.memory_space<vmem>>, %arg2: memref<3x4096xf32, #tpu.memory_space<vmem>>, %arg3: memref<1024x3xf32, #tpu.memory_space<vmem>>, %arg4: memref<3x1024xi32, #tpu.memory_space<vmem>>) attributes {dimension_semantics = [#tpu.dimension_semantics<arbitrary>], iteration_bounds = array<i64: 8>, scalar_prefetch = 0 : i64, scratch_operands = 0 : i64, tpu.core_type = #tpu.core_type<tc>, window_params = [{transform_indices = @transform_0, window_bounds = array<i64: 3, 1024>}, {pipeline_mode = #tpu.pipeline_mode<synchronous>, transform_indices = @transform_1, window_bounds = array<i64: 3, 4096>}, {transform_indices = @transform_2, window_bounds = array<i64: 1024, 3>}, {transform_indices = @transform_3, window_bounds = array<i64: 3, 1024>}]} {
    %get3A = arith.constant 0 : index
    %get3A_0 = arith.constant 0 : index
    %get3A_1 = vector.load %arg1[%get3A, %get3A_0] : memref<3x1024xf32, #tpu.memory_space<vmem>>, vector<3x1024xf32>
    %get3A_2 = arith.constant 0 : index
    %get3A_3 = arith.constant 0 : index
    %get3A_4 = vector.load %arg2[%get3A_2, %get3A_3] : memref<3x4096xf32, #tpu.memory_space<vmem>>, vector<3x4096xf32>
    %mul3A = arith.constant -2.000000e+00 : f32
    %mul3A_5 = vector.broadcast %mul3A : f32 to vector<3x1024xf32>
    %mul3A_6 = arith.mulf %mul3A_5, %get3A_1 : vector<3x1024xf32>
    %dot_general3A = arith.constant dense<0.000000e+00> : vector<1024x4096xf32>
    %dot_general3A_7 = tpu.matmul %mul3A_6, %get3A_4, %dot_general3A {dimension_numbers = #tpu.dot_dimension_numbers<[0], [0], [1], [1], [0, 1, 1, 1], [], []>, transpose_lhs_hint = false} : vector<3x1024xf32>, vector<3x4096xf32>, vector<1024x4096xf32> -> vector<1024x4096xf32>
    %mul3A_8 = arith.mulf %get3A_1, %get3A_1 : vector<3x1024xf32>
    %reduce_sum3A = arith.constant dense<0.000000e+00> : vector<1024xf32>
    %reduce_sum3A_9 = vector.multi_reduction <add>, %mul3A_8, %reduce_sum3A [0] : vector<3x1024xf32> to vector<1024xf32>
    %reshape3A = vector.shape_cast %reduce_sum3A_9 : vector<1024xf32> to vector<1024x1xf32>
    %mul3A_10 = arith.mulf %get3A_4, %get3A_4 : vector<3x4096xf32>
    %reduce_sum3A_11 = arith.constant dense<0.000000e+00> : vector<4096xf32>
    %reduce_sum3A_12 = vector.multi_reduction <add>, %mul3A_10, %reduce_sum3A_11 [0] : vector<3x4096xf32> to vector<4096xf32>
    %reshape3A_13 = vector.shape_cast %reduce_sum3A_12 : vector<4096xf32> to vector<1x4096xf32>
    %add3A = vector.broadcast %reshape3A : vector<1024x1xf32> to vector<1024x4096xf32>
    %add3A_14 = arith.addf %dot_general3A_7, %add3A : vector<1024x4096xf32>
    %add3A_15 = vector.broadcast %reshape3A_13 : vector<1x4096xf32> to vector<1024x4096xf32>
    %add3A_16 = arith.addf %add3A_14, %add3A_15 : vector<1024x4096xf32>
    %broadcast_in_dim3A = arith.constant 0x7F800000 : f32
    %broadcast_in_dim3A_17 = vector.broadcast %broadcast_in_dim3A : f32 to vector<1024x128xf32>
    %broadcast_in_dim3A_18 = arith.constant 0 : i32
    %broadcast_in_dim3A_19 = vector.broadcast %broadcast_in_dim3A_18 : i32 to vector<1024x128xi32>
    %slice3A = vector.extract_strided_slice %add3A_16 {offsets = [0, 0], sizes = [1024, 128], strides = [1, 1]} : vector<1024x4096xf32> to vector<1024x128xf32>
    %broadcast_in_dim3A_20 = arith.constant 0 : i32
    %broadcast_in_dim3A_21 = vector.broadcast %broadcast_in_dim3A_20 : i32 to vector<1024x128xi32>
    %le3A = arith.cmpf ole, %broadcast_in_dim3A_17, %slice3A : vector<1024x128xf32>
    %max3A = arith.maximumf %broadcast_in_dim3A_17, %slice3A : vector<1024x128xf32>
    %min3A = arith.minimumf %broadcast_in_dim3A_17, %slice3A : vector<1024x128xf32>
    %select_n3A = arith.select %le3A, %broadcast_in_dim3A_21, %broadcast_in_dim3A_19 : vector<1024x128xi1>, vector<1024x128xi32>
    %select_n3A_22 = arith.select %le3A, %broadcast_in_dim3A_19, %broadcast_in_dim3A_21 : vector<1024x128xi1>, vector<1024x128xi32>
    %le3A_23 = arith.cmpf ole, %broadcast_in_dim3A_17, %max3A : vector<1024x128xf32>
    %max3A_24 = arith.maximumf %broadcast_in_dim3A_17, %max3A : vector<1024x128xf32>
    %min3A_25 = arith.minimumf %broadcast_in_dim3A_17, %max3A : vector<1024x128xf32>
    %select_n3A_26 = arith.select %le3A_23, %select_n3A, %broadcast_in_dim3A_19 : vector<1024x128xi1>, vector<1024x128xi32>
    %select_n3A_27 = arith.select %le3A_23, %broadcast_in_dim3A_19, %select_n3A : vector<1024x128xi1>, vector<1024x128xi32>
    %le3A_28 = arith.cmpf ole, %broadcast_in_dim3A_17, %max3A_24 : vector<1024x128xf32>
    %min3A_29 = arith.minimumf %broadcast_in_dim3A_17, %max3A_24 : vector<1024x128xf32>
    %select_n3A_30 = arith.select %le3A_28, %broadcast_in_dim3A_19, %select_n3A_26 : vector<1024x128xi1>, vector<1024x128xi32>
    %slice3A_31 = vector.extract_strided_slice %add3A_16 {offsets = [0, 128], sizes = [1024, 128], strides = [1, 1]} : vector<1024x4096xf32> to vector<1024x128xf32>
    %broadcast_in_dim3A_32 = arith.constant 1 : i32
    %broadcast_in_dim3A_33 = vector.broadcast %broadcast_in_dim3A_32 : i32 to vector<1024x128xi32>
    %le3A_34 = arith.cmpf ole, %min3A, %slice3A_31 : vector<1024x128xf32>
    %max3A_35 = arith.maximumf %min3A, %slice3A_31 : vector<1024x128xf32>
    %min3A_36 = arith.minimumf %min3A, %slice3A_31 : vector<1024x128xf32>
    %select_n3A_37 = arith.select %le3A_34, %broadcast_in_dim3A_33, %select_n3A_22 : vector<1024x128xi1>, vector<1024x128xi32>
    %select_n3A_38 = arith.select %le3A_34, %select_n3A_22, %broadcast_in_dim3A_33 : vector<1024x128xi1>, vector<1024x128xi32>
    %le3A_39 = arith.cmpf ole, %min3A_25, %max3A_35 : vector<1024x128xf32>
    %max3A_40 = arith.maximumf %min3A_25, %max3A_35 : vector<1024x128xf32>
    %min3A_41 = arith.minimumf %min3A_25, %max3A_35 : vector<1024x128xf32>
    %select_n3A_42 = arith.select %le3A_39, %select_n3A_37, %select_n3A_27 : vector<1024x128xi1>, vector<1024x128xi32>
    %select_n3A_43 = arith.select %le3A_39, %select_n3A_27, %select_n3A_37 : vector<1024x128xi1>, vector<1024x128xi32>
    %le3A_44 = arith.cmpf ole, %min3A_29, %max3A_40 : vector<1024x128xf32>
    %min3A_45 = arith.minimumf %min3A_29, %max3A_40 : vector<1024x128xf32>
    %select_n3A_46 = arith.select %le3A_44, %select_n3A_30, %select_n3A_42 : vector<1024x128xi1>, vector<1024x128xi32>
    %slice3A_47 = vector.extract_strided_slice %add3A_16 {offsets = [0, 256], sizes = [1024, 128], strides = [1, 1]} : vector<1024x4096xf32> to vector<1024x128xf32>
    %broadcast_in_dim3A_48 = arith.constant 2 : i32
    %broadcast_in_dim3A_49 = vector.broadcast %broadcast_in_dim3A_48 : i32 to vector<1024x128xi32>
    %le3A_50 = arith.cmpf ole, %min3A_36, %slice3A_47 : vector<1024x128xf32>
    %max3A_51 = arith.maximumf %min3A_36, %slice3A_47 : vector<1024x128xf32>
    %min3A_52 = arith.minimumf %min3A_36, %slice3A_47 : vector<1024x128xf32>
    %select_n3A_53 = arith.select %le3A_50, %broadcast_in_dim3A_49, %select_n3A_38 : vector<1024x128xi1>, vector<1024x128xi32>
    %select_n3A_54 = arith.select %le3A_50, %select_n3A_38, %broadcast_in_dim3A_49 : vector<1024x128xi1>, vector<1024x128xi32>
    %le3A_55 = arith.cmpf ole, %min3A_41, %max3A_51 : vector<1024x128xf32>
    %max3A_56 = arith.maximumf %min3A_41, %max3A_51 : vector<1024x128xf32>
    %min3A_57 = arith.minimumf %min3A_41, %max3A_51 : vector<1024x128xf32>
    %select_n3A_58 = arith.select %le3A_55, %select_n3A_53, %select_n3A_43 : vector<1024x128xi1>, vector<1024x128xi32>
    %select_n3A_59 = arith.select %le3A_55, %select_n3A_43, %select_n3A_53 : vector<1024x128xi1>, vector<1024x128xi32>
    %le3A_60 = arith.cmpf ole, %min3A_45, %max3A_56 : vector<1024x128xf32>
    %min3A_61 = arith.minimumf %min3A_45, %max3A_56 : vector<1024x128xf32>
    %select_n3A_62 = arith.select %le3A_60, %select_n3A_46, %select_n3A_58 : vector<1024x128xi1>, vector<1024x128xi32>
    %slice3A_63 = vector.extract_strided_slice %add3A_16 {offsets = [0, 384], sizes = [1024, 128], strides = [1, 1]} : vector<1024x4096xf32> to vector<1024x128xf32>
    %broadcast_in_dim3A_64 = arith.constant 3 : i32
    %broadcast_in_dim3A_65 = vector.broadcast %broadcast_in_dim3A_64 : i32 to vector<1024x128xi32>
    %le3A_66 = arith.cmpf ole, %min3A_52, %slice3A_63 : vector<1024x128xf32>
    %max3A_67 = arith.maximumf %min3A_52, %slice3A_63 : vector<1024x128xf32>
    %min3A_68 = arith.minimumf %min3A_52, %slice3A_63 : vector<1024x128xf32>
    %select_n3A_69 = arith.select %le3A_66, %broadcast_in_dim3A_65, %select_n3A_54 : vector<1024x128xi1>, vector<1024x128xi32>
    %select_n3A_70 = arith.select %le3A_66, %select_n3A_54, %broadcast_in_dim3A_65 : vector<1024x128xi1>, vector<1024x128xi32>
    %le3A_71 = arith.cmpf ole, %min3A_57, %max3A_67 : vector<1024x128xf32>
    %max3A_72 = arith.maximumf %min3A_57, %max3A_67 : vector<1024x128xf32>
    %min3A_73 = arith.minimumf %min3A_57, %max3A_67 : vector<1024x128xf32>
    %select_n3A_74 = arith.select %le3A_71, %select_n3A_69, %select_n3A_59 : vector<1024x128xi1>, vector<1024x128xi32>
    %select_n3A_75 = arith.select %le3A_71, %select_n3A_59, %select_n3A_69 : vector<1024x128xi1>, vector<1024x128xi32>
    %le3A_76 = arith.cmpf ole, %min3A_61, %max3A_72 : vector<1024x128xf32>
    %min3A_77 = arith.minimumf %min3A_61, %max3A_72 : vector<1024x128xf32>
    %select_n3A_78 = arith.select %le3A_76, %select_n3A_62, %select_n3A_74 : vector<1024x128xi1>, vector<1024x128xi32>
    %slice3A_79 = vector.extract_strided_slice %add3A_16 {offsets = [0, 512], sizes = [1024, 128], strides = [1, 1]} : vector<1024x4096xf32> to vector<1024x128xf32>
    %broadcast_in_dim3A_80 = arith.constant 4 : i32
    %broadcast_in_dim3A_81 = vector.broadcast %broadcast_in_dim3A_80 : i32 to vector<1024x128xi32>
    %le3A_82 = arith.cmpf ole, %min3A_68, %slice3A_79 : vector<1024x128xf32>
    %max3A_83 = arith.maximumf %min3A_68, %slice3A_79 : vector<1024x128xf32>
    %min3A_84 = arith.minimumf %min3A_68, %slice3A_79 : vector<1024x128xf32>
    %select_n3A_85 = arith.select %le3A_82, %broadcast_in_dim3A_81, %select_n3A_70 : vector<1024x128xi1>, vector<1024x128xi32>
    %select_n3A_86 = arith.select %le3A_82, %select_n3A_70, %broadcast_in_dim3A_81 : vector<1024x128xi1>, vector<1024x128xi32>
    %le3A_87 = arith.cmpf ole, %min3A_73, %max3A_83 : vector<1024x128xf32>
    %max3A_88 = arith.maximumf %min3A_73, %max3A_83 : vector<1024x128xf32>
    %min3A_89 = arith.minimumf %min3A_73, %max3A_83 : vector<1024x128xf32>
    %select_n3A_90 = arith.select %le3A_87, %select_n3A_85, %select_n3A_75 : vector<1024x128xi1>, vector<1024x128xi32>
    %select_n3A_91 = arith.select %le3A_87, %select_n3A_75, %select_n3A_85 : vector<1024x128xi1>, vector<1024x128xi32>
    %le3A_92 = arith.cmpf ole, %min3A_77, %max3A_88 : vector<1024x128xf32>
    %min3A_93 = arith.minimumf %min3A_77, %max3A_88 : vector<1024x128xf32>
    %select_n3A_94 = arith.select %le3A_92, %select_n3A_78, %select_n3A_90 : vector<1024x128xi1>, vector<1024x128xi32>
    %slice3A_95 = vector.extract_strided_slice %add3A_16 {offsets = [0, 640], sizes = [1024, 128], strides = [1, 1]} : vector<1024x4096xf32> to vector<1024x128xf32>
    %broadcast_in_dim3A_96 = arith.constant 5 : i32
    %broadcast_in_dim3A_97 = vector.broadcast %broadcast_in_dim3A_96 : i32 to vector<1024x128xi32>
    %le3A_98 = arith.cmpf ole, %min3A_84, %slice3A_95 : vector<1024x128xf32>
    %max3A_99 = arith.maximumf %min3A_84, %slice3A_95 : vector<1024x128xf32>
    %min3A_100 = arith.minimumf %min3A_84, %slice3A_95 : vector<1024x128xf32>
    %select_n3A_101 = arith.select %le3A_98, %broadcast_in_dim3A_97, %select_n3A_86 : vector<1024x128xi1>, vector<1024x128xi32>
    %select_n3A_102 = arith.select %le3A_98, %select_n3A_86, %broadcast_in_dim3A_97 : vector<1024x128xi1>, vector<1024x128xi32>
    %le3A_103 = arith.cmpf ole, %min3A_89, %max3A_99 : vector<1024x128xf32>
    %max3A_104 = arith.maximumf %min3A_89, %max3A_99 : vector<1024x128xf32>
    %min3A_105 = arith.minimumf %min3A_89, %max3A_99 : vector<1024x128xf32>
    %select_n3A_106 = arith.select %le3A_103, %select_n3A_101, %select_n3A_91 : vector<1024x128xi1>, vector<1024x128xi32>
    %select_n3A_107 = arith.select %le3A_103, %select_n3A_91, %select_n3A_101 : vector<1024x128xi1>, vector<1024x128xi32>
    %le3A_108 = arith.cmpf ole, %min3A_93, %max3A_104 : vector<1024x128xf32>
    %min3A_109 = arith.minimumf %min3A_93, %max3A_104 : vector<1024x128xf32>
    %select_n3A_110 = arith.select %le3A_108, %select_n3A_94, %select_n3A_106 : vector<1024x128xi1>, vector<1024x128xi32>
    %slice3A_111 = vector.extract_strided_slice %add3A_16 {offsets = [0, 768], sizes = [1024, 128], strides = [1, 1]} : vector<1024x4096xf32> to vector<1024x128xf32>
    %broadcast_in_dim3A_112 = arith.constant 6 : i32
    %broadcast_in_dim3A_113 = vector.broadcast %broadcast_in_dim3A_112 : i32 to vector<1024x128xi32>
    %le3A_114 = arith.cmpf ole, %min3A_100, %slice3A_111 : vector<1024x128xf32>
    %max3A_115 = arith.maximumf %min3A_100, %slice3A_111 : vector<1024x128xf32>
    %min3A_116 = arith.minimumf %min3A_100, %slice3A_111 : vector<1024x128xf32>
    %select_n3A_117 = arith.select %le3A_114, %broadcast_in_dim3A_113, %select_n3A_102 : vector<1024x128xi1>, vector<1024x128xi32>
    %select_n3A_118 = arith.select %le3A_114, %select_n3A_102, %broadcast_in_dim3A_113 : vector<1024x128xi1>, vector<1024x128xi32>
    %le3A_119 = arith.cmpf ole, %min3A_105, %max3A_115 : vector<1024x128xf32>
    %max3A_120 = arith.maximumf %min3A_105, %max3A_115 : vector<1024x128xf32>
    %min3A_121 = arith.minimumf %min3A_105, %max3A_115 : vector<1024x128xf32>
    %select_n3A_122 = arith.select %le3A_119, %select_n3A_117, %select_n3A_107 : vector<1024x128xi1>, vector<1024x128xi32>
    %select_n3A_123 = arith.select %le3A_119, %select_n3A_107, %select_n3A_117 : vector<1024x128xi1>, vector<1024x128xi32>
    %le3A_124 = arith.cmpf ole, %min3A_109, %max3A_120 : vector<1024x128xf32>
    %min3A_125 = arith.minimumf %min3A_109, %max3A_120 : vector<1024x128xf32>
    %select_n3A_126 = arith.select %le3A_124, %select_n3A_110, %select_n3A_122 : vector<1024x128xi1>, vector<1024x128xi32>
    %slice3A_127 = vector.extract_strided_slice %add3A_16 {offsets = [0, 896], sizes = [1024, 128], strides = [1, 1]} : vector<1024x4096xf32> to vector<1024x128xf32>
    %broadcast_in_dim3A_128 = arith.constant 7 : i32
    %broadcast_in_dim3A_129 = vector.broadcast %broadcast_in_dim3A_128 : i32 to vector<1024x128xi32>
    %le3A_130 = arith.cmpf ole, %min3A_116, %slice3A_127 : vector<1024x128xf32>
    %max3A_131 = arith.maximumf %min3A_116, %slice3A_127 : vector<1024x128xf32>
    %min3A_132 = arith.minimumf %min3A_116, %slice3A_127 : vector<1024x128xf32>
    %select_n3A_133 = arith.select %le3A_130, %broadcast_in_dim3A_129, %select_n3A_118 : vector<1024x128xi1>, vector<1024x128xi32>
    %select_n3A_134 = arith.select %le3A_130, %select_n3A_118, %broadcast_in_dim3A_129 : vector<1024x128xi1>, vector<1024x128xi32>
    %le3A_135 = arith.cmpf ole, %min3A_121, %max3A_131 : vector<1024x128xf32>
    %max3A_136 = arith.maximumf %min3A_121, %max3A_131 : vector<1024x128xf32>
    %min3A_137 = arith.minimumf %min3A_121, %max3A_131 : vector<1024x128xf32>
    %select_n3A_138 = arith.select %le3A_135, %select_n3A_133, %select_n3A_123 : vector<1024x128xi1>, vector<1024x128xi32>
    %select_n3A_139 = arith.select %le3A_135, %select_n3A_123, %select_n3A_133 : vector<1024x128xi1>, vector<1024x128xi32>
    %le3A_140 = arith.cmpf ole, %min3A_125, %max3A_136 : vector<1024x128xf32>
    %min3A_141 = arith.minimumf %min3A_125, %max3A_136 : vector<1024x128xf32>
    %select_n3A_142 = arith.select %le3A_140, %select_n3A_126, %select_n3A_138 : vector<1024x128xi1>, vector<1024x128xi32>
    %slice3A_143 = vector.extract_strided_slice %add3A_16 {offsets = [0, 1024], sizes = [1024, 128], strides = [1, 1]} : vector<1024x4096xf32> to vector<1024x128xf32>
    %broadcast_in_dim3A_144 = arith.constant 8 : i32
    %broadcast_in_dim3A_145 = vector.broadcast %broadcast_in_dim3A_144 : i32 to vector<1024x128xi32>
    %le3A_146 = arith.cmpf ole, %min3A_132, %slice3A_143 : vector<1024x128xf32>
    %max3A_147 = arith.maximumf %min3A_132, %slice3A_143 : vector<1024x128xf32>
    %min3A_148 = arith.minimumf %min3A_132, %slice3A_143 : vector<1024x128xf32>
    %select_n3A_149 = arith.select %le3A_146, %broadcast_in_dim3A_145, %select_n3A_134 : vector<1024x128xi1>, vector<1024x128xi32>
    %select_n3A_150 = arith.select %le3A_146, %select_n3A_134, %broadcast_in_dim3A_145 : vector<1024x128xi1>, vector<1024x128xi32>
    %le3A_151 = arith.cmpf ole, %min3A_137, %max3A_147 : vector<1024x128xf32>
    %max3A_152 = arith.maximumf %min3A_137, %max3A_147 : vector<1024x128xf32>
    %min3A_153 = arith.minimumf %min3A_137, %max3A_147 : vector<1024x128xf32>
    %select_n3A_154 = arith.select %le3A_151, %select_n3A_149, %select_n3A_139 : vector<1024x128xi1>, vector<1024x128xi32>
    %select_n3A_155 = arith.select %le3A_151, %select_n3A_139, %select_n3A_149 : vector<1024x128xi1>, vector<1024x128xi32>
    %le3A_156 = arith.cmpf ole, %min3A_141, %max3A_152 : vector<1024x128xf32>
    %min3A_157 = arith.minimumf %min3A_141, %max3A_152 : vector<1024x128xf32>
    %select_n3A_158 = arith.select %le3A_156, %select_n3A_142, %select_n3A_154 : vector<1024x128xi1>, vector<1024x128xi32>
    %slice3A_159 = vector.extract_strided_slice %add3A_16 {offsets = [0, 1152], sizes = [1024, 128], strides = [1, 1]} : vector<1024x4096xf32> to vector<1024x128xf32>
    %broadcast_in_dim3A_160 = arith.constant 9 : i32
    %broadcast_in_dim3A_161 = vector.broadcast %broadcast_in_dim3A_160 : i32 to vector<1024x128xi32>
    %le3A_162 = arith.cmpf ole, %min3A_148, %slice3A_159 : vector<1024x128xf32>
    %max3A_163 = arith.maximumf %min3A_148, %slice3A_159 : vector<1024x128xf32>
    %min3A_164 = arith.minimumf %min3A_148, %slice3A_159 : vector<1024x128xf32>
    %select_n3A_165 = arith.select %le3A_162, %broadcast_in_dim3A_161, %select_n3A_150 : vector<1024x128xi1>, vector<1024x128xi32>
    %select_n3A_166 = arith.select %le3A_162, %select_n3A_150, %broadcast_in_dim3A_161 : vector<1024x128xi1>, vector<1024x128xi32>
    %le3A_167 = arith.cmpf ole, %min3A_153, %max3A_163 : vector<1024x128xf32>
    %max3A_168 = arith.maximumf %min3A_153, %max3A_163 : vector<1024x128xf32>
    %min3A_169 = arith.minimumf %min3A_153, %max3A_163 : vector<1024x128xf32>
    %select_n3A_170 = arith.select %le3A_167, %select_n3A_165, %select_n3A_155 : vector<1024x128xi1>, vector<1024x128xi32>
    %select_n3A_171 = arith.select %le3A_167, %select_n3A_155, %select_n3A_165 : vector<1024x128xi1>, vector<1024x128xi32>
    %le3A_172 = arith.cmpf ole, %min3A_157, %max3A_168 : vector<1024x128xf32>
    %min3A_173 = arith.minimumf %min3A_157, %max3A_168 : vector<1024x128xf32>
    %select_n3A_174 = arith.select %le3A_172, %select_n3A_158, %select_n3A_170 : vector<1024x128xi1>, vector<1024x128xi32>
    %slice3A_175 = vector.extract_strided_slice %add3A_16 {offsets = [0, 1280], sizes = [1024, 128], strides = [1, 1]} : vector<1024x4096xf32> to vector<1024x128xf32>
    %broadcast_in_dim3A_176 = arith.constant 10 : i32
    %broadcast_in_dim3A_177 = vector.broadcast %broadcast_in_dim3A_176 : i32 to vector<1024x128xi32>
    %le3A_178 = arith.cmpf ole, %min3A_164, %slice3A_175 : vector<1024x128xf32>
    %max3A_179 = arith.maximumf %min3A_164, %slice3A_175 : vector<1024x128xf32>
    %min3A_180 = arith.minimumf %min3A_164, %slice3A_175 : vector<1024x128xf32>
    %select_n3A_181 = arith.select %le3A_178, %broadcast_in_dim3A_177, %select_n3A_166 : vector<1024x128xi1>, vector<1024x128xi32>
    %select_n3A_182 = arith.select %le3A_178, %select_n3A_166, %broadcast_in_dim3A_177 : vector<1024x128xi1>, vector<1024x128xi32>
    %le3A_183 = arith.cmpf ole, %min3A_169, %max3A_179 : vector<1024x128xf32>
    %max3A_184 = arith.maximumf %min3A_169, %max3A_179 : vector<1024x128xf32>
    %min3A_185 = arith.minimumf %min3A_169, %max3A_179 : vector<1024x128xf32>
    %select_n3A_186 = arith.select %le3A_183, %select_n3A_181, %select_n3A_171 : vector<1024x128xi1>, vector<1024x128xi32>
    %select_n3A_187 = arith.select %le3A_183, %select_n3A_171, %select_n3A_181 : vector<1024x128xi1>, vector<1024x128xi32>
    %le3A_188 = arith.cmpf ole, %min3A_173, %max3A_184 : vector<1024x128xf32>
    %min3A_189 = arith.minimumf %min3A_173, %max3A_184 : vector<1024x128xf32>
    %select_n3A_190 = arith.select %le3A_188, %select_n3A_174, %select_n3A_186 : vector<1024x128xi1>, vector<1024x128xi32>
    %slice3A_191 = vector.extract_strided_slice %add3A_16 {offsets = [0, 1408], sizes = [1024, 128], strides = [1, 1]} : vector<1024x4096xf32> to vector<1024x128xf32>
    %broadcast_in_dim3A_192 = arith.constant 11 : i32
    %broadcast_in_dim3A_193 = vector.broadcast %broadcast_in_dim3A_192 : i32 to vector<1024x128xi32>
    %le3A_194 = arith.cmpf ole, %min3A_180, %slice3A_191 : vector<1024x128xf32>
    %max3A_195 = arith.maximumf %min3A_180, %slice3A_191 : vector<1024x128xf32>
    %min3A_196 = arith.minimumf %min3A_180, %slice3A_191 : vector<1024x128xf32>
    %select_n3A_197 = arith.select %le3A_194, %broadcast_in_dim3A_193, %select_n3A_182 : vector<1024x128xi1>, vector<1024x128xi32>
    %select_n3A_198 = arith.select %le3A_194, %select_n3A_182, %broadcast_in_dim3A_193 : vector<1024x128xi1>, vector<1024x128xi32>
    %le3A_199 = arith.cmpf ole, %min3A_185, %max3A_195 : vector<1024x128xf32>
    %max3A_200 = arith.maximumf %min3A_185, %max3A_195 : vector<1024x128xf32>
    %min3A_201 = arith.minimumf %min3A_185, %max3A_195 : vector<1024x128xf32>
    %select_n3A_202 = arith.select %le3A_199, %select_n3A_197, %select_n3A_187 : vector<1024x128xi1>, vector<1024x128xi32>
    %select_n3A_203 = arith.select %le3A_199, %select_n3A_187, %select_n3A_197 : vector<1024x128xi1>, vector<1024x128xi32>
    %le3A_204 = arith.cmpf ole, %min3A_189, %max3A_200 : vector<1024x128xf32>
    %min3A_205 = arith.minimumf %min3A_189, %max3A_200 : vector<1024x128xf32>
    %select_n3A_206 = arith.select %le3A_204, %select_n3A_190, %select_n3A_202 : vector<1024x128xi1>, vector<1024x128xi32>
    %slice3A_207 = vector.extract_strided_slice %add3A_16 {offsets = [0, 1536], sizes = [1024, 128], strides = [1, 1]} : vector<1024x4096xf32> to vector<1024x128xf32>
    %broadcast_in_dim3A_208 = arith.constant 12 : i32
    %broadcast_in_dim3A_209 = vector.broadcast %broadcast_in_dim3A_208 : i32 to vector<1024x128xi32>
    %le3A_210 = arith.cmpf ole, %min3A_196, %slice3A_207 : vector<1024x128xf32>
    %max3A_211 = arith.maximumf %min3A_196, %slice3A_207 : vector<1024x128xf32>
    %min3A_212 = arith.minimumf %min3A_196, %slice3A_207 : vector<1024x128xf32>
    %select_n3A_213 = arith.select %le3A_210, %broadcast_in_dim3A_209, %select_n3A_198 : vector<1024x128xi1>, vector<1024x128xi32>
    %select_n3A_214 = arith.select %le3A_210, %select_n3A_198, %broadcast_in_dim3A_209 : vector<1024x128xi1>, vector<1024x128xi32>
    %le3A_215 = arith.cmpf ole, %min3A_201, %max3A_211 : vector<1024x128xf32>
    %max3A_216 = arith.maximumf %min3A_201, %max3A_211 : vector<1024x128xf32>
    %min3A_217 = arith.minimumf %min3A_201, %max3A_211 : vector<1024x128xf32>
    %select_n3A_218 = arith.select %le3A_215, %select_n3A_213, %select_n3A_203 : vector<1024x128xi1>, vector<1024x128xi32>
    %select_n3A_219 = arith.select %le3A_215, %select_n3A_203, %select_n3A_213 : vector<1024x128xi1>, vector<1024x128xi32>
    %le3A_220 = arith.cmpf ole, %min3A_205, %max3A_216 : vector<1024x128xf32>
    %min3A_221 = arith.minimumf %min3A_205, %max3A_216 : vector<1024x128xf32>
    %select_n3A_222 = arith.select %le3A_220, %select_n3A_206, %select_n3A_218 : vector<1024x128xi1>, vector<1024x128xi32>
    %slice3A_223 = vector.extract_strided_slice %add3A_16 {offsets = [0, 1664], sizes = [1024, 128], strides = [1, 1]} : vector<1024x4096xf32> to vector<1024x128xf32>
    %broadcast_in_dim3A_224 = arith.constant 13 : i32
    %broadcast_in_dim3A_225 = vector.broadcast %broadcast_in_dim3A_224 : i32 to vector<1024x128xi32>
    %le3A_226 = arith.cmpf ole, %min3A_212, %slice3A_223 : vector<1024x128xf32>
    %max3A_227 = arith.maximumf %min3A_212, %slice3A_223 : vector<1024x128xf32>
    %min3A_228 = arith.minimumf %min3A_212, %slice3A_223 : vector<1024x128xf32>
    %select_n3A_229 = arith.select %le3A_226, %broadcast_in_dim3A_225, %select_n3A_214 : vector<1024x128xi1>, vector<1024x128xi32>
    %select_n3A_230 = arith.select %le3A_226, %select_n3A_214, %broadcast_in_dim3A_225 : vector<1024x128xi1>, vector<1024x128xi32>
    %le3A_231 = arith.cmpf ole, %min3A_217, %max3A_227 : vector<1024x128xf32>
    %max3A_232 = arith.maximumf %min3A_217, %max3A_227 : vector<1024x128xf32>
    %min3A_233 = arith.minimumf %min3A_217, %max3A_227 : vector<1024x128xf32>
    %select_n3A_234 = arith.select %le3A_231, %select_n3A_229, %select_n3A_219 : vector<1024x128xi1>, vector<1024x128xi32>
    %select_n3A_235 = arith.select %le3A_231, %select_n3A_219, %select_n3A_229 : vector<1024x128xi1>, vector<1024x128xi32>
    %le3A_236 = arith.cmpf ole, %min3A_221, %max3A_232 : vector<1024x128xf32>
    %min3A_237 = arith.minimumf %min3A_221, %max3A_232 : vector<1024x128xf32>
    %select_n3A_238 = arith.select %le3A_236, %select_n3A_222, %select_n3A_234 : vector<1024x128xi1>, vector<1024x128xi32>
    %slice3A_239 = vector.extract_strided_slice %add3A_16 {offsets = [0, 1792], sizes = [1024, 128], strides = [1, 1]} : vector<1024x4096xf32> to vector<1024x128xf32>
    %broadcast_in_dim3A_240 = arith.constant 14 : i32
    %broadcast_in_dim3A_241 = vector.broadcast %broadcast_in_dim3A_240 : i32 to vector<1024x128xi32>
    %le3A_242 = arith.cmpf ole, %min3A_228, %slice3A_239 : vector<1024x128xf32>
    %max3A_243 = arith.maximumf %min3A_228, %slice3A_239 : vector<1024x128xf32>
    %min3A_244 = arith.minimumf %min3A_228, %slice3A_239 : vector<1024x128xf32>
    %select_n3A_245 = arith.select %le3A_242, %broadcast_in_dim3A_241, %select_n3A_230 : vector<1024x128xi1>, vector<1024x128xi32>
    %select_n3A_246 = arith.select %le3A_242, %select_n3A_230, %broadcast_in_dim3A_241 : vector<1024x128xi1>, vector<1024x128xi32>
    %le3A_247 = arith.cmpf ole, %min3A_233, %max3A_243 : vector<1024x128xf32>
    %max3A_248 = arith.maximumf %min3A_233, %max3A_243 : vector<1024x128xf32>
    %min3A_249 = arith.minimumf %min3A_233, %max3A_243 : vector<1024x128xf32>
    %select_n3A_250 = arith.select %le3A_247, %select_n3A_245, %select_n3A_235 : vector<1024x128xi1>, vector<1024x128xi32>
    %select_n3A_251 = arith.select %le3A_247, %select_n3A_235, %select_n3A_245 : vector<1024x128xi1>, vector<1024x128xi32>
    %le3A_252 = arith.cmpf ole, %min3A_237, %max3A_248 : vector<1024x128xf32>
    %min3A_253 = arith.minimumf %min3A_237, %max3A_248 : vector<1024x128xf32>
    %select_n3A_254 = arith.select %le3A_252, %select_n3A_238, %select_n3A_250 : vector<1024x128xi1>, vector<1024x128xi32>
    %slice3A_255 = vector.extract_strided_slice %add3A_16 {offsets = [0, 1920], sizes = [1024, 128], strides = [1, 1]} : vector<1024x4096xf32> to vector<1024x128xf32>
    %broadcast_in_dim3A_256 = arith.constant 15 : i32
    %broadcast_in_dim3A_257 = vector.broadcast %broadcast_in_dim3A_256 : i32 to vector<1024x128xi32>
    %le3A_258 = arith.cmpf ole, %min3A_244, %slice3A_255 : vector<1024x128xf32>
    %max3A_259 = arith.maximumf %min3A_244, %slice3A_255 : vector<1024x128xf32>
    %min3A_260 = arith.minimumf %min3A_244, %slice3A_255 : vector<1024x128xf32>
    %select_n3A_261 = arith.select %le3A_258, %broadcast_in_dim3A_257, %select_n3A_246 : vector<1024x128xi1>, vector<1024x128xi32>
    %select_n3A_262 = arith.select %le3A_258, %select_n3A_246, %broadcast_in_dim3A_257 : vector<1024x128xi1>, vector<1024x128xi32>
    %le3A_263 = arith.cmpf ole, %min3A_249, %max3A_259 : vector<1024x128xf32>
    %max3A_264 = arith.maximumf %min3A_249, %max3A_259 : vector<1024x128xf32>
    %min3A_265 = arith.minimumf %min3A_249, %max3A_259 : vector<1024x128xf32>
    %select_n3A_266 = arith.select %le3A_263, %select_n3A_261, %select_n3A_251 : vector<1024x128xi1>, vector<1024x128xi32>
    %select_n3A_267 = arith.select %le3A_263, %select_n3A_251, %select_n3A_261 : vector<1024x128xi1>, vector<1024x128xi32>
    %le3A_268 = arith.cmpf ole, %min3A_253, %max3A_264 : vector<1024x128xf32>
    %min3A_269 = arith.minimumf %min3A_253, %max3A_264 : vector<1024x128xf32>
    %select_n3A_270 = arith.select %le3A_268, %select_n3A_254, %select_n3A_266 : vector<1024x128xi1>, vector<1024x128xi32>
    %slice3A_271 = vector.extract_strided_slice %add3A_16 {offsets = [0, 2048], sizes = [1024, 128], strides = [1, 1]} : vector<1024x4096xf32> to vector<1024x128xf32>
    %broadcast_in_dim3A_272 = arith.constant 16 : i32
    %broadcast_in_dim3A_273 = vector.broadcast %broadcast_in_dim3A_272 : i32 to vector<1024x128xi32>
    %le3A_274 = arith.cmpf ole, %min3A_260, %slice3A_271 : vector<1024x128xf32>
    %max3A_275 = arith.maximumf %min3A_260, %slice3A_271 : vector<1024x128xf32>
    %min3A_276 = arith.minimumf %min3A_260, %slice3A_271 : vector<1024x128xf32>
    %select_n3A_277 = arith.select %le3A_274, %broadcast_in_dim3A_273, %select_n3A_262 : vector<1024x128xi1>, vector<1024x128xi32>
    %select_n3A_278 = arith.select %le3A_274, %select_n3A_262, %broadcast_in_dim3A_273 : vector<1024x128xi1>, vector<1024x128xi32>
    %le3A_279 = arith.cmpf ole, %min3A_265, %max3A_275 : vector<1024x128xf32>
    %max3A_280 = arith.maximumf %min3A_265, %max3A_275 : vector<1024x128xf32>
    %min3A_281 = arith.minimumf %min3A_265, %max3A_275 : vector<1024x128xf32>
    %select_n3A_282 = arith.select %le3A_279, %select_n3A_277, %select_n3A_267 : vector<1024x128xi1>, vector<1024x128xi32>
    %select_n3A_283 = arith.select %le3A_279, %select_n3A_267, %select_n3A_277 : vector<1024x128xi1>, vector<1024x128xi32>
    %le3A_284 = arith.cmpf ole, %min3A_269, %max3A_280 : vector<1024x128xf32>
    %min3A_285 = arith.minimumf %min3A_269, %max3A_280 : vector<1024x128xf32>
    %select_n3A_286 = arith.select %le3A_284, %select_n3A_270, %select_n3A_282 : vector<1024x128xi1>, vector<1024x128xi32>
    %slice3A_287 = vector.extract_strided_slice %add3A_16 {offsets = [0, 2176], sizes = [1024, 128], strides = [1, 1]} : vector<1024x4096xf32> to vector<1024x128xf32>
    %broadcast_in_dim3A_288 = arith.constant 17 : i32
    %broadcast_in_dim3A_289 = vector.broadcast %broadcast_in_dim3A_288 : i32 to vector<1024x128xi32>
    %le3A_290 = arith.cmpf ole, %min3A_276, %slice3A_287 : vector<1024x128xf32>
    %max3A_291 = arith.maximumf %min3A_276, %slice3A_287 : vector<1024x128xf32>
    %min3A_292 = arith.minimumf %min3A_276, %slice3A_287 : vector<1024x128xf32>
    %select_n3A_293 = arith.select %le3A_290, %broadcast_in_dim3A_289, %select_n3A_278 : vector<1024x128xi1>, vector<1024x128xi32>
    %select_n3A_294 = arith.select %le3A_290, %select_n3A_278, %broadcast_in_dim3A_289 : vector<1024x128xi1>, vector<1024x128xi32>
    %le3A_295 = arith.cmpf ole, %min3A_281, %max3A_291 : vector<1024x128xf32>
    %max3A_296 = arith.maximumf %min3A_281, %max3A_291 : vector<1024x128xf32>
    %min3A_297 = arith.minimumf %min3A_281, %max3A_291 : vector<1024x128xf32>
    %select_n3A_298 = arith.select %le3A_295, %select_n3A_293, %select_n3A_283 : vector<1024x128xi1>, vector<1024x128xi32>
    %select_n3A_299 = arith.select %le3A_295, %select_n3A_283, %select_n3A_293 : vector<1024x128xi1>, vector<1024x128xi32>
    %le3A_300 = arith.cmpf ole, %min3A_285, %max3A_296 : vector<1024x128xf32>
    %min3A_301 = arith.minimumf %min3A_285, %max3A_296 : vector<1024x128xf32>
    %select_n3A_302 = arith.select %le3A_300, %select_n3A_286, %select_n3A_298 : vector<1024x128xi1>, vector<1024x128xi32>
    %slice3A_303 = vector.extract_strided_slice %add3A_16 {offsets = [0, 2304], sizes = [1024, 128], strides = [1, 1]} : vector<1024x4096xf32> to vector<1024x128xf32>
    %broadcast_in_dim3A_304 = arith.constant 18 : i32
    %broadcast_in_dim3A_305 = vector.broadcast %broadcast_in_dim3A_304 : i32 to vector<1024x128xi32>
    %le3A_306 = arith.cmpf ole, %min3A_292, %slice3A_303 : vector<1024x128xf32>
    %max3A_307 = arith.maximumf %min3A_292, %slice3A_303 : vector<1024x128xf32>
    %min3A_308 = arith.minimumf %min3A_292, %slice3A_303 : vector<1024x128xf32>
    %select_n3A_309 = arith.select %le3A_306, %broadcast_in_dim3A_305, %select_n3A_294 : vector<1024x128xi1>, vector<1024x128xi32>
    %select_n3A_310 = arith.select %le3A_306, %select_n3A_294, %broadcast_in_dim3A_305 : vector<1024x128xi1>, vector<1024x128xi32>
    %le3A_311 = arith.cmpf ole, %min3A_297, %max3A_307 : vector<1024x128xf32>
    %max3A_312 = arith.maximumf %min3A_297, %max3A_307 : vector<1024x128xf32>
    %min3A_313 = arith.minimumf %min3A_297, %max3A_307 : vector<1024x128xf32>
    %select_n3A_314 = arith.select %le3A_311, %select_n3A_309, %select_n3A_299 : vector<1024x128xi1>, vector<1024x128xi32>
    %select_n3A_315 = arith.select %le3A_311, %select_n3A_299, %select_n3A_309 : vector<1024x128xi1>, vector<1024x128xi32>
    %le3A_316 = arith.cmpf ole, %min3A_301, %max3A_312 : vector<1024x128xf32>
    %min3A_317 = arith.minimumf %min3A_301, %max3A_312 : vector<1024x128xf32>
    %select_n3A_318 = arith.select %le3A_316, %select_n3A_302, %select_n3A_314 : vector<1024x128xi1>, vector<1024x128xi32>
    %slice3A_319 = vector.extract_strided_slice %add3A_16 {offsets = [0, 2432], sizes = [1024, 128], strides = [1, 1]} : vector<1024x4096xf32> to vector<1024x128xf32>
    %broadcast_in_dim3A_320 = arith.constant 19 : i32
    %broadcast_in_dim3A_321 = vector.broadcast %broadcast_in_dim3A_320 : i32 to vector<1024x128xi32>
    %le3A_322 = arith.cmpf ole, %min3A_308, %slice3A_319 : vector<1024x128xf32>
    %max3A_323 = arith.maximumf %min3A_308, %slice3A_319 : vector<1024x128xf32>
    %min3A_324 = arith.minimumf %min3A_308, %slice3A_319 : vector<1024x128xf32>
    %select_n3A_325 = arith.select %le3A_322, %broadcast_in_dim3A_321, %select_n3A_310 : vector<1024x128xi1>, vector<1024x128xi32>
    %select_n3A_326 = arith.select %le3A_322, %select_n3A_310, %broadcast_in_dim3A_321 : vector<1024x128xi1>, vector<1024x128xi32>
    %le3A_327 = arith.cmpf ole, %min3A_313, %max3A_323 : vector<1024x128xf32>
    %max3A_328 = arith.maximumf %min3A_313, %max3A_323 : vector<1024x128xf32>
    %min3A_329 = arith.minimumf %min3A_313, %max3A_323 : vector<1024x128xf32>
    %select_n3A_330 = arith.select %le3A_327, %select_n3A_325, %select_n3A_315 : vector<1024x128xi1>, vector<1024x128xi32>
    %select_n3A_331 = arith.select %le3A_327, %select_n3A_315, %select_n3A_325 : vector<1024x128xi1>, vector<1024x128xi32>
    %le3A_332 = arith.cmpf ole, %min3A_317, %max3A_328 : vector<1024x128xf32>
    %min3A_333 = arith.minimumf %min3A_317, %max3A_328 : vector<1024x128xf32>
    %select_n3A_334 = arith.select %le3A_332, %select_n3A_318, %select_n3A_330 : vector<1024x128xi1>, vector<1024x128xi32>
    %slice3A_335 = vector.extract_strided_slice %add3A_16 {offsets = [0, 2560], sizes = [1024, 128], strides = [1, 1]} : vector<1024x4096xf32> to vector<1024x128xf32>
    %broadcast_in_dim3A_336 = arith.constant 20 : i32
    %broadcast_in_dim3A_337 = vector.broadcast %broadcast_in_dim3A_336 : i32 to vector<1024x128xi32>
    %le3A_338 = arith.cmpf ole, %min3A_324, %slice3A_335 : vector<1024x128xf32>
    %max3A_339 = arith.maximumf %min3A_324, %slice3A_335 : vector<1024x128xf32>
    %min3A_340 = arith.minimumf %min3A_324, %slice3A_335 : vector<1024x128xf32>
    %select_n3A_341 = arith.select %le3A_338, %broadcast_in_dim3A_337, %select_n3A_326 : vector<1024x128xi1>, vector<1024x128xi32>
    %select_n3A_342 = arith.select %le3A_338, %select_n3A_326, %broadcast_in_dim3A_337 : vector<1024x128xi1>, vector<1024x128xi32>
    %le3A_343 = arith.cmpf ole, %min3A_329, %max3A_339 : vector<1024x128xf32>
    %max3A_344 = arith.maximumf %min3A_329, %max3A_339 : vector<1024x128xf32>
    %min3A_345 = arith.minimumf %min3A_329, %max3A_339 : vector<1024x128xf32>
    %select_n3A_346 = arith.select %le3A_343, %select_n3A_341, %select_n3A_331 : vector<1024x128xi1>, vector<1024x128xi32>
    %select_n3A_347 = arith.select %le3A_343, %select_n3A_331, %select_n3A_341 : vector<1024x128xi1>, vector<1024x128xi32>
    %le3A_348 = arith.cmpf ole, %min3A_333, %max3A_344 : vector<1024x128xf32>
    %min3A_349 = arith.minimumf %min3A_333, %max3A_344 : vector<1024x128xf32>
    %select_n3A_350 = arith.select %le3A_348, %select_n3A_334, %select_n3A_346 : vector<1024x128xi1>, vector<1024x128xi32>
    %slice3A_351 = vector.extract_strided_slice %add3A_16 {offsets = [0, 2688], sizes = [1024, 128], strides = [1, 1]} : vector<1024x4096xf32> to vector<1024x128xf32>
    %broadcast_in_dim3A_352 = arith.constant 21 : i32
    %broadcast_in_dim3A_353 = vector.broadcast %broadcast_in_dim3A_352 : i32 to vector<1024x128xi32>
    %le3A_354 = arith.cmpf ole, %min3A_340, %slice3A_351 : vector<1024x128xf32>
    %max3A_355 = arith.maximumf %min3A_340, %slice3A_351 : vector<1024x128xf32>
    %min3A_356 = arith.minimumf %min3A_340, %slice3A_351 : vector<1024x128xf32>
    %select_n3A_357 = arith.select %le3A_354, %broadcast_in_dim3A_353, %select_n3A_342 : vector<1024x128xi1>, vector<1024x128xi32>
    %select_n3A_358 = arith.select %le3A_354, %select_n3A_342, %broadcast_in_dim3A_353 : vector<1024x128xi1>, vector<1024x128xi32>
    %le3A_359 = arith.cmpf ole, %min3A_345, %max3A_355 : vector<1024x128xf32>
    %max3A_360 = arith.maximumf %min3A_345, %max3A_355 : vector<1024x128xf32>
    %min3A_361 = arith.minimumf %min3A_345, %max3A_355 : vector<1024x128xf32>
    %select_n3A_362 = arith.select %le3A_359, %select_n3A_357, %select_n3A_347 : vector<1024x128xi1>, vector<1024x128xi32>
    %select_n3A_363 = arith.select %le3A_359, %select_n3A_347, %select_n3A_357 : vector<1024x128xi1>, vector<1024x128xi32>
    %le3A_364 = arith.cmpf ole, %min3A_349, %max3A_360 : vector<1024x128xf32>
    %min3A_365 = arith.minimumf %min3A_349, %max3A_360 : vector<1024x128xf32>
    %select_n3A_366 = arith.select %le3A_364, %select_n3A_350, %select_n3A_362 : vector<1024x128xi1>, vector<1024x128xi32>
    %slice3A_367 = vector.extract_strided_slice %add3A_16 {offsets = [0, 2816], sizes = [1024, 128], strides = [1, 1]} : vector<1024x4096xf32> to vector<1024x128xf32>
    %broadcast_in_dim3A_368 = arith.constant 22 : i32
    %broadcast_in_dim3A_369 = vector.broadcast %broadcast_in_dim3A_368 : i32 to vector<1024x128xi32>
    %le3A_370 = arith.cmpf ole, %min3A_356, %slice3A_367 : vector<1024x128xf32>
    %max3A_371 = arith.maximumf %min3A_356, %slice3A_367 : vector<1024x128xf32>
    %min3A_372 = arith.minimumf %min3A_356, %slice3A_367 : vector<1024x128xf32>
    %select_n3A_373 = arith.select %le3A_370, %broadcast_in_dim3A_369, %select_n3A_358 : vector<1024x128xi1>, vector<1024x128xi32>
    %select_n3A_374 = arith.select %le3A_370, %select_n3A_358, %broadcast_in_dim3A_369 : vector<1024x128xi1>, vector<1024x128xi32>
    %le3A_375 = arith.cmpf ole, %min3A_361, %max3A_371 : vector<1024x128xf32>
    %max3A_376 = arith.maximumf %min3A_361, %max3A_371 : vector<1024x128xf32>
    %min3A_377 = arith.minimumf %min3A_361, %max3A_371 : vector<1024x128xf32>
    %select_n3A_378 = arith.select %le3A_375, %select_n3A_373, %select_n3A_363 : vector<1024x128xi1>, vector<1024x128xi32>
    %select_n3A_379 = arith.select %le3A_375, %select_n3A_363, %select_n3A_373 : vector<1024x128xi1>, vector<1024x128xi32>
    %le3A_380 = arith.cmpf ole, %min3A_365, %max3A_376 : vector<1024x128xf32>
    %min3A_381 = arith.minimumf %min3A_365, %max3A_376 : vector<1024x128xf32>
    %select_n3A_382 = arith.select %le3A_380, %select_n3A_366, %select_n3A_378 : vector<1024x128xi1>, vector<1024x128xi32>
    %slice3A_383 = vector.extract_strided_slice %add3A_16 {offsets = [0, 2944], sizes = [1024, 128], strides = [1, 1]} : vector<1024x4096xf32> to vector<1024x128xf32>
    %broadcast_in_dim3A_384 = arith.constant 23 : i32
    %broadcast_in_dim3A_385 = vector.broadcast %broadcast_in_dim3A_384 : i32 to vector<1024x128xi32>
    %le3A_386 = arith.cmpf ole, %min3A_372, %slice3A_383 : vector<1024x128xf32>
    %max3A_387 = arith.maximumf %min3A_372, %slice3A_383 : vector<1024x128xf32>
    %min3A_388 = arith.minimumf %min3A_372, %slice3A_383 : vector<1024x128xf32>
    %select_n3A_389 = arith.select %le3A_386, %broadcast_in_dim3A_385, %select_n3A_374 : vector<1024x128xi1>, vector<1024x128xi32>
    %select_n3A_390 = arith.select %le3A_386, %select_n3A_374, %broadcast_in_dim3A_385 : vector<1024x128xi1>, vector<1024x128xi32>
    %le3A_391 = arith.cmpf ole, %min3A_377, %max3A_387 : vector<1024x128xf32>
    %max3A_392 = arith.maximumf %min3A_377, %max3A_387 : vector<1024x128xf32>
    %min3A_393 = arith.minimumf %min3A_377, %max3A_387 : vector<1024x128xf32>
    %select_n3A_394 = arith.select %le3A_391, %select_n3A_389, %select_n3A_379 : vector<1024x128xi1>, vector<1024x128xi32>
    %select_n3A_395 = arith.select %le3A_391, %select_n3A_379, %select_n3A_389 : vector<1024x128xi1>, vector<1024x128xi32>
    %le3A_396 = arith.cmpf ole, %min3A_381, %max3A_392 : vector<1024x128xf32>
    %min3A_397 = arith.minimumf %min3A_381, %max3A_392 : vector<1024x128xf32>
    %select_n3A_398 = arith.select %le3A_396, %select_n3A_382, %select_n3A_394 : vector<1024x128xi1>, vector<1024x128xi32>
    %slice3A_399 = vector.extract_strided_slice %add3A_16 {offsets = [0, 3072], sizes = [1024, 128], strides = [1, 1]} : vector<1024x4096xf32> to vector<1024x128xf32>
    %broadcast_in_dim3A_400 = arith.constant 24 : i32
    %broadcast_in_dim3A_401 = vector.broadcast %broadcast_in_dim3A_400 : i32 to vector<1024x128xi32>
    %le3A_402 = arith.cmpf ole, %min3A_388, %slice3A_399 : vector<1024x128xf32>
    %max3A_403 = arith.maximumf %min3A_388, %slice3A_399 : vector<1024x128xf32>
    %min3A_404 = arith.minimumf %min3A_388, %slice3A_399 : vector<1024x128xf32>
    %select_n3A_405 = arith.select %le3A_402, %broadcast_in_dim3A_401, %select_n3A_390 : vector<1024x128xi1>, vector<1024x128xi32>
    %select_n3A_406 = arith.select %le3A_402, %select_n3A_390, %broadcast_in_dim3A_401 : vector<1024x128xi1>, vector<1024x128xi32>
    %le3A_407 = arith.cmpf ole, %min3A_393, %max3A_403 : vector<1024x128xf32>
    %max3A_408 = arith.maximumf %min3A_393, %max3A_403 : vector<1024x128xf32>
    %min3A_409 = arith.minimumf %min3A_393, %max3A_403 : vector<1024x128xf32>
    %select_n3A_410 = arith.select %le3A_407, %select_n3A_405, %select_n3A_395 : vector<1024x128xi1>, vector<1024x128xi32>
    %select_n3A_411 = arith.select %le3A_407, %select_n3A_395, %select_n3A_405 : vector<1024x128xi1>, vector<1024x128xi32>
    %le3A_412 = arith.cmpf ole, %min3A_397, %max3A_408 : vector<1024x128xf32>
    %min3A_413 = arith.minimumf %min3A_397, %max3A_408 : vector<1024x128xf32>
    %select_n3A_414 = arith.select %le3A_412, %select_n3A_398, %select_n3A_410 : vector<1024x128xi1>, vector<1024x128xi32>
    %slice3A_415 = vector.extract_strided_slice %add3A_16 {offsets = [0, 3200], sizes = [1024, 128], strides = [1, 1]} : vector<1024x4096xf32> to vector<1024x128xf32>
    %broadcast_in_dim3A_416 = arith.constant 25 : i32
    %broadcast_in_dim3A_417 = vector.broadcast %broadcast_in_dim3A_416 : i32 to vector<1024x128xi32>
    %le3A_418 = arith.cmpf ole, %min3A_404, %slice3A_415 : vector<1024x128xf32>
    %max3A_419 = arith.maximumf %min3A_404, %slice3A_415 : vector<1024x128xf32>
    %min3A_420 = arith.minimumf %min3A_404, %slice3A_415 : vector<1024x128xf32>
    %select_n3A_421 = arith.select %le3A_418, %broadcast_in_dim3A_417, %select_n3A_406 : vector<1024x128xi1>, vector<1024x128xi32>
    %select_n3A_422 = arith.select %le3A_418, %select_n3A_406, %broadcast_in_dim3A_417 : vector<1024x128xi1>, vector<1024x128xi32>
    %le3A_423 = arith.cmpf ole, %min3A_409, %max3A_419 : vector<1024x128xf32>
    %max3A_424 = arith.maximumf %min3A_409, %max3A_419 : vector<1024x128xf32>
    %min3A_425 = arith.minimumf %min3A_409, %max3A_419 : vector<1024x128xf32>
    %select_n3A_426 = arith.select %le3A_423, %select_n3A_421, %select_n3A_411 : vector<1024x128xi1>, vector<1024x128xi32>
    %select_n3A_427 = arith.select %le3A_423, %select_n3A_411, %select_n3A_421 : vector<1024x128xi1>, vector<1024x128xi32>
    %le3A_428 = arith.cmpf ole, %min3A_413, %max3A_424 : vector<1024x128xf32>
    %min3A_429 = arith.minimumf %min3A_413, %max3A_424 : vector<1024x128xf32>
    %select_n3A_430 = arith.select %le3A_428, %select_n3A_414, %select_n3A_426 : vector<1024x128xi1>, vector<1024x128xi32>
    %slice3A_431 = vector.extract_strided_slice %add3A_16 {offsets = [0, 3328], sizes = [1024, 128], strides = [1, 1]} : vector<1024x4096xf32> to vector<1024x128xf32>
    %broadcast_in_dim3A_432 = arith.constant 26 : i32
    %broadcast_in_dim3A_433 = vector.broadcast %broadcast_in_dim3A_432 : i32 to vector<1024x128xi32>
    %le3A_434 = arith.cmpf ole, %min3A_420, %slice3A_431 : vector<1024x128xf32>
    %max3A_435 = arith.maximumf %min3A_420, %slice3A_431 : vector<1024x128xf32>
    %min3A_436 = arith.minimumf %min3A_420, %slice3A_431 : vector<1024x128xf32>
    %select_n3A_437 = arith.select %le3A_434, %broadcast_in_dim3A_433, %select_n3A_422 : vector<1024x128xi1>, vector<1024x128xi32>
    %select_n3A_438 = arith.select %le3A_434, %select_n3A_422, %broadcast_in_dim3A_433 : vector<1024x128xi1>, vector<1024x128xi32>
    %le3A_439 = arith.cmpf ole, %min3A_425, %max3A_435 : vector<1024x128xf32>
    %max3A_440 = arith.maximumf %min3A_425, %max3A_435 : vector<1024x128xf32>
    %min3A_441 = arith.minimumf %min3A_425, %max3A_435 : vector<1024x128xf32>
    %select_n3A_442 = arith.select %le3A_439, %select_n3A_437, %select_n3A_427 : vector<1024x128xi1>, vector<1024x128xi32>
    %select_n3A_443 = arith.select %le3A_439, %select_n3A_427, %select_n3A_437 : vector<1024x128xi1>, vector<1024x128xi32>
    %le3A_444 = arith.cmpf ole, %min3A_429, %max3A_440 : vector<1024x128xf32>
    %min3A_445 = arith.minimumf %min3A_429, %max3A_440 : vector<1024x128xf32>
    %select_n3A_446 = arith.select %le3A_444, %select_n3A_430, %select_n3A_442 : vector<1024x128xi1>, vector<1024x128xi32>
    %slice3A_447 = vector.extract_strided_slice %add3A_16 {offsets = [0, 3456], sizes = [1024, 128], strides = [1, 1]} : vector<1024x4096xf32> to vector<1024x128xf32>
    %broadcast_in_dim3A_448 = arith.constant 27 : i32
    %broadcast_in_dim3A_449 = vector.broadcast %broadcast_in_dim3A_448 : i32 to vector<1024x128xi32>
    %le3A_450 = arith.cmpf ole, %min3A_436, %slice3A_447 : vector<1024x128xf32>
    %max3A_451 = arith.maximumf %min3A_436, %slice3A_447 : vector<1024x128xf32>
    %min3A_452 = arith.minimumf %min3A_436, %slice3A_447 : vector<1024x128xf32>
    %select_n3A_453 = arith.select %le3A_450, %broadcast_in_dim3A_449, %select_n3A_438 : vector<1024x128xi1>, vector<1024x128xi32>
    %select_n3A_454 = arith.select %le3A_450, %select_n3A_438, %broadcast_in_dim3A_449 : vector<1024x128xi1>, vector<1024x128xi32>
    %le3A_455 = arith.cmpf ole, %min3A_441, %max3A_451 : vector<1024x128xf32>
    %max3A_456 = arith.maximumf %min3A_441, %max3A_451 : vector<1024x128xf32>
    %min3A_457 = arith.minimumf %min3A_441, %max3A_451 : vector<1024x128xf32>
    %select_n3A_458 = arith.select %le3A_455, %select_n3A_453, %select_n3A_443 : vector<1024x128xi1>, vector<1024x128xi32>
    %select_n3A_459 = arith.select %le3A_455, %select_n3A_443, %select_n3A_453 : vector<1024x128xi1>, vector<1024x128xi32>
    %le3A_460 = arith.cmpf ole, %min3A_445, %max3A_456 : vector<1024x128xf32>
    %min3A_461 = arith.minimumf %min3A_445, %max3A_456 : vector<1024x128xf32>
    %select_n3A_462 = arith.select %le3A_460, %select_n3A_446, %select_n3A_458 : vector<1024x128xi1>, vector<1024x128xi32>
    %slice3A_463 = vector.extract_strided_slice %add3A_16 {offsets = [0, 3584], sizes = [1024, 128], strides = [1, 1]} : vector<1024x4096xf32> to vector<1024x128xf32>
    %broadcast_in_dim3A_464 = arith.constant 28 : i32
    %broadcast_in_dim3A_465 = vector.broadcast %broadcast_in_dim3A_464 : i32 to vector<1024x128xi32>
    %le3A_466 = arith.cmpf ole, %min3A_452, %slice3A_463 : vector<1024x128xf32>
    %max3A_467 = arith.maximumf %min3A_452, %slice3A_463 : vector<1024x128xf32>
    %min3A_468 = arith.minimumf %min3A_452, %slice3A_463 : vector<1024x128xf32>
    %select_n3A_469 = arith.select %le3A_466, %broadcast_in_dim3A_465, %select_n3A_454 : vector<1024x128xi1>, vector<1024x128xi32>
    %select_n3A_470 = arith.select %le3A_466, %select_n3A_454, %broadcast_in_dim3A_465 : vector<1024x128xi1>, vector<1024x128xi32>
    %le3A_471 = arith.cmpf ole, %min3A_457, %max3A_467 : vector<1024x128xf32>
    %max3A_472 = arith.maximumf %min3A_457, %max3A_467 : vector<1024x128xf32>
    %min3A_473 = arith.minimumf %min3A_457, %max3A_467 : vector<1024x128xf32>
    %select_n3A_474 = arith.select %le3A_471, %select_n3A_469, %select_n3A_459 : vector<1024x128xi1>, vector<1024x128xi32>
    %select_n3A_475 = arith.select %le3A_471, %select_n3A_459, %select_n3A_469 : vector<1024x128xi1>, vector<1024x128xi32>
    %le3A_476 = arith.cmpf ole, %min3A_461, %max3A_472 : vector<1024x128xf32>
    %min3A_477 = arith.minimumf %min3A_461, %max3A_472 : vector<1024x128xf32>
    %select_n3A_478 = arith.select %le3A_476, %select_n3A_462, %select_n3A_474 : vector<1024x128xi1>, vector<1024x128xi32>
    %slice3A_479 = vector.extract_strided_slice %add3A_16 {offsets = [0, 3712], sizes = [1024, 128], strides = [1, 1]} : vector<1024x4096xf32> to vector<1024x128xf32>
    %broadcast_in_dim3A_480 = arith.constant 29 : i32
    %broadcast_in_dim3A_481 = vector.broadcast %broadcast_in_dim3A_480 : i32 to vector<1024x128xi32>
    %le3A_482 = arith.cmpf ole, %min3A_468, %slice3A_479 : vector<1024x128xf32>
    %max3A_483 = arith.maximumf %min3A_468, %slice3A_479 : vector<1024x128xf32>
    %min3A_484 = arith.minimumf %min3A_468, %slice3A_479 : vector<1024x128xf32>
    %select_n3A_485 = arith.select %le3A_482, %broadcast_in_dim3A_481, %select_n3A_470 : vector<1024x128xi1>, vector<1024x128xi32>
    %select_n3A_486 = arith.select %le3A_482, %select_n3A_470, %broadcast_in_dim3A_481 : vector<1024x128xi1>, vector<1024x128xi32>
    %le3A_487 = arith.cmpf ole, %min3A_473, %max3A_483 : vector<1024x128xf32>
    %max3A_488 = arith.maximumf %min3A_473, %max3A_483 : vector<1024x128xf32>
    %min3A_489 = arith.minimumf %min3A_473, %max3A_483 : vector<1024x128xf32>
    %select_n3A_490 = arith.select %le3A_487, %select_n3A_485, %select_n3A_475 : vector<1024x128xi1>, vector<1024x128xi32>
    %select_n3A_491 = arith.select %le3A_487, %select_n3A_475, %select_n3A_485 : vector<1024x128xi1>, vector<1024x128xi32>
    %le3A_492 = arith.cmpf ole, %min3A_477, %max3A_488 : vector<1024x128xf32>
    %min3A_493 = arith.minimumf %min3A_477, %max3A_488 : vector<1024x128xf32>
    %select_n3A_494 = arith.select %le3A_492, %select_n3A_478, %select_n3A_490 : vector<1024x128xi1>, vector<1024x128xi32>
    %slice3A_495 = vector.extract_strided_slice %add3A_16 {offsets = [0, 3840], sizes = [1024, 128], strides = [1, 1]} : vector<1024x4096xf32> to vector<1024x128xf32>
    %broadcast_in_dim3A_496 = arith.constant 30 : i32
    %broadcast_in_dim3A_497 = vector.broadcast %broadcast_in_dim3A_496 : i32 to vector<1024x128xi32>
    %le3A_498 = arith.cmpf ole, %min3A_484, %slice3A_495 : vector<1024x128xf32>
    %max3A_499 = arith.maximumf %min3A_484, %slice3A_495 : vector<1024x128xf32>
    %min3A_500 = arith.minimumf %min3A_484, %slice3A_495 : vector<1024x128xf32>
    %select_n3A_501 = arith.select %le3A_498, %broadcast_in_dim3A_497, %select_n3A_486 : vector<1024x128xi1>, vector<1024x128xi32>
    %select_n3A_502 = arith.select %le3A_498, %select_n3A_486, %broadcast_in_dim3A_497 : vector<1024x128xi1>, vector<1024x128xi32>
    %le3A_503 = arith.cmpf ole, %min3A_489, %max3A_499 : vector<1024x128xf32>
    %max3A_504 = arith.maximumf %min3A_489, %max3A_499 : vector<1024x128xf32>
    %min3A_505 = arith.minimumf %min3A_489, %max3A_499 : vector<1024x128xf32>
    %select_n3A_506 = arith.select %le3A_503, %select_n3A_501, %select_n3A_491 : vector<1024x128xi1>, vector<1024x128xi32>
    %select_n3A_507 = arith.select %le3A_503, %select_n3A_491, %select_n3A_501 : vector<1024x128xi1>, vector<1024x128xi32>
    %le3A_508 = arith.cmpf ole, %min3A_493, %max3A_504 : vector<1024x128xf32>
    %min3A_509 = arith.minimumf %min3A_493, %max3A_504 : vector<1024x128xf32>
    %select_n3A_510 = arith.select %le3A_508, %select_n3A_494, %select_n3A_506 : vector<1024x128xi1>, vector<1024x128xi32>
    %slice3A_511 = vector.extract_strided_slice %add3A_16 {offsets = [0, 3968], sizes = [1024, 128], strides = [1, 1]} : vector<1024x4096xf32> to vector<1024x128xf32>
    %broadcast_in_dim3A_512 = arith.constant 31 : i32
    %broadcast_in_dim3A_513 = vector.broadcast %broadcast_in_dim3A_512 : i32 to vector<1024x128xi32>
    %le3A_514 = arith.cmpf ole, %min3A_500, %slice3A_511 : vector<1024x128xf32>
    %max3A_515 = arith.maximumf %min3A_500, %slice3A_511 : vector<1024x128xf32>
    %min3A_516 = arith.minimumf %min3A_500, %slice3A_511 : vector<1024x128xf32>
    %select_n3A_517 = arith.select %le3A_514, %broadcast_in_dim3A_513, %select_n3A_502 : vector<1024x128xi1>, vector<1024x128xi32>
    %select_n3A_518 = arith.select %le3A_514, %select_n3A_502, %broadcast_in_dim3A_513 : vector<1024x128xi1>, vector<1024x128xi32>
    %le3A_519 = arith.cmpf ole, %min3A_505, %max3A_515 : vector<1024x128xf32>
    %max3A_520 = arith.maximumf %min3A_505, %max3A_515 : vector<1024x128xf32>
    %min3A_521 = arith.minimumf %min3A_505, %max3A_515 : vector<1024x128xf32>
    %select_n3A_522 = arith.select %le3A_519, %select_n3A_517, %select_n3A_507 : vector<1024x128xi1>, vector<1024x128xi32>
    %select_n3A_523 = arith.select %le3A_519, %select_n3A_507, %select_n3A_517 : vector<1024x128xi1>, vector<1024x128xi32>
    %le3A_524 = arith.cmpf ole, %min3A_509, %max3A_520 : vector<1024x128xf32>
    %min3A_525 = arith.minimumf %min3A_509, %max3A_520 : vector<1024x128xf32>
    %select_n3A_526 = arith.select %le3A_524, %select_n3A_510, %select_n3A_522 : vector<1024x128xi1>, vector<1024x128xi32>
    %iota3A = tpu.iota {dimensions = array<i32: 1>} : vector<1024x128xi32>
    %mul3A_527 = arith.constant 128 : i32
    %mul3A_528 = vector.broadcast %mul3A_527 : i32 to vector<1024x128xi32>
    %mul3A_529 = arith.muli %select_n3A_518, %mul3A_528 : vector<1024x128xi32>
    %add3A_530 = arith.addi %mul3A_529, %iota3A : vector<1024x128xi32>
    %mul3A_531 = arith.constant 128 : i32
    %mul3A_532 = vector.broadcast %mul3A_531 : i32 to vector<1024x128xi32>
    %mul3A_533 = arith.muli %select_n3A_523, %mul3A_532 : vector<1024x128xi32>
    %add3A_534 = arith.addi %mul3A_533, %iota3A : vector<1024x128xi32>
    %mul3A_535 = arith.constant 128 : i32
    %mul3A_536 = vector.broadcast %mul3A_535 : i32 to vector<1024x128xi32>
    %mul3A_537 = arith.muli %select_n3A_526, %mul3A_536 : vector<1024x128xi32>
    %add3A_538 = arith.addi %mul3A_537, %iota3A : vector<1024x128xi32>
    %reduce_min3A = arith.constant dense<0x7F800000> : vector<1024xf32>
    %reduce_min3A_539 = vector.multi_reduction <minimumf>, %min3A_516, %reduce_min3A [1] : vector<1024x128xf32> to vector<1024xf32>
    %broadcast_in_dim3A_540 = vector.shape_cast %reduce_min3A_539 : vector<1024xf32> to vector<1024x1xf32>
    %eq3A = vector.broadcast %broadcast_in_dim3A_540 : vector<1024x1xf32> to vector<1024x128xf32>
    %eq3A_541 = arith.cmpf oeq, %min3A_516, %eq3A : vector<1024x128xf32>
    %jit3A = arith.constant 4096 : i32
    %broadcast_in_dim3A_542 = vector.broadcast %jit3A : i32 to vector<1024x128xi32>
    %select_n3A_543 = arith.select %eq3A_541, %add3A_530, %broadcast_in_dim3A_542 : vector<1024x128xi1>, vector<1024x128xi32>
    %reduce_min3A_544 = arith.constant dense<2147483647> : vector<1024xi32>
    %reduce_min3A_545 = vector.multi_reduction <minsi>, %select_n3A_543, %reduce_min3A_544 [1] : vector<1024x128xi32> to vector<1024xi32>
    %broadcast_in_dim3A_546 = vector.shape_cast %reduce_min3A_545 : vector<1024xi32> to vector<1024x1xi32>
    %eq3A_547 = vector.broadcast %broadcast_in_dim3A_546 : vector<1024x1xi32> to vector<1024x128xi32>
    %eq3A_548 = arith.cmpi eq, %add3A_530, %eq3A_547 : vector<1024x128xi32>
    %and3A = arith.andi %eq3A_541, %eq3A_548 : vector<1024x128xi1>
    %select_n3A_549 = arith.select %and3A, %min3A_521, %min3A_516 : vector<1024x128xi1>, vector<1024x128xf32>
    %select_n3A_550 = arith.select %and3A, %add3A_534, %add3A_530 : vector<1024x128xi1>, vector<1024x128xi32>
    %select_n3A_551 = arith.select %and3A, %min3A_525, %min3A_521 : vector<1024x128xi1>, vector<1024x128xf32>
    %select_n3A_552 = arith.select %and3A, %add3A_538, %add3A_534 : vector<1024x128xi1>, vector<1024x128xi32>
    %reduce_min3A_553 = arith.constant dense<0x7F800000> : vector<1024xf32>
    %reduce_min3A_554 = vector.multi_reduction <minimumf>, %select_n3A_549, %reduce_min3A_553 [1] : vector<1024x128xf32> to vector<1024xf32>
    %broadcast_in_dim3A_555 = vector.shape_cast %reduce_min3A_554 : vector<1024xf32> to vector<1024x1xf32>
    %eq3A_556 = vector.broadcast %broadcast_in_dim3A_555 : vector<1024x1xf32> to vector<1024x128xf32>
    %eq3A_557 = arith.cmpf oeq, %select_n3A_549, %eq3A_556 : vector<1024x128xf32>
    %jit3A_558 = arith.constant 4096 : i32
    %broadcast_in_dim3A_559 = vector.broadcast %jit3A_558 : i32 to vector<1024x128xi32>
    %select_n3A_560 = arith.select %eq3A_557, %select_n3A_550, %broadcast_in_dim3A_559 : vector<1024x128xi1>, vector<1024x128xi32>
    %reduce_min3A_561 = arith.constant dense<2147483647> : vector<1024xi32>
    %reduce_min3A_562 = vector.multi_reduction <minsi>, %select_n3A_560, %reduce_min3A_561 [1] : vector<1024x128xi32> to vector<1024xi32>
    %broadcast_in_dim3A_563 = vector.shape_cast %reduce_min3A_562 : vector<1024xi32> to vector<1024x1xi32>
    %eq3A_564 = vector.broadcast %broadcast_in_dim3A_563 : vector<1024x1xi32> to vector<1024x128xi32>
    %eq3A_565 = arith.cmpi eq, %select_n3A_550, %eq3A_564 : vector<1024x128xi32>
    %and3A_566 = arith.andi %eq3A_557, %eq3A_565 : vector<1024x128xi1>
    %select_n3A_567 = arith.select %and3A_566, %select_n3A_551, %select_n3A_549 : vector<1024x128xi1>, vector<1024x128xf32>
    %select_n3A_568 = arith.select %and3A_566, %select_n3A_552, %select_n3A_550 : vector<1024x128xi1>, vector<1024x128xi32>
    %reduce_min3A_569 = arith.constant dense<0x7F800000> : vector<1024xf32>
    %reduce_min3A_570 = vector.multi_reduction <minimumf>, %select_n3A_567, %reduce_min3A_569 [1] : vector<1024x128xf32> to vector<1024xf32>
    %broadcast_in_dim3A_571 = vector.shape_cast %reduce_min3A_570 : vector<1024xf32> to vector<1024x1xf32>
    %eq3A_572 = vector.broadcast %broadcast_in_dim3A_571 : vector<1024x1xf32> to vector<1024x128xf32>
    %eq3A_573 = arith.cmpf oeq, %select_n3A_567, %eq3A_572 : vector<1024x128xf32>
    %jit3A_574 = arith.constant 4096 : i32
    %broadcast_in_dim3A_575 = vector.broadcast %jit3A_574 : i32 to vector<1024x128xi32>
    %select_n3A_576 = arith.select %eq3A_573, %select_n3A_568, %broadcast_in_dim3A_575 : vector<1024x128xi1>, vector<1024x128xi32>
    %reduce_min3A_577 = arith.constant dense<2147483647> : vector<1024xi32>
    %reduce_min3A_578 = vector.multi_reduction <minsi>, %select_n3A_576, %reduce_min3A_577 [1] : vector<1024x128xi32> to vector<1024xi32>
    %broadcast_in_dim3A_579 = vector.shape_cast %reduce_min3A_578 : vector<1024xi32> to vector<1024x1xi32>
    %add3A_580 = arith.constant 9.99999993E-9 : f32
    %add3A_581 = vector.broadcast %add3A_580 : f32 to vector<1024x1xf32>
    %add3A_582 = arith.addf %broadcast_in_dim3A_540, %add3A_581 : vector<1024x1xf32>
    %div3A = arith.constant 1.000000e+00 : f32
    %div3A_583 = vector.broadcast %div3A : f32 to vector<1024x1xf32>
    %div3A_584 = arith.divf %div3A_583, %add3A_582 : vector<1024x1xf32>
    %add3A_585 = arith.constant 9.99999993E-9 : f32
    %add3A_586 = vector.broadcast %add3A_585 : f32 to vector<1024x1xf32>
    %add3A_587 = arith.addf %broadcast_in_dim3A_555, %add3A_586 : vector<1024x1xf32>
    %div3A_588 = arith.constant 1.000000e+00 : f32
    %div3A_589 = vector.broadcast %div3A_588 : f32 to vector<1024x1xf32>
    %div3A_590 = arith.divf %div3A_589, %add3A_587 : vector<1024x1xf32>
    %add3A_591 = arith.constant 9.99999993E-9 : f32
    %add3A_592 = vector.broadcast %add3A_591 : f32 to vector<1024x1xf32>
    %add3A_593 = arith.addf %broadcast_in_dim3A_571, %add3A_592 : vector<1024x1xf32>
    %div3A_594 = arith.constant 1.000000e+00 : f32
    %div3A_595 = vector.broadcast %div3A_594 : f32 to vector<1024x1xf32>
    %div3A_596 = arith.divf %div3A_595, %add3A_593 : vector<1024x1xf32>
    %add3A_597 = arith.addf %div3A_584, %div3A_590 : vector<1024x1xf32>
    %add3A_598 = arith.addf %add3A_597, %div3A_596 : vector<1024x1xf32>
    %div3A_599 = arith.divf %div3A_584, %add3A_598 : vector<1024x1xf32>
    %div3A_600 = arith.divf %div3A_590, %add3A_598 : vector<1024x1xf32>
    %div3A_601 = arith.divf %div3A_596, %add3A_598 : vector<1024x1xf32>
    %concatenate3A = tpu.concatenate %div3A_599, %div3A_600, %div3A_601 in 1 : vector<1024x1xf32>, vector<1024x1xf32>, vector<1024x1xf32> -> vector<1024x3xf32>
    %swap3A = arith.constant 0 : index
    %swap3A_602 = arith.constant 0 : index
    %swap3A_603 = vector.load %arg3[%swap3A, %swap3A_602] : memref<1024x3xf32, #tpu.memory_space<vmem>>, vector<1024x3xf32>
    tpu.vector_store %arg3[%swap3A, %swap3A_602], %concatenate3A {strides = array<i32>} : memref<1024x3xf32, #tpu.memory_space<vmem>>, vector<1024x3xf32>,
    %reshape3A_604 = vector.shape_cast %broadcast_in_dim3A_546 : vector<1024x1xi32> to vector<1x1024xi32>
    %reshape3A_605 = vector.shape_cast %broadcast_in_dim3A_563 : vector<1024x1xi32> to vector<1x1024xi32>
    %reshape3A_606 = vector.shape_cast %broadcast_in_dim3A_579 : vector<1024x1xi32> to vector<1x1024xi32>
    %concatenate3A_607 = tpu.concatenate %reshape3A_604, %reshape3A_605, %reshape3A_606 in 0 : vector<1x1024xi32>, vector<1x1024xi32>, vector<1x1024xi32> -> vector<3x1024xi32>
    %swap3A_608 = arith.constant 0 : index
    %swap3A_609 = arith.constant 0 : index
    %swap3A_610 = vector.load %arg4[%swap3A_608, %swap3A_609] : memref<3x1024xi32, #tpu.memory_space<vmem>>, vector<3x1024xi32>
    tpu.vector_store %arg4[%swap3A_608, %swap3A_609], %concatenate3A_607 {strides = array<i32>} : memref<3x1024xi32, #tpu.memory_space<vmem>>, vector<3x1024xi32>,
    return
  }
  func.func @transform_0(%arg0: i32) -> (i32, i32) {
    %add3A = arith.constant 8 : i32
    %add3A_0 = arith.addi %arg0, %add3A : i32
    %c0_i32 = arith.constant 0 : i32
    %c0_i32_1 = arith.constant 0 : i32
    return %c0_i32, %add3A_0 : i32, i32
  }
  func.func @transform_1(%arg0: i32) -> (i32, i32) {
    %c0_i32 = arith.constant 0 : i32
    %c0_i32_0 = arith.constant 0 : i32
    %c0_i32_1 = arith.constant 0 : i32
    return %c0_i32, %c0_i32_0 : i32, i32
  }
  func.func @transform_2(%arg0: i32) -> (i32, i32) {
    %c0_i32 = arith.constant 0 : i32
    %c0_i32_0 = arith.constant 0 : i32
    return %arg0, %c0_i32 : i32, i32
  }
  func.func @transform_3(%arg0: i32) -> (i32, i32) {
    %c0_i32 = arith.constant 0 : i32
    %c0_i32_0 = arith.constant 0 : i32
    return %c0_i32, %arg0 : i32, i32
  }
}

module attributes {stable_mosaic.version = 14 : i64} {
  func.func @_mlp_body(%arg0: i32, %arg1: memref<3x1024x128xf32, #tpu.memory_space<vmem>>, %arg2: memref<1024x3xf32, #tpu.memory_space<vmem>>, %arg3: memref<64x1024xf32, #tpu.memory_space<vmem>>, %arg4: memref<64x128xf32, #tpu.memory_space<vmem>>, %arg5: memref<128x128xf32, #tpu.memory_space<vmem>>, %arg6: memref<128x128xf32, #tpu.memory_space<vmem>>, %arg7: memref<4x128xf32, #tpu.memory_space<vmem>>, %arg8: memref<128x1024xf32, #tpu.memory_space<vmem>>) attributes {dimension_semantics = [#tpu.dimension_semantics<arbitrary>], iteration_bounds = array<i64: 8>, scalar_prefetch = 0 : i64, scratch_operands = 0 : i64, tpu.core_type = #tpu.core_type<tc>, window_params = [{transform_indices = @transform_0, window_bounds = array<i64: 3, 1024, 128>}, {transform_indices = @transform_1, window_bounds = array<i64: 1024, 3>}, {transform_indices = @transform_2, window_bounds = array<i64: 64, 1024>}, {pipeline_mode = #tpu.pipeline_mode<synchronous>, transform_indices = @transform_3, window_bounds = array<i64: 64, 128>}, {pipeline_mode = #tpu.pipeline_mode<synchronous>, transform_indices = @transform_4, window_bounds = array<i64: 128, 128>}, {pipeline_mode = #tpu.pipeline_mode<synchronous>, transform_indices = @transform_5, window_bounds = array<i64: 128, 128>}, {pipeline_mode = #tpu.pipeline_mode<synchronous>, transform_indices = @transform_6, window_bounds = array<i64: 4, 128>}, {transform_indices = @transform_7, window_bounds = array<i64: 128, 1024>}]} {
    %get3A = arith.constant 0 : index
    %get3A_0 = arith.constant 0 : index
    %get3A_1 = arith.constant 0 : index
    %get3A_2 = vector.load %arg1[%get3A, %get3A_0, %get3A_1] : memref<3x1024x128xf32, #tpu.memory_space<vmem>>, vector<3x1024x128xf32>
    %get3A_3 = arith.constant 0 : index
    %get3A_4 = arith.constant 0 : index
    %get3A_5 = vector.load %arg2[%get3A_3, %get3A_4] : memref<1024x3xf32, #tpu.memory_space<vmem>>, vector<1024x3xf32>
    %slice3A = vector.extract_strided_slice %get3A_5 {offsets = [0, 0], sizes = [1024, 1], strides = [1, 1]} : vector<1024x3xf32> to vector<1024x1xf32>
    %slice3A_6 = vector.extract_strided_slice %get3A_2 {offsets = [0, 0, 0], sizes = [1, 1024, 128], strides = [1, 1, 1]} : vector<3x1024x128xf32> to vector<1x1024x128xf32>
    %squeeze3A = vector.shape_cast %slice3A_6 : vector<1x1024x128xf32> to vector<1024x128xf32>
    %mul3A = vector.broadcast %slice3A : vector<1024x1xf32> to vector<1024x128xf32>
    %mul3A_7 = arith.mulf %mul3A, %squeeze3A : vector<1024x128xf32>
    %slice3A_8 = vector.extract_strided_slice %get3A_5 {offsets = [0, 1], sizes = [1024, 1], strides = [1, 1]} : vector<1024x3xf32> to vector<1024x1xf32>
    %slice3A_9 = vector.extract_strided_slice %get3A_2 {offsets = [1, 0, 0], sizes = [1, 1024, 128], strides = [1, 1, 1]} : vector<3x1024x128xf32> to vector<1x1024x128xf32>
    %squeeze3A_10 = vector.shape_cast %slice3A_9 : vector<1x1024x128xf32> to vector<1024x128xf32>
    %mul3A_11 = vector.broadcast %slice3A_8 : vector<1024x1xf32> to vector<1024x128xf32>
    %mul3A_12 = arith.mulf %mul3A_11, %squeeze3A_10 : vector<1024x128xf32>
    %add3A = arith.addf %mul3A_7, %mul3A_12 : vector<1024x128xf32>
    %slice3A_13 = vector.extract_strided_slice %get3A_5 {offsets = [0, 2], sizes = [1024, 1], strides = [1, 1]} : vector<1024x3xf32> to vector<1024x1xf32>
    %slice3A_14 = vector.extract_strided_slice %get3A_2 {offsets = [2, 0, 0], sizes = [1, 1024, 128], strides = [1, 1, 1]} : vector<3x1024x128xf32> to vector<1x1024x128xf32>
    %squeeze3A_15 = vector.shape_cast %slice3A_14 : vector<1x1024x128xf32> to vector<1024x128xf32>
    %mul3A_16 = vector.broadcast %slice3A_13 : vector<1024x1xf32> to vector<1024x128xf32>
    %mul3A_17 = arith.mulf %mul3A_16, %squeeze3A_15 : vector<1024x128xf32>
    %add3A_18 = arith.addf %add3A, %mul3A_17 : vector<1024x128xf32>
    %get3A_19 = arith.constant 0 : index
    %get3A_20 = arith.constant 0 : index
    %get3A_21 = vector.load %arg3[%get3A_19, %get3A_20] : memref<64x1024xf32, #tpu.memory_space<vmem>>, vector<64x1024xf32>
    %get3A_22 = arith.constant 0 : index
    %get3A_23 = arith.constant 0 : index
    %get3A_24 = vector.load %arg4[%get3A_22, %get3A_23] : memref<64x128xf32, #tpu.memory_space<vmem>>, vector<64x128xf32>
    %dot_general3A = arith.constant dense<0.000000e+00> : vector<1024x128xf32>
    %dot_general3A_25 = tpu.matmul %get3A_21, %get3A_24, %dot_general3A {dimension_numbers = #tpu.dot_dimension_numbers<[0], [0], [1], [1], [0, 1, 1, 1], [], []>, transpose_lhs_hint = false} : vector<64x1024xf32>, vector<64x128xf32>, vector<1024x128xf32> -> vector<1024x128xf32>
    %get3A_26 = arith.constant 0 : index
    %get3A_27 = arith.constant 0 : index
    %get3A_28 = vector.load %arg5[%get3A_26, %get3A_27] : memref<128x128xf32, #tpu.memory_space<vmem>>, vector<128x128xf32>
    %dot_general3A_29 = arith.constant dense<0.000000e+00> : vector<1024x128xf32>
    %dot_general3A_30 = tpu.matmul %add3A_18, %get3A_28, %dot_general3A_29 {dimension_numbers = #tpu.dot_dimension_numbers<[1], [0], [0], [1], [0, 0, 1, 1], [], []>, transpose_lhs_hint = false} : vector<1024x128xf32>, vector<128x128xf32>, vector<1024x128xf32> -> vector<1024x128xf32>
    %add3A_31 = arith.addf %dot_general3A_25, %dot_general3A_30 : vector<1024x128xf32>
    %get3A_32 = arith.constant 0 : index
    %get3A_33 = arith.constant 0 : index
    %get3A_34 = vector.load %arg7[%get3A_32, %get3A_33] : memref<4x128xf32, #tpu.memory_space<vmem>>, vector<4x128xf32>
    %slice3A_35 = vector.extract_strided_slice %get3A_34 {offsets = [0, 0], sizes = [1, 128], strides = [1, 1]} : vector<4x128xf32> to vector<1x128xf32>
    %mul3A_36 = vector.broadcast %slice3A_35 : vector<1x128xf32> to vector<1024x128xf32>
    %mul3A_37 = arith.mulf %add3A_31, %mul3A_36 : vector<1024x128xf32>
    %slice3A_38 = vector.extract_strided_slice %get3A_34 {offsets = [1, 0], sizes = [1, 128], strides = [1, 1]} : vector<4x128xf32> to vector<1x128xf32>
    %add3A_39 = vector.broadcast %slice3A_38 : vector<1x128xf32> to vector<1024x128xf32>
    %add3A_40 = arith.addf %mul3A_37, %add3A_39 : vector<1024x128xf32>
    %max3A = arith.constant 0.000000e+00 : f32
    %max3A_41 = vector.broadcast %max3A : f32 to vector<1024x128xf32>
    %max3A_42 = arith.maximumf %add3A_40, %max3A_41 : vector<1024x128xf32>
    %get3A_43 = arith.constant 0 : index
    %get3A_44 = arith.constant 0 : index
    %get3A_45 = vector.load %arg6[%get3A_43, %get3A_44] : memref<128x128xf32, #tpu.memory_space<vmem>>, vector<128x128xf32>
    %dot_general3A_46 = arith.constant dense<0.000000e+00> : vector<128x1024xf32>
    %dot_general3A_47 = tpu.matmul %get3A_45, %max3A_42, %dot_general3A_46 {dimension_numbers = #tpu.dot_dimension_numbers<[0], [1], [1], [0], [0, 1, 1, 0], [], []>, transpose_lhs_hint = false} : vector<128x128xf32>, vector<1024x128xf32>, vector<128x1024xf32> -> vector<128x1024xf32>
    %slice3A_48 = vector.extract_strided_slice %get3A_34 {offsets = [2, 0], sizes = [1, 128], strides = [1, 1]} : vector<4x128xf32> to vector<1x128xf32>
    %squeeze3A_49 = vector.shape_cast %slice3A_48 : vector<1x128xf32> to vector<128xf32>
    %reshape3A = vector.shape_cast %squeeze3A_49 : vector<128xf32> to vector<128x1xf32>
    %slice3A_50 = vector.extract_strided_slice %get3A_34 {offsets = [3, 0], sizes = [1, 128], strides = [1, 1]} : vector<4x128xf32> to vector<1x128xf32>
    %squeeze3A_51 = vector.shape_cast %slice3A_50 : vector<1x128xf32> to vector<128xf32>
    %reshape3A_52 = vector.shape_cast %squeeze3A_51 : vector<128xf32> to vector<128x1xf32>
    %mul3A_53 = vector.broadcast %reshape3A : vector<128x1xf32> to vector<128x1024xf32>
    %mul3A_54 = arith.mulf %dot_general3A_47, %mul3A_53 : vector<128x1024xf32>
    %add3A_55 = vector.broadcast %reshape3A_52 : vector<128x1xf32> to vector<128x1024xf32>
    %add3A_56 = arith.addf %mul3A_54, %add3A_55 : vector<128x1024xf32>
    %max3A_57 = arith.constant 0.000000e+00 : f32
    %max3A_58 = vector.broadcast %max3A_57 : f32 to vector<128x1024xf32>
    %max3A_59 = arith.maximumf %add3A_56, %max3A_58 : vector<128x1024xf32>
    %swap3A = arith.constant 0 : index
    %swap3A_60 = arith.constant 0 : index
    %swap3A_61 = vector.load %arg8[%swap3A, %swap3A_60] : memref<128x1024xf32, #tpu.memory_space<vmem>>, vector<128x1024xf32>
    tpu.vector_store %arg8[%swap3A, %swap3A_60], %max3A_59 {strides = array<i32>} : memref<128x1024xf32, #tpu.memory_space<vmem>>, vector<128x1024xf32>,
    return
  }
  func.func @transform_0(%arg0: i32) -> (i32, i32, i32) {
    %c0_i32 = arith.constant 0 : i32
    %c0_i32_0 = arith.constant 0 : i32
    %c0_i32_1 = arith.constant 0 : i32
    return %c0_i32, %arg0, %c0_i32_0 : i32, i32, i32
  }
  func.func @transform_1(%arg0: i32) -> (i32, i32) {
    %c0_i32 = arith.constant 0 : i32
    %c0_i32_0 = arith.constant 0 : i32
    return %arg0, %c0_i32 : i32, i32
  }
  func.func @transform_2(%arg0: i32) -> (i32, i32) {
    %add3A = arith.constant 8 : i32
    %add3A_0 = arith.addi %arg0, %add3A : i32
    %c0_i32 = arith.constant 0 : i32
    %c0_i32_1 = arith.constant 0 : i32
    return %c0_i32, %add3A_0 : i32, i32
  }
  func.func @transform_3(%arg0: i32) -> (i32, i32) {
    %c0_i32 = arith.constant 0 : i32
    %c0_i32_0 = arith.constant 0 : i32
    %c0_i32_1 = arith.constant 0 : i32
    return %c0_i32, %c0_i32_0 : i32, i32
  }
  func.func @transform_4(%arg0: i32) -> (i32, i32) {
    %c0_i32 = arith.constant 0 : i32
    %c0_i32_0 = arith.constant 0 : i32
    %c0_i32_1 = arith.constant 0 : i32
    return %c0_i32, %c0_i32_0 : i32, i32
  }
  func.func @transform_5(%arg0: i32) -> (i32, i32) {
    %c0_i32 = arith.constant 0 : i32
    %c0_i32_0 = arith.constant 0 : i32
    %c0_i32_1 = arith.constant 0 : i32
    return %c0_i32, %c0_i32_0 : i32, i32
  }
  func.func @transform_6(%arg0: i32) -> (i32, i32) {
    %c0_i32 = arith.constant 0 : i32
    %c0_i32_0 = arith.constant 0 : i32
    %c0_i32_1 = arith.constant 0 : i32
    return %c0_i32, %c0_i32_0 : i32, i32
  }
  func.func @transform_7(%arg0: i32) -> (i32, i32) {
    %c0_i32 = arith.constant 0 : i32
    %c0_i32_0 = arith.constant 0 : i32
    return %c0_i32, %arg0 : i32, i32
  }
}

module attributes {stable_mosaic.version = 14 : i64} {
  func.func @_mlp_body(%arg0: i32, %arg1: memref<3x1024x128xf32, #tpu.memory_space<vmem>>, %arg2: memref<1024x3xf32, #tpu.memory_space<vmem>>, %arg3: memref<64x1024xf32, #tpu.memory_space<vmem>>, %arg4: memref<64x128xf32, #tpu.memory_space<vmem>>, %arg5: memref<128x128xf32, #tpu.memory_space<vmem>>, %arg6: memref<128x128xf32, #tpu.memory_space<vmem>>, %arg7: memref<4x128xf32, #tpu.memory_space<vmem>>, %arg8: memref<128x1024xf32, #tpu.memory_space<vmem>>) attributes {dimension_semantics = [#tpu.dimension_semantics<arbitrary>], iteration_bounds = array<i64: 8>, scalar_prefetch = 0 : i64, scratch_operands = 0 : i64, tpu.core_type = #tpu.core_type<tc>, window_params = [{transform_indices = @transform_0, window_bounds = array<i64: 3, 1024, 128>}, {transform_indices = @transform_1, window_bounds = array<i64: 1024, 3>}, {transform_indices = @transform_2, window_bounds = array<i64: 64, 1024>}, {pipeline_mode = #tpu.pipeline_mode<synchronous>, transform_indices = @transform_3, window_bounds = array<i64: 64, 128>}, {pipeline_mode = #tpu.pipeline_mode<synchronous>, transform_indices = @transform_4, window_bounds = array<i64: 128, 128>}, {pipeline_mode = #tpu.pipeline_mode<synchronous>, transform_indices = @transform_5, window_bounds = array<i64: 128, 128>}, {pipeline_mode = #tpu.pipeline_mode<synchronous>, transform_indices = @transform_6, window_bounds = array<i64: 4, 128>}, {transform_indices = @transform_7, window_bounds = array<i64: 128, 1024>}]} {
    %get3A = arith.constant 0 : index
    %get3A_0 = arith.constant 0 : index
    %get3A_1 = arith.constant 0 : index
    %get3A_2 = vector.load %arg1[%get3A, %get3A_0, %get3A_1] : memref<3x1024x128xf32, #tpu.memory_space<vmem>>, vector<3x1024x128xf32>
    %get3A_3 = arith.constant 0 : index
    %get3A_4 = arith.constant 0 : index
    %get3A_5 = vector.load %arg2[%get3A_3, %get3A_4] : memref<1024x3xf32, #tpu.memory_space<vmem>>, vector<1024x3xf32>
    %slice3A = vector.extract_strided_slice %get3A_5 {offsets = [0, 0], sizes = [1024, 1], strides = [1, 1]} : vector<1024x3xf32> to vector<1024x1xf32>
    %slice3A_6 = vector.extract_strided_slice %get3A_2 {offsets = [0, 0, 0], sizes = [1, 1024, 128], strides = [1, 1, 1]} : vector<3x1024x128xf32> to vector<1x1024x128xf32>
    %squeeze3A = vector.shape_cast %slice3A_6 : vector<1x1024x128xf32> to vector<1024x128xf32>
    %mul3A = vector.broadcast %slice3A : vector<1024x1xf32> to vector<1024x128xf32>
    %mul3A_7 = arith.mulf %mul3A, %squeeze3A : vector<1024x128xf32>
    %slice3A_8 = vector.extract_strided_slice %get3A_5 {offsets = [0, 1], sizes = [1024, 1], strides = [1, 1]} : vector<1024x3xf32> to vector<1024x1xf32>
    %slice3A_9 = vector.extract_strided_slice %get3A_2 {offsets = [1, 0, 0], sizes = [1, 1024, 128], strides = [1, 1, 1]} : vector<3x1024x128xf32> to vector<1x1024x128xf32>
    %squeeze3A_10 = vector.shape_cast %slice3A_9 : vector<1x1024x128xf32> to vector<1024x128xf32>
    %mul3A_11 = vector.broadcast %slice3A_8 : vector<1024x1xf32> to vector<1024x128xf32>
    %mul3A_12 = arith.mulf %mul3A_11, %squeeze3A_10 : vector<1024x128xf32>
    %add3A = arith.addf %mul3A_7, %mul3A_12 : vector<1024x128xf32>
    %slice3A_13 = vector.extract_strided_slice %get3A_5 {offsets = [0, 2], sizes = [1024, 1], strides = [1, 1]} : vector<1024x3xf32> to vector<1024x1xf32>
    %slice3A_14 = vector.extract_strided_slice %get3A_2 {offsets = [2, 0, 0], sizes = [1, 1024, 128], strides = [1, 1, 1]} : vector<3x1024x128xf32> to vector<1x1024x128xf32>
    %squeeze3A_15 = vector.shape_cast %slice3A_14 : vector<1x1024x128xf32> to vector<1024x128xf32>
    %mul3A_16 = vector.broadcast %slice3A_13 : vector<1024x1xf32> to vector<1024x128xf32>
    %mul3A_17 = arith.mulf %mul3A_16, %squeeze3A_15 : vector<1024x128xf32>
    %add3A_18 = arith.addf %add3A, %mul3A_17 : vector<1024x128xf32>
    %get3A_19 = arith.constant 0 : index
    %get3A_20 = arith.constant 0 : index
    %get3A_21 = vector.load %arg3[%get3A_19, %get3A_20] : memref<64x1024xf32, #tpu.memory_space<vmem>>, vector<64x1024xf32>
    %get3A_22 = arith.constant 0 : index
    %get3A_23 = arith.constant 0 : index
    %get3A_24 = vector.load %arg4[%get3A_22, %get3A_23] : memref<64x128xf32, #tpu.memory_space<vmem>>, vector<64x128xf32>
    %dot_general3A = arith.constant dense<0.000000e+00> : vector<1024x128xf32>
    %dot_general3A_25 = tpu.matmul %get3A_21, %get3A_24, %dot_general3A {dimension_numbers = #tpu.dot_dimension_numbers<[0], [0], [1], [1], [0, 1, 1, 1], [], []>, transpose_lhs_hint = false} : vector<64x1024xf32>, vector<64x128xf32>, vector<1024x128xf32> -> vector<1024x128xf32>
    %get3A_26 = arith.constant 0 : index
    %get3A_27 = arith.constant 0 : index
    %get3A_28 = vector.load %arg5[%get3A_26, %get3A_27] : memref<128x128xf32, #tpu.memory_space<vmem>>, vector<128x128xf32>
    %dot_general3A_29 = arith.constant dense<0.000000e+00> : vector<1024x128xf32>
    %dot_general3A_30 = tpu.matmul %add3A_18, %get3A_28, %dot_general3A_29 {dimension_numbers = #tpu.dot_dimension_numbers<[1], [0], [0], [1], [0, 0, 1, 1], [], []>, transpose_lhs_hint = false} : vector<1024x128xf32>, vector<128x128xf32>, vector<1024x128xf32> -> vector<1024x128xf32>
    %add3A_31 = arith.addf %dot_general3A_25, %dot_general3A_30 : vector<1024x128xf32>
    %get3A_32 = arith.constant 0 : index
    %get3A_33 = arith.constant 0 : index
    %get3A_34 = vector.load %arg7[%get3A_32, %get3A_33] : memref<4x128xf32, #tpu.memory_space<vmem>>, vector<4x128xf32>
    %slice3A_35 = vector.extract_strided_slice %get3A_34 {offsets = [0, 0], sizes = [1, 128], strides = [1, 1]} : vector<4x128xf32> to vector<1x128xf32>
    %mul3A_36 = vector.broadcast %slice3A_35 : vector<1x128xf32> to vector<1024x128xf32>
    %mul3A_37 = arith.mulf %add3A_31, %mul3A_36 : vector<1024x128xf32>
    %slice3A_38 = vector.extract_strided_slice %get3A_34 {offsets = [1, 0], sizes = [1, 128], strides = [1, 1]} : vector<4x128xf32> to vector<1x128xf32>
    %add3A_39 = vector.broadcast %slice3A_38 : vector<1x128xf32> to vector<1024x128xf32>
    %add3A_40 = arith.addf %mul3A_37, %add3A_39 : vector<1024x128xf32>
    %max3A = arith.constant 0.000000e+00 : f32
    %max3A_41 = vector.broadcast %max3A : f32 to vector<1024x128xf32>
    %max3A_42 = arith.maximumf %add3A_40, %max3A_41 : vector<1024x128xf32>
    %get3A_43 = arith.constant 0 : index
    %get3A_44 = arith.constant 0 : index
    %get3A_45 = vector.load %arg6[%get3A_43, %get3A_44] : memref<128x128xf32, #tpu.memory_space<vmem>>, vector<128x128xf32>
    %dot_general3A_46 = arith.constant dense<0.000000e+00> : vector<128x1024xf32>
    %dot_general3A_47 = tpu.matmul %get3A_45, %max3A_42, %dot_general3A_46 {dimension_numbers = #tpu.dot_dimension_numbers<[0], [1], [1], [0], [0, 1, 1, 0], [], []>, transpose_lhs_hint = false} : vector<128x128xf32>, vector<1024x128xf32>, vector<128x1024xf32> -> vector<128x1024xf32>
    %slice3A_48 = vector.extract_strided_slice %get3A_34 {offsets = [2, 0], sizes = [1, 128], strides = [1, 1]} : vector<4x128xf32> to vector<1x128xf32>
    %squeeze3A_49 = vector.shape_cast %slice3A_48 : vector<1x128xf32> to vector<128xf32>
    %reshape3A = vector.shape_cast %squeeze3A_49 : vector<128xf32> to vector<128x1xf32>
    %slice3A_50 = vector.extract_strided_slice %get3A_34 {offsets = [3, 0], sizes = [1, 128], strides = [1, 1]} : vector<4x128xf32> to vector<1x128xf32>
    %squeeze3A_51 = vector.shape_cast %slice3A_50 : vector<1x128xf32> to vector<128xf32>
    %reshape3A_52 = vector.shape_cast %squeeze3A_51 : vector<128xf32> to vector<128x1xf32>
    %mul3A_53 = vector.broadcast %reshape3A : vector<128x1xf32> to vector<128x1024xf32>
    %mul3A_54 = arith.mulf %dot_general3A_47, %mul3A_53 : vector<128x1024xf32>
    %add3A_55 = vector.broadcast %reshape3A_52 : vector<128x1xf32> to vector<128x1024xf32>
    %add3A_56 = arith.addf %mul3A_54, %add3A_55 : vector<128x1024xf32>
    %max3A_57 = arith.constant 0.000000e+00 : f32
    %max3A_58 = vector.broadcast %max3A_57 : f32 to vector<128x1024xf32>
    %max3A_59 = arith.maximumf %add3A_56, %max3A_58 : vector<128x1024xf32>
    %swap3A = arith.constant 0 : index
    %swap3A_60 = arith.constant 0 : index
    %swap3A_61 = vector.load %arg8[%swap3A, %swap3A_60] : memref<128x1024xf32, #tpu.memory_space<vmem>>, vector<128x1024xf32>
    tpu.vector_store %arg8[%swap3A, %swap3A_60], %max3A_59 {strides = array<i32>} : memref<128x1024xf32, #tpu.memory_space<vmem>>, vector<128x1024xf32>,
    return
  }
  func.func @transform_0(%arg0: i32) -> (i32, i32, i32) {
    %c0_i32 = arith.constant 0 : i32
    %c0_i32_0 = arith.constant 0 : i32
    %c0_i32_1 = arith.constant 0 : i32
    return %c0_i32, %arg0, %c0_i32_0 : i32, i32, i32
  }
  func.func @transform_1(%arg0: i32) -> (i32, i32) {
    %c0_i32 = arith.constant 0 : i32
    %c0_i32_0 = arith.constant 0 : i32
    return %arg0, %c0_i32 : i32, i32
  }
  func.func @transform_2(%arg0: i32) -> (i32, i32) {
    %add3A = arith.constant 0 : i32
    %add3A_0 = arith.addi %arg0, %add3A : i32
    %c0_i32 = arith.constant 0 : i32
    %c0_i32_1 = arith.constant 0 : i32
    return %c0_i32, %add3A_0 : i32, i32
  }
  func.func @transform_3(%arg0: i32) -> (i32, i32) {
    %c0_i32 = arith.constant 0 : i32
    %c0_i32_0 = arith.constant 0 : i32
    %c0_i32_1 = arith.constant 0 : i32
    return %c0_i32, %c0_i32_0 : i32, i32
  }
  func.func @transform_4(%arg0: i32) -> (i32, i32) {
    %c0_i32 = arith.constant 0 : i32
    %c0_i32_0 = arith.constant 0 : i32
    %c0_i32_1 = arith.constant 0 : i32
    return %c0_i32, %c0_i32_0 : i32, i32
  }
  func.func @transform_5(%arg0: i32) -> (i32, i32) {
    %c0_i32 = arith.constant 0 : i32
    %c0_i32_0 = arith.constant 0 : i32
    %c0_i32_1 = arith.constant 0 : i32
    return %c0_i32, %c0_i32_0 : i32, i32
  }
  func.func @transform_6(%arg0: i32) -> (i32, i32) {
    %c0_i32 = arith.constant 0 : i32
    %c0_i32_0 = arith.constant 0 : i32
    %c0_i32_1 = arith.constant 0 : i32
    return %c0_i32, %c0_i32_0 : i32, i32
  }
  func.func @transform_7(%arg0: i32) -> (i32, i32) {
    %c0_i32 = arith.constant 0 : i32
    %c0_i32_0 = arith.constant 0 : i32
    return %c0_i32, %arg0 : i32, i32
  }
}

</mosaic_0001>

<sc_bundles>
// kernel: kernel.11.cloned.1.call-start
scs
__scs_entry_jumppad:
0x0: {  	(pc) =	sbr.rel $0x88, $3  }
0x1: {  	(tag) =	ssettag $0x0;
	lr =	simm.s32 $0x1  }
0x2: {  	[smem:$0x3F91] =	sst lr;
	_ =	strace $0xD0000000  }
0x3: {  	_ = 	snop  }
0x4: {  	_ = 	snop  }
0x5: {  	_ = 	snop  }
0x6: {  	_ = 	snop  }
0x7: {  	_ = 	snop  }
__scs_overlays_trampoline_lowered:
0x8: {  	[smem:$0x3FA0] =	sst s0  }
0x9: {  	[smem:$0x3FA1] =	sst s1  }
0xa: {  	[smem:$0x3FA2] =	sst s2  }
0xb: {  	[smem:$0x3FA3] =	sst s3  }
0xc: {  	[smem:$0x3FA4] =	sst s4  }
0xd: {  	[smem:$0x3FA5] =	sst s5  }
0xe: {  	[smem:$0x3FA6] =	sst s6  }
0xf: {  	[smem:$0x3FA7] =	sst s7  }
0x10: {  	[smem:$0x3FA8] =	sst s8  }
0x11: {  	[smem:$0x3FA9] =	sst s9;
	s0 =	simm.s32 @!p0 $0x0  }
0x12: {  	s1 =	sld [smem:$0x3F8F];
	s0 =	simm.s32 @p0 $0x1  }
0x13: {  	[smem:$0x3FAA] =	sst s0;
	s0 =	simm.s32 @!p1 $0x0  }
0x14: {  	s2 =	sld [smem:$0x3F8E];
	s0 =	simm.s32 @p1 $0x1  }
0x15: {  	[smem:$0x3FAB] =	sst s0;
	s0 =	simm.s32 @!p2 $0x0  }
0x16: {  	s3 =	sld [smem:$0x3FDB];
	s0 =	simm.s32 @p2 $0x1  }
0x17: {  	s4 =	simm.s32 $0x1BF5;
	[smem:$0x3FAD] =	sst s0  }
0x18: {  	s0 =	sld [smem:$0x3F90];
	_ =	swait.ge [sflag:s4], $0x0  }
0x19: {  	s7 =	sld [smem:$0x3F91]  }
0x1a: {  	s8 =	sadd.s32 $0xFFFFE003, lr  }
0x1b: {  	s9 =	sadd.s32 $0xFFFFFEF7, lr;
	s5 =	simm.s32 $0xFFFFFFFF;
	p2 =	slt.u32 s8, $0xFFFFF086  }
0x1c: {  	p1 =	slt.u32 s9, $0xF7A;
	s5 =	simm.s32 @!p2 $0x0  }
0x1d: {  	s5 =	simm.s32 @p1 $0x1;
	p0 =	seq.s32 s7, s2  }
0x1e: {  	s7 =	smul.u32 @!p0 $0xF7A, s2;
	p2 =	seq.s32 @!p0 s5, $0x0  }
0x1f: {  	s9 =	smul.u32 $0xF7A, s1;
	s8 =	simm.s32 @!p0 $0x1BF5;
	p2 =	por !p2, p0  }
0x20: {  	[sflag:s8] =	ssyncset.s32 @!p0 $0xFFFFF086;
	s6 =	sadd.s32 @!p0 s3, s7;
	s7 =	simm.s32 @!p0 $0x108  }
0x21: {  	s3 =	sadd.s32 s3, s9;
	s6 =	sadd.s32 @!p0 $0x88, s6;
	s7 =	simm.s32 @p2 $0x1082  }
0x22: {  	[simem:s7], [sflag:s8] =	dma.local @!p0 [hbm:s6], $0xF7A  }
0x23: {  	s9 =	sor.u32 $0xD0000000, s2;
	s6 =	simm.s32 $0x108;
	_ =	swait.ge @!p0 [sflag:s8], $0x0  }
0x24: {  	s3 =	sadd.s32 $0x88, s3;
	s6 =	simm.s32 @!p1 $0x1082;
	[sflag:s4] =	ssyncset.s32 $0xFFFFF086  }
0x25: {  	[simem:s6], [sflag:s4] =	dma.local [hbm:s3], $0xF7A  }
0x26: {  	[smem:$0x3F91] =	sst s1;
	(tag) =	ssettag s2;
	_ =	strace s9  }
0x27: {  	s1 =	sld [smem:$0x3FA1]  }
0x28: {  	s2 =	sld [smem:$0x3FA2]  }
0x29: {  	s4 =	sld [smem:$0x3FA4]  }
0x2a: {  	p0 =	seq.s32 s5, $0x0;
	s5 =	sld [smem:$0x3FA5]  }
0x2b: {  	s6 =	sld [smem:$0x3FA6]  }
0x2c: {  	s7 =	sld [smem:$0x3FA7]  }
0x2d: {  	s3 =	simm.s32 $0x108;
	s8 =	sld [smem:$0x3FA8]  }
0x2e: {  	s3 =	simm.s32 @!p0 $0x1082;
	s9 =	sld [smem:$0x3FA9]  }
0x2f: {  	lr =	sadd.s32 s0, s3;
	s0 =	sld [smem:$0x3FA0]  }
0x30: {  	s3 =	sld [smem:$0x3FA3]  }
0x31: {  	[smem:$0x3FAC] =	sst s10  }
0x32: {  	s10 =	sld [smem:$0x3FAA];
	_ =	sdelay $0x3  }
0x33: {  	p0 =	seq.s32 s10, $0x1;
	s10 =	sld [smem:$0x3FAC];
	_ =	sdelay $0x3  }
0x34: {  	[smem:$0x3FAC] =	sst s10  }
0x35: {  	s10 =	sld [smem:$0x3FAB];
	_ =	sdelay $0x3  }
0x36: {  	p1 =	seq.s32 s10, $0x1;
	s10 =	sld [smem:$0x3FAC];
	_ =	sdelay $0x3  }
0x37: {  	[smem:$0x3FAC] =	sst s10  }
0x38: {  	s10 =	sld [smem:$0x3FAD]  }
0x39: {  	_ = 	snop;
	(pc) =	sbr.ind lr, $3  }
0x3a: {  	_ = 	snop  }
0x3b: {  	_ = 	snop  }
0x3c: {  	p2 =	seq.s32 s10, $0x1;
	s10 =	sld [smem:$0x3FAC]  }
0x3d: {  	_ =	shalt  }
0x3e: {  	_ =	shalt  }
0x3f: {  	_ =	shalt  }
0x40: {  	_ =	shalt  }
0x41: {  	_ =	shalt  }
0x42: {  	_ =	shalt  }
0x43: {  	_ =	shalt  }
0x44: {  	_ =	shalt  }
0x45: {  	_ =	shalt  }
0x46: {  	_ =	shalt  }
0x47: {  	_ =	shalt  }
0x48: {  	_ =	shalt  }
0x49: {  	_ =	shalt  }
0x4a: {  	_ =	shalt  }
0x4b: {  	_ =	shalt  }
0x4c: {  	_ =	shalt  }
0x4d: {  	_ =	shalt  }
0x4e: {  	_ =	shalt  }
0x4f: {  	_ =	shalt  }
0x50: {  	_ =	shalt  }
0x51: {  	_ =	shalt  }
0x52: {  	_ =	shalt  }
0x53: {  	_ =	shalt  }
0x54: {  	_ =	shalt  }
0x55: {  	_ =	shalt  }
0x56: {  	_ =	shalt  }
0x57: {  	_ =	shalt  }
0x58: {  	_ =	shalt  }
0x59: {  	_ =	shalt  }
0x5a: {  	_ =	shalt  }
0x5b: {  	_ =	shalt  }
0x5c: {  	_ =	shalt  }
0x5d: {  	_ =	shalt  }
0x5e: {  	_ =	shalt  }
0x5f: {  	_ =	shalt  }
0x60: {  	_ =	shalt  }
0x61: {  	_ =	shalt  }
0x62: {  	_ =	shalt  }
0x63: {  	_ =	shalt  }
0x64: {  	_ =	shalt  }
0x65: {  	_ =	shalt  }
0x66: {  	_ =	shalt  }
0x67: {  	_ =	shalt  }
0x68: {  	_ =	shalt  }
0x69: {  	_ =	shalt  }
0x6a: {  	_ =	shalt  }
0x6b: {  	_ =	shalt  }
0x6c: {  	_ =	shalt  }
0x6d: {  	_ =	shalt  }
0x6e: {  	_ =	shalt  }
0x6f: {  	_ =	shalt  }
0x70: {  	_ =	shalt  }
0x71: {  	_ =	shalt  }
0x72: {  	_ =	shalt  }
0x73: {  	_ =	shalt  }
0x74: {  	_ =	shalt  }
0x75: {  	_ =	shalt  }
0x76: {  	_ =	shalt  }
0x77: {  	_ =	shalt  }
0x78: {  	_ =	shalt  }
0x79: {  	_ =	shalt  }
0x7a: {  	_ =	shalt  }
0x7b: {  	_ =	shalt  }
0x7c: {  	_ =	shalt  }
0x7d: {  	_ =	shalt  }
0x7e: {  	_ =	shalt  }
0x7f: {  	_ =	shalt  }
0x80: {  	_ =	shalt  }
0x81: {  	_ =	shalt  }
0x82: {  	_ =	shalt  }
0x83: {  	_ =	shalt  }
0x84: {  	_ =	shalt  }
0x85: {  	_ =	shalt  }
0x86: {  	_ =	shalt  }
0x87: {  	_ =	shalt  }
.Lfunc_end0:
.L_simem_size_0:
called_computation.1_lowered:
.L_overlay_start_0:
0x88: {  	s2 =	sld [smem:$0x3FD9]  }
0x89: {  	s3 =	sld [smem:$0x3FFE];
	_ =	sdelay $0x1  }
0x8a: {  	s1 =	srdreg.scid  }
0x8b: {  	s0 =	sand.u32 $0x1, s1  }
0x8c: {  	s17 =	sshll.u32 s0, $0xA;
	s2 =	sadd.s32 s3, s2  }
0x8d: {  	s2 =	sadd.s32 s2, s17  }
0x8e: {  	[smem:$0x3FB8] =	sst s2  }
0x8f: {  	_ = 	snop  }
0x90: {  	s18 =	sld [smem:$0x3FD0];
	(tm) =	ssettm $0x1  }
0x91: {  	s19 =	sld [smem:$0x3FFB];
	_ =	sdelay $0x3  }
0x92: {  	_ =	strace s19  }
0x93: {  	s2 =	sld [smem:$0x3FFC];
	_ =	sdelay $0x3  }
0x94: {  	_ =	strace s2  }
0x95: {  	s2 =	sld [smem:$0x3FFD];
	_ =	sdelay $0x3  }
0x96: {  	_ =	strace s2  }
0x97: {  	_ =	strace $0x8FFFFFFF  }
0x98: {  	s20 =	sld [smem:$0x3FDB];
	_ =	sdelay $0x1  }
0x99: {  	s4 =	simm.s32 $_scs_section_size  }
0x9a: {  	s5 =	simm.s32 $_size__tile_overlayer_lowered;
	s6 =	simm.s32 $_tile_overlayer_lowered  }
0x9b: {  	s7 =	simm.s32 $0x1BFF;
	s21 =	sshll.u32 s6, $0x1;
	s4 =	sadd.s32 s4, s20  }
0x9c: {  	s22 =	simm.s32 $0x0;
	s5 =	sshll.u32 s5, $0x1;
	s6 =	sadd.s32 s21, s4  }
0x9d: {  	[timem:s22], [sflag:s7] =	dma.local [hbm:s6], s5  }
0x9e: {  	_ =	swait.ge [sflag:s7], s5  }
0x9f: {  	s5 =	ssub.s32 $0x0, s5;
	[sflag:s7] =	ssyncset.done $0x0  }
0xa0: {  	[sflag:s7] =	ssyncadd.s32 s5;
	_ =	sdelay $0x1  }
0xa1: {  	s23 =	simm.s32 $0x1B8B  }
0xa2: {  	_ =	swait.ge [sflag:s23], $0x1  }
0xa3: {  	[sflag:s23] =	ssyncset.done $0x0  }
0xa4: {  	[sflag:s23] =	ssyncadd.s32 $0xFFFFFFFF  }
0xa5: {  	s5 =	sld [smem:$0x0]  }
0xa6: {  	s6 =	sand.u32 $0xFFFFFFFE, s1  }
0xa7: {  	p0 =	sne.s32 s1, s6  }
0xa8: {  	s6 =	sshll.u32 @p0 s6, $0xE  }
0xa9: {  	s6 =	sadd.s32 @p0 $0x11B8D, s6;
	s7 =	sshll.u32 @p0 s5, $0x11  }
0xaa: {  	s6 =	sor.u32 @p0 s7, s6  }
0xab: {  	[sflag:s6] =	ssyncadd.remote.s32 @p0 $0x1;
	_ =	sdelay $0x1  }
0xac: {  	s6 =	simm.s32 @p0 $0x1B8D  }
0xad: {  	_ =	swait.eq @p0 [sflag:s6], $0x1  }
0xae: {  	[sflag:s6] =	ssyncadd.s32 @p0 $0xFFFFFFFF  }
0xaf: {  	s7 =	sshll.u32 @!p0 s1, $0xE  }
0xb0: {  	s7 =	sor.u32 @!p0 $0x4000, s7;
	s6 =	simm.s32 @!p0 $0x1B8D  }
0xb1: {  	s5 =	sshll.u32 @!p0 s5, $0x11;
	s7 =	sadd.s32 @!p0 $0x11B8D, s7;
	_ =	swait.eq @!p0 [sflag:s6], $0x1  }
0xb2: {  	s5 =	sor.u32 @!p0 s5, s7;
	[sflag:s6] =	ssyncadd.s32 @!p0 $0xFFFFFFFF  }
0xb3: {  	s25 =	simm.s32 $0x1B8E;
	s24 =	sld [smem:$0x3FFE];
	[sflag:s5] =	ssyncadd.remote.s32 @!p0 $0x1  }
0xb4: {  	s26 =	simm.s32 $execute0_lowered;
	[smem:$0x3FD2] =	sst s25  }
0xb5: {  	s6 =	sshll.u32 s26, $0x1;
	_ =	strace $0x80000049;
	[dreg:$0x1] =	wrdreg $0xFFFFFFFF  }
0xb6: {  	s28 =	simm.s32 $_size_execute0_lowered;
	s4 =	sadd.s32 s4, s6;
	[dreg:$0x0] =	wrdreg $0x0  }
0xb7: {  	s6 =	sshll.u32 s28, $0x1;
	[dreg:$0x2] =	wrdreg s4  }
0xb8: {  	[dreg:$0x3] =	wrdreg s6  }
0xb9: {  	[dreg:$0x4] =	wrdreg $0xC0  }
0xba: {  	_ =	task [dreg:s22], $0x5FFFF  }
0xbb: {  	[dreg:$0x1] =	wrdreg $0xFFFFFFFF  }
0xbc: {  	[dreg:$0x0] =	wrdreg $0x60  }
0xbd: {  	[dreg:$0x2] =	wrdreg s24  }
0xbe: {  	[dreg:$0x3] =	wrdreg s18  }
0xbf: {  	[dreg:$0x4] =	wrdreg $0xA  }
0xc0: {  	_ =	task.clear_ibuf [dreg:s22], $0x5FFFF;
	_ =	strace $0x90000049  }
0xc1: {  	s29 =	simm.s32 $0xA;
	_ =	strace $0x8000004B  }
0xc2: {  	_ =	swait.ge [sflag:s29], $0x1  }
0xc3: {  	[sflag:s29] =	ssyncadd.s32 $0xFFFFFFFF  }
0xc4: {  	_ =	strace $0x9000004B  }
0xc5: {  	_ =	sfence  }
0xc6: {  	s30 =	sld [smem:$0x0];
	_ =	sdelay $0x2  }
0xc7: {  	s31 =	sshll.u32 s1, $0xD;
	s1 =	sshrl.u32 s1, $0x2  }
0xc8: {  	s4 =	sand.u32 $0x4000, s31;
	s1 =	sadd.s32 s1, s30  }
0xc9: {  	s0 =	sor.u32 s4, s0;
	s1 =	sshll.u32 s1, $0x11  }
0xca: {  	s0 =	sor.u32 s1, s0  }
0xcb: {  	s0 =	sadd.s32 $0x8F2B, s0  }
0xcc: {  	[sflag:s0] =	ssyncadd.remote.s32 $0x1  }
0xcd: {  	_ =	sfence.sel $0xFFFF  }
0xce: {  	[dreg:$0x0] =	wrdreg $0xFFFFFFFF;
	(pc) =	sbr.abs _section_cstart, $3  }
0xcf: {  	[dreg:$0x1] =	wrdreg $0xFFFFFFFF  }
0xd0: {  	_ =	task.clear_ibuf [dreg:s22], $0x2FFFF;
	_ =	strace $0x9FFFFFFF  }
0xd1: {  	(tm) =	ssettm $0x7FFFFFFF  }
tec
execute0_lowered:
.L_overlay_start_1:
0x0: {  	(tag) =	ssettag $0x1  }
0x1: {  	s1 =	srdreg.scid;
	s0 =	stileid.u32  }
0x2: {  	s23 =	sand.u32 $0x1, s1;
	s25 =	sshll.u32 s0, $0x1  }
0x3: {  	s12 =	sor.u32 s23, s25  }
0x4: {  	s11 =	rddreg [dreg:$0x0];
	s22 =	smul.u32 $0x300, s12  }
0x5: {  	s2 =	rddreg [dreg:$0x1];
	s3 =	simm.s32 $0x0;
	s5 =	simm.s32 $0x5  }
0x6: {  	[smem:$0x7FF] =	sst s3;
	s21 =	sadd.s32 $0x63800, s11;
	s4 =	sshrl.u32 s22, $0x3  }
0x7: {  	s1 =	rddreg [dreg:$0x2];
	_ =	strace $0x8000004A;
	s4 =	sadd.s32 s21, s4  }
0x8: {  	[tilespmem:s3], [sflag:$0x5] =	stream.linear.gather [hbm4b:s4+s3], $0x80, $0x38;
	[tilespmem:$0x8100] =	vst v63  }
0x9: {  	_ =	swait.ge [sflag:s5], $0x80  }
0xa: {  	s6 =	simm.s32 $0x80;
	s15 =	sor.u32 $0x80, s22;
	[sflag:s5] =	ssyncset.done $0x0  }
0xb: {  	s7 =	simm.s32 $0x100;
	s8 =	sshrl.u32 s15, $0x3;
	[sflag:s5] =	ssyncadd.s32 $0xFFFFFF80  }
0xc: {  	[tilespmem:s7], [sflag:$0x1] =	stream.indirect.gather [hbm4b:s2+s6], $0x80, s3, s6, $0xb8;
	[tilespmem:$0x8100] =	vst v63  }
0xd: {  	s8 =	sadd.s32 s21, s8  }
0xe: {  	[tilespmem:s6], [sflag:$0x5] =	stream.linear.gather [hbm4b:s8+s3], $0x80, $0x38;
	[tilespmem:$0x8100] =	vst v63  }
0xf: {  	_ =	swait.ge [sflag:s5], $0x80  }
0x10: {  	[sflag:s5] =	ssyncset.done $0x0  }
0x11: {  	s9 =	simm.s32 $0x4100;
	s10 =	simm.s32 $0x1;
	[sflag:s5] =	ssyncadd.s32 $0xFFFFFF80  }
0x12: {  	[tilespmem:s9], [sflag:$0x2] =	stream.indirect.gather [hbm4b:s2+s6], $0x80, s6, s6, $0xb8;
	[tilespmem:$0x8100] =	vst v63  }
0x13: {  	s12 =	smul.u32 $0x3000, s12;
	_ =	swait.ge [sflag:s10], $0x4000  }
0x14: {  	s24 =	sadd.s32 $0x64400, s11;
	s18 =	sadd.s32 $0x100, s22;
	[sflag:s10] =	ssyncset.done $0x0  }
0x15: {  	s11 =	sadd.s32 s24, s12;
	s26 =	sshrl.u32 s18, $0x3;
	[sflag:s10] =	ssyncadd.s32 $0xFFFFC000  }
0x16: {  	[hbm4b:s11+s3] =	stream.linear.scatter [tilespmem:s7], [sflag:$0x3], $0x4000, $0x38;
	[tilespmem:$0x8100] =	vst v63  }
0x17: {  	s12 =	sadd.s32 s21, s26  }
0x18: {  	[tilespmem:s3], [sflag:$0x5] =	stream.linear.gather [hbm4b:s12+s3], $0x80, $0x38;
	[tilespmem:$0x8100] =	vst v63  }
0x19: {  	_ =	swait.ge [sflag:s5], $0x80  }
0x1a: {  	[sflag:s5] =	ssyncset.done $0x0  }
0x1b: {  	s13 =	simm.s32 $0x3;
	[sflag:s5] =	ssyncadd.s32 $0xFFFFFF80  }
0x1c: {  	_ =	swait.ge [sflag:s13], $0x4000  }
0x1d: {  	[sflag:s13] =	ssyncset.done $0x0  }
0x1e: {  	s14 =	simm.s32 $0x2;
	[sflag:s13] =	ssyncadd.s32 $0xFFFFC000  }
0x1f: {  	[tilespmem:s7], [sflag:$0x1] =	stream.indirect.gather [hbm4b:s2+s6], $0x80, s3, s6, $0xb8;
	[tilespmem:$0x8100] =	vst v63  }
0x20: {  	_ =	swait.ge [sflag:s14], $0x4000  }
0x21: {  	s20 =	sadd.s32 $0x180, s22;
	s15 =	sshll.u32 s15, $0x4;
	[sflag:s14] =	ssyncset.done $0x0  }
0x22: {  	s16 =	sshrl.u32 s20, $0x3;
	s15 =	sadd.s32 s24, s15;
	[sflag:s14] =	ssyncadd.s32 $0xFFFFC000  }
0x23: {  	[hbm4b:s15+s3] =	stream.linear.scatter [tilespmem:s9], [sflag:$0x4], $0x4000, $0x38;
	[tilespmem:$0x8100] =	vst v63  }
0x24: {  	s16 =	sadd.s32 s21, s16  }
0x25: {  	[tilespmem:s6], [sflag:$0x5] =	stream.linear.gather [hbm4b:s16+s3], $0x80, $0x38;
	[tilespmem:$0x8100] =	vst v63  }
0x26: {  	_ =	swait.ge [sflag:s5], $0x80  }
0x27: {  	[sflag:s5] =	ssyncset.done $0x0  }
0x28: {  	s17 =	simm.s32 $0x4;
	[sflag:s5] =	ssyncadd.s32 $0xFFFFFF80  }
0x29: {  	_ =	swait.ge [sflag:s17], $0x4000  }
0x2a: {  	[sflag:s17] =	ssyncset.done $0x0  }
0x2b: {  	[sflag:s17] =	ssyncadd.s32 $0xFFFFC000  }
0x2c: {  	[tilespmem:s9], [sflag:$0x2] =	stream.indirect.gather [hbm4b:s2+s6], $0x80, s6, s6, $0xb8;
	[tilespmem:$0x8100] =	vst v63  }
0x2d: {  	_ =	swait.ge [sflag:s10], $0x4000  }
0x2e: {  	s25 =	sadd.s32 $0x200, s22;
	s18 =	sshll.u32 s18, $0x4;
	[sflag:s10] =	ssyncset.done $0x0  }
0x2f: {  	s19 =	sshrl.u32 s25, $0x3;
	s18 =	sadd.s32 s24, s18;
	[sflag:s10] =	ssyncadd.s32 $0xFFFFC000  }
0x30: {  	[hbm4b:s18+s3] =	stream.linear.scatter [tilespmem:s7], [sflag:$0x3], $0x4000, $0x38;
	[tilespmem:$0x8100] =	vst v63  }
0x31: {  	s19 =	sadd.s32 s21, s19  }
0x32: {  	[tilespmem:s3], [sflag:$0x5] =	stream.linear.gather [hbm4b:s19+s3], $0x80, $0x38;
	[tilespmem:$0x8100] =	vst v63  }
0x33: {  	_ =	swait.ge [sflag:s5], $0x80  }
0x34: {  	[sflag:s5] =	ssyncset.done $0x0  }
0x35: {  	[sflag:s5] =	ssyncadd.s32 $0xFFFFFF80  }
0x36: {  	_ =	swait.ge [sflag:s13], $0x4000  }
0x37: {  	[sflag:s13] =	ssyncset.done $0x0  }
0x38: {  	[sflag:s13] =	ssyncadd.s32 $0xFFFFC000  }
0x39: {  	[tilespmem:s7], [sflag:$0x1] =	stream.indirect.gather [hbm4b:s2+s6], $0x80, s3, s6, $0xb8;
	[tilespmem:$0x8100] =	vst v63  }
0x3a: {  	_ =	swait.ge [sflag:s14], $0x4000  }
0x3b: {  	s20 =	sshll.u32 s20, $0x4;
	s26 =	sadd.s32 $0x280, s22;
	[sflag:s14] =	ssyncset.done $0x0  }
0x3c: {  	s20 =	sadd.s32 s24, s20;
	s22 =	sshrl.u32 s26, $0x3;
	[sflag:s14] =	ssyncadd.s32 $0xFFFFC000  }
0x3d: {  	[hbm4b:s20+s3] =	stream.linear.scatter [tilespmem:s9], [sflag:$0x4], $0x4000, $0x38;
	[tilespmem:$0x8100] =	vst v63  }
0x3e: {  	s21 =	sadd.s32 s21, s22  }
0x3f: {  	[tilespmem:s6], [sflag:$0x5] =	stream.linear.gather [hbm4b:s21+s3], $0x80, $0x38;
	[tilespmem:$0x8100] =	vst v63  }
0x40: {  	_ =	swait.ge [sflag:s5], $0x80  }
0x41: {  	[sflag:s5] =	ssyncset.done $0x0  }
0x42: {  	[sflag:s5] =	ssyncadd.s32 $0xFFFFFF80  }
0x43: {  	_ =	swait.ge [sflag:s17], $0x4000  }
0x44: {  	[sflag:s17] =	ssyncset.done $0x0  }
0x45: {  	[sflag:s17] =	ssyncadd.s32 $0xFFFFC000  }
0x46: {  	[tilespmem:s9], [sflag:$0x2] =	stream.indirect.gather [hbm4b:s2+s6], $0x80, s6, s6, $0xb8;
	[tilespmem:$0x8100] =	vst v63  }
0x47: {  	s30 =	ssub.s32 $0x2, s23;
	_ =	swait.ge [sflag:s10], $0x4000  }
0x48: {  	s31 =	sshrl.u32 s30, $0x1;
	s28 =	sshll.u32 s25, $0x4;
	[sflag:s10] =	ssyncset.done $0x0  }
0x49: {  	s29 =	sshll.u32 s26, $0x4;
	s22 =	sadd.s32 s24, s28;
	[sflag:s10] =	ssyncadd.s32 $0xFFFFC000  }
0x4a: {  	[hbm4b:s22+s3] =	stream.linear.scatter [tilespmem:s7], [sflag:$0x3], $0x4000, $0x38;
	[tilespmem:$0x8100] =	vst v63  }
0x4b: {  	s23 =	sadd.s32 s24, s29;
	s24 =	ssub.s32 s30, s31;
	_ =	swait.ge [sflag:s14], $0x4000  }
0x4c: {  	s24 =	smax.u32 s24, $0x1;
	[sflag:s14] =	ssyncset.done $0x0  }
0x4d: {  	p0 =	sne.s32 s24, $0x1;
	[sflag:s14] =	ssyncadd.s32 $0xFFFFC000  }
0x4e: {  	[hbm4b:s23+s3] =	stream.linear.scatter [tilespmem:s9], [sflag:$0x4], $0x4000, $0x38;
	[tilespmem:$0x8100] =	vst v63  }
.Ltmp0:
0x4f: {  	_ =	swait.ge [sflag:s13], $0x4000;
	(pc) =	sbr.rel @!p0 .LBB2_2-.Ltmp0, $4  }
0x50: {  	[sflag:s13] =	ssyncset.done $0x0  }
0x51: {  	[sflag:s13] =	ssyncadd.s32 $0xFFFFC000  }
0x52: {  	_ =	swait.ge [sflag:s17], $0x4000  }
0x53: {  	s24 =	sadd.s32 $0xFFFFFFFF, s24;
	[sflag:s17] =	ssyncset.done $0x0  }
.LBB2_1:
0x54: {  	p0 =	sne.s32 s24, $0x1;
	s24 =	sadd.s32 $0xFFFFFFFF, s24;
	[sflag:s17] =	ssyncadd.s32 $0xFFFFC000  }
0x55: {  	[tilespmem:s3], [sflag:$0x5] =	stream.linear.gather [hbm4b:s4+s3], $0x80, $0x38;
	[tilespmem:$0x8100] =	vst v63  }
0x56: {  	_ =	swait.ge [sflag:s5], $0x80  }
0x57: {  	[sflag:s5] =	ssyncset.done $0x0  }
0x58: {  	[sflag:s5] =	ssyncadd.s32 $0xFFFFFF80  }
0x59: {  	[tilespmem:s7], [sflag:$0x1] =	stream.indirect.gather [hbm4b:s2+s6], $0x80, s3, s6, $0xb8;
	[tilespmem:$0x8100] =	vst v63  }
0x5a: {  	_ = 	snop  }
0x5b: {  	[tilespmem:s6], [sflag:$0x5] =	stream.linear.gather [hbm4b:s8+s3], $0x80, $0x38;
	[tilespmem:$0x8100] =	vst v63  }
0x5c: {  	_ =	swait.ge [sflag:s5], $0x80  }
0x5d: {  	[sflag:s5] =	ssyncset.done $0x0  }
0x5e: {  	[sflag:s5] =	ssyncadd.s32 $0xFFFFFF80  }
0x5f: {  	[tilespmem:s9], [sflag:$0x2] =	stream.indirect.gather [hbm4b:s2+s6], $0x80, s6, s6, $0xb8;
	[tilespmem:$0x8100] =	vst v63  }
0x60: {  	_ =	swait.ge [sflag:s10], $0x4000  }
0x61: {  	[sflag:s10] =	ssyncset.done $0x0  }
0x62: {  	[sflag:s10] =	ssyncadd.s32 $0xFFFFC000  }
0x63: {  	[hbm4b:s11+s3] =	stream.linear.scatter [tilespmem:s7], [sflag:$0x3], $0x4000, $0x38;
	[tilespmem:$0x8100] =	vst v63  }
0x64: {  	_ = 	snop  }
0x65: {  	[tilespmem:s3], [sflag:$0x5] =	stream.linear.gather [hbm4b:s12+s3], $0x80, $0x38;
	[tilespmem:$0x8100] =	vst v63  }
0x66: {  	_ =	swait.ge [sflag:s5], $0x80  }
0x67: {  	[sflag:s5] =	ssyncset.done $0x0  }
0x68: {  	[sflag:s5] =	ssyncadd.s32 $0xFFFFFF80  }
0x69: {  	_ =	swait.ge [sflag:s13], $0x4000  }
0x6a: {  	[sflag:s13] =	ssyncset.done $0x0  }
0x6b: {  	[sflag:s13] =	ssyncadd.s32 $0xFFFFC000  }
0x6c: {  	[tilespmem:s7], [sflag:$0x1] =	stream.indirect.gather [hbm4b:s2+s6], $0x80, s3, s6, $0xb8;
	[tilespmem:$0x8100] =	vst v63  }
0x6d: {  	_ =	swait.ge [sflag:s14], $0x4000  }
0x6e: {  	[sflag:s14] =	ssyncset.done $0x0  }
0x6f: {  	[sflag:s14] =	ssyncadd.s32 $0xFFFFC000  }
0x70: {  	[hbm4b:s15+s3] =	stream.linear.scatter [tilespmem:s9], [sflag:$0x4], $0x4000, $0x38;
	[tilespmem:$0x8100] =	vst v63  }
0x71: {  	_ = 	snop  }
0x72: {  	[tilespmem:s6], [sflag:$0x5] =	stream.linear.gather [hbm4b:s16+s3], $0x80, $0x38;
	[tilespmem:$0x8100] =	vst v63  }
0x73: {  	_ =	swait.ge [sflag:s5], $0x80  }
0x74: {  	[sflag:s5] =	ssyncset.done $0x0  }
0x75: {  	[sflag:s5] =	ssyncadd.s32 $0xFFFFFF80  }
0x76: {  	_ =	swait.ge [sflag:s17], $0x4000  }
0x77: {  	[sflag:s17] =	ssyncset.done $0x0  }
0x78: {  	[sflag:s17] =	ssyncadd.s32 $0xFFFFC000  }
0x79: {  	[tilespmem:s9], [sflag:$0x2] =	stream.indirect.gather [hbm4b:s2+s6], $0x80, s6, s6, $0xb8;
	[tilespmem:$0x8100] =	vst v63  }
0x7a: {  	_ =	swait.ge [sflag:s10], $0x4000  }
0x7b: {  	[sflag:s10] =	ssyncset.done $0x0  }
0x7c: {  	[sflag:s10] =	ssyncadd.s32 $0xFFFFC000  }
0x7d: {  	[hbm4b:s18+s3] =	stream.linear.scatter [tilespmem:s7], [sflag:$0x3], $0x4000, $0x38;
	[tilespmem:$0x8100] =	vst v63  }
0x7e: {  	_ = 	snop  }
0x7f: {  	[tilespmem:s3], [sflag:$0x5] =	stream.linear.gather [hbm4b:s19+s3], $0x80, $0x38;
	[tilespmem:$0x8100] =	vst v63  }
0x80: {  	_ =	swait.ge [sflag:s5], $0x80  }
0x81: {  	[sflag:s5] =	ssyncset.done $0x0  }
0x82: {  	[sflag:s5] =	ssyncadd.s32 $0xFFFFFF80  }
0x83: {  	_ =	swait.ge [sflag:s13], $0x4000  }
0x84: {  	[sflag:s13] =	ssyncset.done $0x0  }
0x85: {  	[sflag:s13] =	ssyncadd.s32 $0xFFFFC000  }
0x86: {  	[tilespmem:s7], [sflag:$0x1] =	stream.indirect.gather [hbm4b:s2+s6], $0x80, s3, s6, $0xb8;
	[tilespmem:$0x8100] =	vst v63  }
0x87: {  	_ =	swait.ge [sflag:s14], $0x4000  }
0x88: {  	[sflag:s14] =	ssyncset.done $0x0  }
0x89: {  	[sflag:s14] =	ssyncadd.s32 $0xFFFFC000  }
0x8a: {  	[hbm4b:s20+s3] =	stream.linear.scatter [tilespmem:s9], [sflag:$0x4], $0x4000, $0x38;
	[tilespmem:$0x8100] =	vst v63  }
0x8b: {  	_ = 	snop  }
0x8c: {  	[tilespmem:s6], [sflag:$0x5] =	stream.linear.gather [hbm4b:s21+s3], $0x80, $0x38;
	[tilespmem:$0x8100] =	vst v63  }
0x8d: {  	_ =	swait.ge [sflag:s5], $0x80  }
0x8e: {  	[sflag:s5] =	ssyncset.done $0x0  }
0x8f: {  	[sflag:s5] =	ssyncadd.s32 $0xFFFFFF80  }
0x90: {  	_ =	swait.ge [sflag:s17], $0x4000  }
0x91: {  	[sflag:s17] =	ssyncset.done $0x0  }
0x92: {  	[sflag:s17] =	ssyncadd.s32 $0xFFFFC000  }
0x93: {  	[tilespmem:s9], [sflag:$0x2] =	stream.indirect.gather [hbm4b:s2+s6], $0x80, s6, s6, $0xb8;
	[tilespmem:$0x8100] =	vst v63  }
0x94: {  	_ =	swait.ge [sflag:s10], $0x4000  }
0x95: {  	[sflag:s10] =	ssyncset.done $0x0  }
0x96: {  	[sflag:s10] =	ssyncadd.s32 $0xFFFFC000  }
0x97: {  	[hbm4b:s22+s3] =	stream.linear.scatter [tilespmem:s7], [sflag:$0x3], $0x4000, $0x38;
	[tilespmem:$0x8100] =	vst v63  }
0x98: {  	_ =	swait.ge [sflag:s14], $0x4000  }
0x99: {  	[sflag:s14] =	ssyncset.done $0x0  }
0x9a: {  	[sflag:s14] =	ssyncadd.s32 $0xFFFFC000  }
0x9b: {  	[hbm4b:s23+s3] =	stream.linear.scatter [tilespmem:s9], [sflag:$0x4], $0x4000, $0x38;
	[tilespmem:$0x8100] =	vst v63  }
.Ltmp1:
0x9c: {  	_ =	swait.ge [sflag:s13], $0x4000;
	(pc) =	sbr.rel @p0 .LBB2_1-.Ltmp1, $4  }
0x9d: {  	[sflag:s13] =	ssyncset.done $0x0  }
0x9e: {  	[sflag:s13] =	ssyncadd.s32 $0xFFFFC000  }
0x9f: {  	_ =	swait.ge [sflag:s17], $0x4000  }
0xa0: {  	[sflag:s17] =	ssyncset.done $0x0  }
.LBB2_2:
0xa1: {  	[sflag:s17] =	ssyncadd.s32 $0xFFFFC000  }
0xa2: {  	_ =	sfence.sel $0x180000  }
0xa3: {  	[bflag:$0x0] =	sbarrier.arrive $0xFFFF  }
0xa4: {  	p0 =	sne.s32 s0, $0x0;
	_ =	strace $0x9000004A  }
0xa5: {  	s0 =	sadd.s32 @!p0 $0x100000, s1;
	[bflag:$0x2] =	sbarrier.arrive $0xFFFF  }
0xa6: {  	[sflag:s0] =	ssyncadd.tile.s32 @!p0 $0x1;
	_ =	shalt  }
.Lfunc_end2:
_tile_overlayer_lowered:
.L_overlay_start_2:
0xa7: {  	(tag) =	ssettag $0x2  }
0xa8: {  	s0 =	rddreg [dreg:$0x0];
	s2 =	stileid.u32  }
0xa9: {  	s1 =	rddreg [dreg:$0x1];
	p0 =	sne.s32 s2, $0x0  }
0xaa: {  	s3 =	rddreg [dreg:$0x2];
	[bflag:$0x3] =	sbarrier.arrive $0xFFFF;
	s2 =	simm.s32 @!p0 $0x1C05  }
0xab: {  	[timem:s3], [sflag:s2] =	dma.local @!p0 [hbm:s0], s1  }
0xac: {  	s0 =	simm.s32 @!p0 $0x5  }
0xad: {  	_ =	swait.ge @!p0 [sflag:s0], s1  }
0xae: {  	s1 =	ssub.s32 @!p0 $0x0, s1;
	[sflag:s0] =	ssyncset.done @!p0 $0x0  }
0xaf: {  	[sflag:s0] =	ssyncadd.s32 @!p0 s1  }
0xb0: {  	[bflag:$0x3] =	sbarrier.arrive $0xFFFF  }
0xb1: {  	_ =	shalt  }

// kernel: kernel.8.cloned.1.call-start
scs
__scs_entry_jumppad:
0x0: {  	(pc) =	sbr.rel $0x88, $3  }
0x1: {  	(tag) =	ssettag $0x0;
	lr =	simm.s32 $0x1  }
0x2: {  	[smem:$0x3F91] =	sst lr;
	_ =	strace $0xD0000000  }
0x3: {  	_ = 	snop  }
0x4: {  	_ = 	snop  }
0x5: {  	_ = 	snop  }
0x6: {  	_ = 	snop  }
0x7: {  	_ = 	snop  }
__scs_overlays_trampoline_lowered:
0x8: {  	[smem:$0x3FA0] =	sst s0  }
0x9: {  	[smem:$0x3FA1] =	sst s1  }
0xa: {  	[smem:$0x3FA2] =	sst s2  }
0xb: {  	[smem:$0x3FA3] =	sst s3  }
0xc: {  	[smem:$0x3FA4] =	sst s4  }
0xd: {  	[smem:$0x3FA5] =	sst s5  }
0xe: {  	[smem:$0x3FA6] =	sst s6  }
0xf: {  	[smem:$0x3FA7] =	sst s7  }
0x10: {  	[smem:$0x3FA8] =	sst s8  }
0x11: {  	[smem:$0x3FA9] =	sst s9;
	s0 =	simm.s32 @!p0 $0x0  }
0x12: {  	s1 =	sld [smem:$0x3F8F];
	s0 =	simm.s32 @p0 $0x1  }
0x13: {  	[smem:$0x3FAA] =	sst s0;
	s0 =	simm.s32 @!p1 $0x0  }
0x14: {  	s2 =	sld [smem:$0x3F8E];
	s0 =	simm.s32 @p1 $0x1  }
0x15: {  	[smem:$0x3FAB] =	sst s0;
	s0 =	simm.s32 @!p2 $0x0  }
0x16: {  	s3 =	sld [smem:$0x3FDB];
	s0 =	simm.s32 @p2 $0x1  }
0x17: {  	s4 =	simm.s32 $0x1BF5;
	[smem:$0x3FAD] =	sst s0  }
0x18: {  	s0 =	sld [smem:$0x3F90];
	_ =	swait.ge [sflag:s4], $0x0  }
0x19: {  	s7 =	sld [smem:$0x3F91]  }
0x1a: {  	s8 =	sadd.s32 $0xFFFFE003, lr  }
0x1b: {  	s9 =	sadd.s32 $0xFFFFFEF7, lr;
	s5 =	simm.s32 $0xFFFFFFFF;
	p2 =	slt.u32 s8, $0xFFFFF086  }
0x1c: {  	p1 =	slt.u32 s9, $0xF7A;
	s5 =	simm.s32 @!p2 $0x0  }
0x1d: {  	s5 =	simm.s32 @p1 $0x1;
	p0 =	seq.s32 s7, s2  }
0x1e: {  	s7 =	smul.u32 @!p0 $0xF7A, s2;
	p2 =	seq.s32 @!p0 s5, $0x0  }
0x1f: {  	s9 =	smul.u32 $0xF7A, s1;
	s8 =	simm.s32 @!p0 $0x1BF5;
	p2 =	por !p2, p0  }
0x20: {  	[sflag:s8] =	ssyncset.s32 @!p0 $0xFFFFF086;
	s6 =	sadd.s32 @!p0 s3, s7;
	s7 =	simm.s32 @!p0 $0x108  }
0x21: {  	s3 =	sadd.s32 s3, s9;
	s6 =	sadd.s32 @!p0 $0x88, s6;
	s7 =	simm.s32 @p2 $0x1082  }
0x22: {  	[simem:s7], [sflag:s8] =	dma.local @!p0 [hbm:s6], $0xF7A  }
0x23: {  	s9 =	sor.u32 $0xD0000000, s2;
	s6 =	simm.s32 $0x108;
	_ =	swait.ge @!p0 [sflag:s8], $0x0  }
0x24: {  	s3 =	sadd.s32 $0x88, s3;
	s6 =	simm.s32 @!p1 $0x1082;
	[sflag:s4] =	ssyncset.s32 $0xFFFFF086  }
0x25: {  	[simem:s6], [sflag:s4] =	dma.local [hbm:s3], $0xF7A  }
0x26: {  	[smem:$0x3F91] =	sst s1;
	(tag) =	ssettag s2;
	_ =	strace s9  }
0x27: {  	s1 =	sld [smem:$0x3FA1]  }
0x28: {  	s2 =	sld [smem:$0x3FA2]  }
0x29: {  	s4 =	sld [smem:$0x3FA4]  }
0x2a: {  	p0 =	seq.s32 s5, $0x0;
	s5 =	sld [smem:$0x3FA5]  }
0x2b: {  	s6 =	sld [smem:$0x3FA6]  }
0x2c: {  	s7 =	sld [smem:$0x3FA7]  }
0x2d: {  	s3 =	simm.s32 $0x108;
	s8 =	sld [smem:$0x3FA8]  }
0x2e: {  	s3 =	simm.s32 @!p0 $0x1082;
	s9 =	sld [smem:$0x3FA9]  }
0x2f: {  	lr =	sadd.s32 s0, s3;
	s0 =	sld [smem:$0x3FA0]  }
0x30: {  	s3 =	sld [smem:$0x3FA3]  }
0x31: {  	[smem:$0x3FAC] =	sst s10  }
0x32: {  	s10 =	sld [smem:$0x3FAA];
	_ =	sdelay $0x3  }
0x33: {  	p0 =	seq.s32 s10, $0x1;
	s10 =	sld [smem:$0x3FAC];
	_ =	sdelay $0x3  }
0x34: {  	[smem:$0x3FAC] =	sst s10  }
0x35: {  	s10 =	sld [smem:$0x3FAB];
	_ =	sdelay $0x3  }
0x36: {  	p1 =	seq.s32 s10, $0x1;
	s10 =	sld [smem:$0x3FAC];
	_ =	sdelay $0x3  }
0x37: {  	[smem:$0x3FAC] =	sst s10  }
0x38: {  	s10 =	sld [smem:$0x3FAD]  }
0x39: {  	_ = 	snop;
	(pc) =	sbr.ind lr, $3  }
0x3a: {  	_ = 	snop  }
0x3b: {  	_ = 	snop  }
0x3c: {  	p2 =	seq.s32 s10, $0x1;
	s10 =	sld [smem:$0x3FAC]  }
0x3d: {  	_ =	shalt  }
0x3e: {  	_ =	shalt  }
0x3f: {  	_ =	shalt  }
0x40: {  	_ =	shalt  }
0x41: {  	_ =	shalt  }
0x42: {  	_ =	shalt  }
0x43: {  	_ =	shalt  }
0x44: {  	_ =	shalt  }
0x45: {  	_ =	shalt  }
0x46: {  	_ =	shalt  }
0x47: {  	_ =	shalt  }
0x48: {  	_ =	shalt  }
0x49: {  	_ =	shalt  }
0x4a: {  	_ =	shalt  }
0x4b: {  	_ =	shalt  }
0x4c: {  	_ =	shalt  }
0x4d: {  	_ =	shalt  }
0x4e: {  	_ =	shalt  }
0x4f: {  	_ =	shalt  }
0x50: {  	_ =	shalt  }
0x51: {  	_ =	shalt  }
0x52: {  	_ =	shalt  }
0x53: {  	_ =	shalt  }
0x54: {  	_ =	shalt  }
0x55: {  	_ =	shalt  }
0x56: {  	_ =	shalt  }
0x57: {  	_ =	shalt  }
0x58: {  	_ =	shalt  }
0x59: {  	_ =	shalt  }
0x5a: {  	_ =	shalt  }
0x5b: {  	_ =	shalt  }
0x5c: {  	_ =	shalt  }
0x5d: {  	_ =	shalt  }
0x5e: {  	_ =	shalt  }
0x5f: {  	_ =	shalt  }
0x60: {  	_ =	shalt  }
0x61: {  	_ =	shalt  }
0x62: {  	_ =	shalt  }
0x63: {  	_ =	shalt  }
0x64: {  	_ =	shalt  }
0x65: {  	_ =	shalt  }
0x66: {  	_ =	shalt  }
0x67: {  	_ =	shalt  }
0x68: {  	_ =	shalt  }
0x69: {  	_ =	shalt  }
0x6a: {  	_ =	shalt  }
0x6b: {  	_ =	shalt  }
0x6c: {  	_ =	shalt  }
0x6d: {  	_ =	shalt  }
0x6e: {  	_ =	shalt  }
0x6f: {  	_ =	shalt  }
0x70: {  	_ =	shalt  }
0x71: {  	_ =	shalt  }
0x72: {  	_ =	shalt  }
0x73: {  	_ =	shalt  }
0x74: {  	_ =	shalt  }
0x75: {  	_ =	shalt  }
0x76: {  	_ =	shalt  }
0x77: {  	_ =	shalt  }
0x78: {  	_ =	shalt  }
0x79: {  	_ =	shalt  }
0x7a: {  	_ =	shalt  }
0x7b: {  	_ =	shalt  }
0x7c: {  	_ =	shalt  }
0x7d: {  	_ =	shalt  }
0x7e: {  	_ =	shalt  }
0x7f: {  	_ =	shalt  }
0x80: {  	_ =	shalt  }
0x81: {  	_ =	shalt  }
0x82: {  	_ =	shalt  }
0x83: {  	_ =	shalt  }
0x84: {  	_ =	shalt  }
0x85: {  	_ =	shalt  }
0x86: {  	_ =	shalt  }
0x87: {  	_ =	shalt  }
.Lfunc_end0:
.L_simem_size_0:
called_computation_lowered:
.L_overlay_start_0:
0x88: {  	s2 =	sld [smem:$0x3FD9]  }
0x89: {  	s3 =	sld [smem:$0x3FFE];
	_ =	sdelay $0x1  }
0x8a: {  	s1 =	srdreg.scid  }
0x8b: {  	s0 =	sand.u32 $0x1, s1  }
0x8c: {  	s17 =	sshll.u32 s0, $0xA;
	s2 =	sadd.s32 s3, s2  }
0x8d: {  	s2 =	sadd.s32 s2, s17  }
0x8e: {  	[smem:$0x3FB8] =	sst s2  }
0x8f: {  	_ = 	snop  }
0x90: {  	s2 =	sld [smem:$0x3FD0];
	(tm) =	ssettm $0x1  }
0x91: {  	s18 =	sld [smem:$0x3FFB];
	_ =	sdelay $0x3  }
0x92: {  	_ =	strace s18  }
0x93: {  	s3 =	sld [smem:$0x3FFC];
	_ =	sdelay $0x3  }
0x94: {  	_ =	strace s3  }
0x95: {  	s3 =	sld [smem:$0x3FFD];
	_ =	sdelay $0x3  }
0x96: {  	_ =	strace s3  }
0x97: {  	_ =	strace $0x8FFFFFFF  }
0x98: {  	s19 =	sld [smem:$0x3FDB];
	_ =	sdelay $0x1  }
0x99: {  	s4 =	simm.s32 $_scs_section_size  }
0x9a: {  	s5 =	simm.s32 $_size__tile_overlayer_lowered;
	s6 =	simm.s32 $_tile_overlayer_lowered  }
0x9b: {  	s22 =	simm.s32 $0x1BFF;
	s21 =	sshll.u32 s6, $0x1;
	s3 =	sadd.s32 s4, s19  }
0x9c: {  	s7 =	simm.s32 $0x0;
	s20 =	sshll.u32 s5, $0x1;
	s5 =	sadd.s32 s21, s3  }
0x9d: {  	[timem:s7], [sflag:s22] =	dma.local [hbm:s5], s20  }
0x9e: {  	_ =	swait.ge [sflag:s22], s20  }
0x9f: {  	s4 =	ssub.s32 $0x0, s20;
	[sflag:s22] =	ssyncset.done $0x0  }
0xa0: {  	[sflag:s22] =	ssyncadd.s32 s4;
	_ =	sdelay $0x1  }
0xa1: {  	s23 =	simm.s32 $0x1B8B  }
0xa2: {  	_ =	swait.ge [sflag:s23], $0x1  }
0xa3: {  	[sflag:s23] =	ssyncset.done $0x0  }
0xa4: {  	s25 =	simm.s32 $0x1B8E;
	s24 =	sld [smem:$0x3FFE];
	[sflag:s23] =	ssyncadd.s32 $0xFFFFFFFF  }
0xa5: {  	s26 =	simm.s32 $execute0_lowered;
	[smem:$0x3FD2] =	sst s25  }
0xa6: {  	s5 =	sshll.u32 s26, $0x1;
	_ =	strace $0x80000046;
	[dreg:$0x1] =	wrdreg $0xFFFFFFFF  }
0xa7: {  	s28 =	simm.s32 $_size_execute0_lowered;
	s3 =	sadd.s32 s3, s5;
	[dreg:$0x0] =	wrdreg $0x0  }
0xa8: {  	s5 =	sshll.u32 s28, $0x1;
	[dreg:$0x2] =	wrdreg s3  }
0xa9: {  	[dreg:$0x3] =	wrdreg s5  }
0xaa: {  	[dreg:$0x4] =	wrdreg $0xC0  }
0xab: {  	_ =	task [dreg:s7], $0x5FFFF  }
0xac: {  	[dreg:$0x1] =	wrdreg $0xFFFFFFFF  }
0xad: {  	[dreg:$0x0] =	wrdreg $0x60  }
0xae: {  	[dreg:$0x2] =	wrdreg s24  }
0xaf: {  	[dreg:$0x3] =	wrdreg s2  }
0xb0: {  	[dreg:$0x4] =	wrdreg $0x9  }
0xb1: {  	_ =	task.clear_ibuf [dreg:s7], $0x5FFFF;
	_ =	strace $0x90000046  }
0xb2: {  	s29 =	simm.s32 $0x9;
	_ =	strace $0x80000048  }
0xb3: {  	_ =	swait.ge [sflag:s29], $0x1  }
0xb4: {  	[sflag:s29] =	ssyncadd.s32 $0xFFFFFFFF  }
0xb5: {  	_ =	strace $0x90000048  }
0xb6: {  	_ =	sfence  }
0xb7: {  	s30 =	sld [smem:$0x0];
	_ =	sdelay $0x2  }
0xb8: {  	s31 =	sshll.u32 s1, $0xD;
	s1 =	sshrl.u32 s1, $0x2  }
0xb9: {  	s3 =	sand.u32 $0x4000, s31;
	s1 =	sadd.s32 s1, s30  }
0xba: {  	s0 =	sor.u32 s3, s0;
	s1 =	sshll.u32 s1, $0x11  }
0xbb: {  	s0 =	sor.u32 s1, s0  }
0xbc: {  	s0 =	sadd.s32 $0x8F2B, s0  }
0xbd: {  	[sflag:s0] =	ssyncadd.remote.s32 $0x1  }
0xbe: {  	_ =	sfence.sel $0xFFFF  }
0xbf: {  	[dreg:$0x0] =	wrdreg $0xFFFFFFFF;
	(pc) =	sbr.abs _section_cstart, $3  }
0xc0: {  	[dreg:$0x1] =	wrdreg $0xFFFFFFFF  }
0xc1: {  	_ =	task.clear_ibuf [dreg:s7], $0x2FFFF;
	_ =	strace $0x9FFFFFFF  }
0xc2: {  	(tm) =	ssettm $0x7FFFFFFF  }
0xc3: {  	_ =	shalt  }
tec
execute0_lowered:
.L_overlay_start_1:
0x0: {  	(tag) =	ssettag $0x1  }
0x1: {  	s1 =	srdreg.scid;
	s0 =	stileid.u32  }
0x2: {  	s23 =	sand.u32 $0x1, s1;
	s25 =	sshll.u32 s0, $0x1  }
0x3: {  	s12 =	sor.u32 s23, s25  }
0x4: {  	s11 =	rddreg [dreg:$0x0];
	s22 =	smul.u32 $0x300, s12  }
0x5: {  	s2 =	rddreg [dreg:$0x1];
	s3 =	simm.s32 $0x0;
	s5 =	simm.s32 $0x5  }
0x6: {  	[smem:$0x7FF] =	sst s3;
	s21 =	sadd.s32 $0x2C00, s11;
	s4 =	sshrl.u32 s22, $0x3  }
0x7: {  	s1 =	rddreg [dreg:$0x2];
	_ =	strace $0x80000047;
	s4 =	sadd.s32 s21, s4  }
0x8: {  	[tilespmem:s3], [sflag:$0x5] =	stream.linear.gather [hbm4b:s4+s3], $0x80, $0x38;
	[tilespmem:$0x8100] =	vst v63  }
0x9: {  	_ =	swait.ge [sflag:s5], $0x80  }
0xa: {  	s6 =	simm.s32 $0x80;
	s15 =	sor.u32 $0x80, s22;
	[sflag:s5] =	ssyncset.done $0x0  }
0xb: {  	s7 =	simm.s32 $0x100;
	s8 =	sshrl.u32 s15, $0x3;
	[sflag:s5] =	ssyncadd.s32 $0xFFFFFF80  }
0xc: {  	[tilespmem:s7], [sflag:$0x1] =	stream.indirect.gather [hbm4b:s2+s6], $0x80, s3, s6, $0xb8;
	[tilespmem:$0x8100] =	vst v63  }
0xd: {  	s8 =	sadd.s32 s21, s8  }
0xe: {  	[tilespmem:s6], [sflag:$0x5] =	stream.linear.gather [hbm4b:s8+s3], $0x80, $0x38;
	[tilespmem:$0x8100] =	vst v63  }
0xf: {  	_ =	swait.ge [sflag:s5], $0x80  }
0x10: {  	[sflag:s5] =	ssyncset.done $0x0  }
0x11: {  	s9 =	simm.s32 $0x4100;
	s10 =	simm.s32 $0x1;
	[sflag:s5] =	ssyncadd.s32 $0xFFFFFF80  }
0x12: {  	[tilespmem:s9], [sflag:$0x2] =	stream.indirect.gather [hbm4b:s2+s6], $0x80, s6, s6, $0xb8;
	[tilespmem:$0x8100] =	vst v63  }
0x13: {  	s12 =	smul.u32 $0x3000, s12;
	_ =	swait.ge [sflag:s10], $0x4000  }
0x14: {  	s24 =	sadd.s32 $0x3800, s11;
	s18 =	sadd.s32 $0x100, s22;
	[sflag:s10] =	ssyncset.done $0x0  }
0x15: {  	s11 =	sadd.s32 s24, s12;
	s26 =	sshrl.u32 s18, $0x3;
	[sflag:s10] =	ssyncadd.s32 $0xFFFFC000  }
0x16: {  	[hbm4b:s11+s3] =	stream.linear.scatter [tilespmem:s7], [sflag:$0x3], $0x4000, $0x38;
	[tilespmem:$0x8100] =	vst v63  }
0x17: {  	s12 =	sadd.s32 s21, s26  }
0x18: {  	[tilespmem:s3], [sflag:$0x5] =	stream.linear.gather [hbm4b:s12+s3], $0x80, $0x38;
	[tilespmem:$0x8100] =	vst v63  }
0x19: {  	_ =	swait.ge [sflag:s5], $0x80  }
0x1a: {  	[sflag:s5] =	ssyncset.done $0x0  }
0x1b: {  	s13 =	simm.s32 $0x3;
	[sflag:s5] =	ssyncadd.s32 $0xFFFFFF80  }
0x1c: {  	_ =	swait.ge [sflag:s13], $0x4000  }
0x1d: {  	[sflag:s13] =	ssyncset.done $0x0  }
0x1e: {  	s14 =	simm.s32 $0x2;
	[sflag:s13] =	ssyncadd.s32 $0xFFFFC000  }
0x1f: {  	[tilespmem:s7], [sflag:$0x1] =	stream.indirect.gather [hbm4b:s2+s6], $0x80, s3, s6, $0xb8;
	[tilespmem:$0x8100] =	vst v63  }
0x20: {  	_ =	swait.ge [sflag:s14], $0x4000  }
0x21: {  	s20 =	sadd.s32 $0x180, s22;
	s15 =	sshll.u32 s15, $0x4;
	[sflag:s14] =	ssyncset.done $0x0  }
0x22: {  	s16 =	sshrl.u32 s20, $0x3;
	s15 =	sadd.s32 s24, s15;
	[sflag:s14] =	ssyncadd.s32 $0xFFFFC000  }
0x23: {  	[hbm4b:s15+s3] =	stream.linear.scatter [tilespmem:s9], [sflag:$0x4], $0x4000, $0x38;
	[tilespmem:$0x8100] =	vst v63  }
0x24: {  	s16 =	sadd.s32 s21, s16  }
0x25: {  	[tilespmem:s6], [sflag:$0x5] =	stream.linear.gather [hbm4b:s16+s3], $0x80, $0x38;
	[tilespmem:$0x8100] =	vst v63  }
0x26: {  	_ =	swait.ge [sflag:s5], $0x80  }
0x27: {  	[sflag:s5] =	ssyncset.done $0x0  }
0x28: {  	s17 =	simm.s32 $0x4;
	[sflag:s5] =	ssyncadd.s32 $0xFFFFFF80  }
0x29: {  	_ =	swait.ge [sflag:s17], $0x4000  }
0x2a: {  	[sflag:s17] =	ssyncset.done $0x0  }
0x2b: {  	[sflag:s17] =	ssyncadd.s32 $0xFFFFC000  }
0x2c: {  	[tilespmem:s9], [sflag:$0x2] =	stream.indirect.gather [hbm4b:s2+s6], $0x80, s6, s6, $0xb8;
	[tilespmem:$0x8100] =	vst v63  }
0x2d: {  	_ =	swait.ge [sflag:s10], $0x4000  }
0x2e: {  	s25 =	sadd.s32 $0x200, s22;
	s18 =	sshll.u32 s18, $0x4;
	[sflag:s10] =	ssyncset.done $0x0  }
0x2f: {  	s19 =	sshrl.u32 s25, $0x3;
	s18 =	sadd.s32 s24, s18;
	[sflag:s10] =	ssyncadd.s32 $0xFFFFC000  }
0x30: {  	[hbm4b:s18+s3] =	stream.linear.scatter [tilespmem:s7], [sflag:$0x3], $0x4000, $0x38;
	[tilespmem:$0x8100] =	vst v63  }
0x31: {  	s19 =	sadd.s32 s21, s19  }
0x32: {  	[tilespmem:s3], [sflag:$0x5] =	stream.linear.gather [hbm4b:s19+s3], $0x80, $0x38;
	[tilespmem:$0x8100] =	vst v63  }
0x33: {  	_ =	swait.ge [sflag:s5], $0x80  }
0x34: {  	[sflag:s5] =	ssyncset.done $0x0  }
0x35: {  	[sflag:s5] =	ssyncadd.s32 $0xFFFFFF80  }
0x36: {  	_ =	swait.ge [sflag:s13], $0x4000  }
0x37: {  	[sflag:s13] =	ssyncset.done $0x0  }
0x38: {  	[sflag:s13] =	ssyncadd.s32 $0xFFFFC000  }
0x39: {  	[tilespmem:s7], [sflag:$0x1] =	stream.indirect.gather [hbm4b:s2+s6], $0x80, s3, s6, $0xb8;
	[tilespmem:$0x8100] =	vst v63  }
0x3a: {  	_ =	swait.ge [sflag:s14], $0x4000  }
0x3b: {  	s20 =	sshll.u32 s20, $0x4;
	s26 =	sadd.s32 $0x280, s22;
	[sflag:s14] =	ssyncset.done $0x0  }
0x3c: {  	s20 =	sadd.s32 s24, s20;
	s22 =	sshrl.u32 s26, $0x3;
	[sflag:s14] =	ssyncadd.s32 $0xFFFFC000  }
0x3d: {  	[hbm4b:s20+s3] =	stream.linear.scatter [tilespmem:s9], [sflag:$0x4], $0x4000, $0x38;
	[tilespmem:$0x8100] =	vst v63  }
0x3e: {  	s21 =	sadd.s32 s21, s22  }
0x3f: {  	[tilespmem:s6], [sflag:$0x5] =	stream.linear.gather [hbm4b:s21+s3], $0x80, $0x38;
	[tilespmem:$0x8100] =	vst v63  }
0x40: {  	_ =	swait.ge [sflag:s5], $0x80  }
0x41: {  	[sflag:s5] =	ssyncset.done $0x0  }
0x42: {  	[sflag:s5] =	ssyncadd.s32 $0xFFFFFF80  }
0x43: {  	_ =	swait.ge [sflag:s17], $0x4000  }
0x44: {  	[sflag:s17] =	ssyncset.done $0x0  }
0x45: {  	[sflag:s17] =	ssyncadd.s32 $0xFFFFC000  }
0x46: {  	[tilespmem:s9], [sflag:$0x2] =	stream.indirect.gather [hbm4b:s2+s6], $0x80, s6, s6, $0xb8;
	[tilespmem:$0x8100] =	vst v63  }
0x47: {  	s30 =	ssub.s32 $0x2, s23;
	_ =	swait.ge [sflag:s10], $0x4000  }
0x48: {  	s31 =	sshrl.u32 s30, $0x1;
	s28 =	sshll.u32 s25, $0x4;
	[sflag:s10] =	ssyncset.done $0x0  }
0x49: {  	s29 =	sshll.u32 s26, $0x4;
	s22 =	sadd.s32 s24, s28;
	[sflag:s10] =	ssyncadd.s32 $0xFFFFC000  }
0x4a: {  	[hbm4b:s22+s3] =	stream.linear.scatter [tilespmem:s7], [sflag:$0x3], $0x4000, $0x38;
	[tilespmem:$0x8100] =	vst v63  }
0x4b: {  	s23 =	sadd.s32 s24, s29;
	s24 =	ssub.s32 s30, s31;
	_ =	swait.ge [sflag:s14], $0x4000  }
0x4c: {  	s24 =	smax.u32 s24, $0x1;
	[sflag:s14] =	ssyncset.done $0x0  }
0x4d: {  	p0 =	sne.s32 s24, $0x1;
	[sflag:s14] =	ssyncadd.s32 $0xFFFFC000  }
0x4e: {  	[hbm4b:s23+s3] =	stream.linear.scatter [tilespmem:s9], [sflag:$0x4], $0x4000, $0x38;
	[tilespmem:$0x8100] =	vst v63  }
.Ltmp0:
0x4f: {  	_ =	swait.ge [sflag:s13], $0x4000;
	(pc) =	sbr.rel @!p0 .LBB2_2-.Ltmp0, $4  }
0x50: {  	[sflag:s13] =	ssyncset.done $0x0  }
0x51: {  	[sflag:s13] =	ssyncadd.s32 $0xFFFFC000  }
0x52: {  	_ =	swait.ge [sflag:s17], $0x4000  }
0x53: {  	s24 =	sadd.s32 $0xFFFFFFFF, s24;
	[sflag:s17] =	ssyncset.done $0x0  }
.LBB2_1:
0x54: {  	p0 =	sne.s32 s24, $0x1;
	s24 =	sadd.s32 $0xFFFFFFFF, s24;
	[sflag:s17] =	ssyncadd.s32 $0xFFFFC000  }
0x55: {  	[tilespmem:s3], [sflag:$0x5] =	stream.linear.gather [hbm4b:s4+s3], $0x80, $0x38;
	[tilespmem:$0x8100] =	vst v63  }
0x56: {  	_ =	swait.ge [sflag:s5], $0x80  }
0x57: {  	[sflag:s5] =	ssyncset.done $0x0  }
0x58: {  	[sflag:s5] =	ssyncadd.s32 $0xFFFFFF80  }
0x59: {  	[tilespmem:s7], [sflag:$0x1] =	stream.indirect.gather [hbm4b:s2+s6], $0x80, s3, s6, $0xb8;
	[tilespmem:$0x8100] =	vst v63  }
0x5a: {  	_ = 	snop  }
0x5b: {  	[tilespmem:s6], [sflag:$0x5] =	stream.linear.gather [hbm4b:s8+s3], $0x80, $0x38;
	[tilespmem:$0x8100] =	vst v63  }
0x5c: {  	_ =	swait.ge [sflag:s5], $0x80  }
0x5d: {  	[sflag:s5] =	ssyncset.done $0x0  }
0x5e: {  	[sflag:s5] =	ssyncadd.s32 $0xFFFFFF80  }
0x5f: {  	[tilespmem:s9], [sflag:$0x2] =	stream.indirect.gather [hbm4b:s2+s6], $0x80, s6, s6, $0xb8;
	[tilespmem:$0x8100] =	vst v63  }
0x60: {  	_ =	swait.ge [sflag:s10], $0x4000  }
0x61: {  	[sflag:s10] =	ssyncset.done $0x0  }
0x62: {  	[sflag:s10] =	ssyncadd.s32 $0xFFFFC000  }
0x63: {  	[hbm4b:s11+s3] =	stream.linear.scatter [tilespmem:s7], [sflag:$0x3], $0x4000, $0x38;
	[tilespmem:$0x8100] =	vst v63  }
0x64: {  	_ = 	snop  }
0x65: {  	[tilespmem:s3], [sflag:$0x5] =	stream.linear.gather [hbm4b:s12+s3], $0x80, $0x38;
	[tilespmem:$0x8100] =	vst v63  }
0x66: {  	_ =	swait.ge [sflag:s5], $0x80  }
0x67: {  	[sflag:s5] =	ssyncset.done $0x0  }
0x68: {  	[sflag:s5] =	ssyncadd.s32 $0xFFFFFF80  }
0x69: {  	_ =	swait.ge [sflag:s13], $0x4000  }
0x6a: {  	[sflag:s13] =	ssyncset.done $0x0  }
0x6b: {  	[sflag:s13] =	ssyncadd.s32 $0xFFFFC000  }
0x6c: {  	[tilespmem:s7], [sflag:$0x1] =	stream.indirect.gather [hbm4b:s2+s6], $0x80, s3, s6, $0xb8;
	[tilespmem:$0x8100] =	vst v63  }
0x6d: {  	_ =	swait.ge [sflag:s14], $0x4000  }
0x6e: {  	[sflag:s14] =	ssyncset.done $0x0  }
0x6f: {  	[sflag:s14] =	ssyncadd.s32 $0xFFFFC000  }
0x70: {  	[hbm4b:s15+s3] =	stream.linear.scatter [tilespmem:s9], [sflag:$0x4], $0x4000, $0x38;
	[tilespmem:$0x8100] =	vst v63  }
0x71: {  	_ = 	snop  }
0x72: {  	[tilespmem:s6], [sflag:$0x5] =	stream.linear.gather [hbm4b:s16+s3], $0x80, $0x38;
	[tilespmem:$0x8100] =	vst v63  }
0x73: {  	_ =	swait.ge [sflag:s5], $0x80  }
0x74: {  	[sflag:s5] =	ssyncset.done $0x0  }
0x75: {  	[sflag:s5] =	ssyncadd.s32 $0xFFFFFF80  }
0x76: {  	_ =	swait.ge [sflag:s17], $0x4000  }
0x77: {  	[sflag:s17] =	ssyncset.done $0x0  }
0x78: {  	[sflag:s17] =	ssyncadd.s32 $0xFFFFC000  }
0x79: {  	[tilespmem:s9], [sflag:$0x2] =	stream.indirect.gather [hbm4b:s2+s6], $0x80, s6, s6, $0xb8;
	[tilespmem:$0x8100] =	vst v63  }
0x7a: {  	_ =	swait.ge [sflag:s10], $0x4000  }
0x7b: {  	[sflag:s10] =	ssyncset.done $0x0  }
0x7c: {  	[sflag:s10] =	ssyncadd.s32 $0xFFFFC000  }
0x7d: {  	[hbm4b:s18+s3] =	stream.linear.scatter [tilespmem:s7], [sflag:$0x3], $0x4000, $0x38;
	[tilespmem:$0x8100] =	vst v63  }
0x7e: {  	_ = 	snop  }
0x7f: {  	[tilespmem:s3], [sflag:$0x5] =	stream.linear.gather [hbm4b:s19+s3], $0x80, $0x38;
	[tilespmem:$0x8100] =	vst v63  }
0x80: {  	_ =	swait.ge [sflag:s5], $0x80  }
0x81: {  	[sflag:s5] =	ssyncset.done $0x0  }
0x82: {  	[sflag:s5] =	ssyncadd.s32 $0xFFFFFF80  }
0x83: {  	_ =	swait.ge [sflag:s13], $0x4000  }
0x84: {  	[sflag:s13] =	ssyncset.done $0x0  }
0x85: {  	[sflag:s13] =	ssyncadd.s32 $0xFFFFC000  }
0x86: {  	[tilespmem:s7], [sflag:$0x1] =	stream.indirect.gather [hbm4b:s2+s6], $0x80, s3, s6, $0xb8;
	[tilespmem:$0x8100] =	vst v63  }
0x87: {  	_ =	swait.ge [sflag:s14], $0x4000  }
0x88: {  	[sflag:s14] =	ssyncset.done $0x0  }
0x89: {  	[sflag:s14] =	ssyncadd.s32 $0xFFFFC000  }
0x8a: {  	[hbm4b:s20+s3] =	stream.linear.scatter [tilespmem:s9], [sflag:$0x4], $0x4000, $0x38;
	[tilespmem:$0x8100] =	vst v63  }
0x8b: {  	_ = 	snop  }
0x8c: {  	[tilespmem:s6], [sflag:$0x5] =	stream.linear.gather [hbm4b:s21+s3], $0x80, $0x38;
	[tilespmem:$0x8100] =	vst v63  }
0x8d: {  	_ =	swait.ge [sflag:s5], $0x80  }
0x8e: {  	[sflag:s5] =	ssyncset.done $0x0  }
0x8f: {  	[sflag:s5] =	ssyncadd.s32 $0xFFFFFF80  }
0x90: {  	_ =	swait.ge [sflag:s17], $0x4000  }
0x91: {  	[sflag:s17] =	ssyncset.done $0x0  }
0x92: {  	[sflag:s17] =	ssyncadd.s32 $0xFFFFC000  }
0x93: {  	[tilespmem:s9], [sflag:$0x2] =	stream.indirect.gather [hbm4b:s2+s6], $0x80, s6, s6, $0xb8;
	[tilespmem:$0x8100] =	vst v63  }
0x94: {  	_ =	swait.ge [sflag:s10], $0x4000  }
0x95: {  	[sflag:s10] =	ssyncset.done $0x0  }
0x96: {  	[sflag:s10] =	ssyncadd.s32 $0xFFFFC000  }
0x97: {  	[hbm4b:s22+s3] =	stream.linear.scatter [tilespmem:s7], [sflag:$0x3], $0x4000, $0x38;
	[tilespmem:$0x8100] =	vst v63  }
0x98: {  	_ =	swait.ge [sflag:s14], $0x4000  }
0x99: {  	[sflag:s14] =	ssyncset.done $0x0  }
0x9a: {  	[sflag:s14] =	ssyncadd.s32 $0xFFFFC000  }
0x9b: {  	[hbm4b:s23+s3] =	stream.linear.scatter [tilespmem:s9], [sflag:$0x4], $0x4000, $0x38;
	[tilespmem:$0x8100] =	vst v63  }
.Ltmp1:
0x9c: {  	_ =	swait.ge [sflag:s13], $0x4000;
	(pc) =	sbr.rel @p0 .LBB2_1-.Ltmp1, $4  }
0x9d: {  	[sflag:s13] =	ssyncset.done $0x0  }
0x9e: {  	[sflag:s13] =	ssyncadd.s32 $0xFFFFC000  }
0x9f: {  	_ =	swait.ge [sflag:s17], $0x4000  }
0xa0: {  	[sflag:s17] =	ssyncset.done $0x0  }
.LBB2_2:
0xa1: {  	[sflag:s17] =	ssyncadd.s32 $0xFFFFC000  }
0xa2: {  	_ =	sfence.sel $0x180000  }
0xa3: {  	[bflag:$0x0] =	sbarrier.arrive $0xFFFF  }
0xa4: {  	p0 =	sne.s32 s0, $0x0;
	_ =	strace $0x90000047  }
0xa5: {  	s0 =	sadd.s32 @!p0 $0x100000, s1;
	[bflag:$0x2] =	sbarrier.arrive $0xFFFF  }
0xa6: {  	[sflag:s0] =	ssyncadd.tile.s32 @!p0 $0x1;
	_ =	shalt  }
.Lfunc_end2:
_tile_overlayer_lowered:
.L_overlay_start_2:
0xa7: {  	(tag) =	ssettag $0x2  }
0xa8: {  	s0 =	rddreg [dreg:$0x0];
	s2 =	stileid.u32  }
0xa9: {  	s1 =	rddreg [dreg:$0x1];
	p0 =	sne.s32 s2, $0x0  }
0xaa: {  	s3 =	rddreg [dreg:$0x2];
	[bflag:$0x3] =	sbarrier.arrive $0xFFFF;
	s2 =	simm.s32 @!p0 $0x1C05  }
0xab: {  	[timem:s3], [sflag:s2] =	dma.local @!p0 [hbm:s0], s1  }
0xac: {  	s0 =	simm.s32 @!p0 $0x5  }
0xad: {  	_ =	swait.ge @!p0 [sflag:s0], s1  }
0xae: {  	s1 =	ssub.s32 @!p0 $0x0, s1;
	[sflag:s0] =	ssyncset.done @!p0 $0x0  }
0xaf: {  	[sflag:s0] =	ssyncadd.s32 @!p0 s1  }
0xb0: {  	[bflag:$0x3] =	sbarrier.arrive $0xFFFF  }
0xb1: {  	_ =	shalt  }

</sc_bundles>
